<compile_context>
chip_gen: v7x
topology: tpu7x:2x2x1
jax: 0.10.2.dev20260603
libtpu: 0.0.44.dev20260713+nightly
codegen_flags: <defaults>
</compile_context>

<pallas_src>
import functools

import jax
import jax.numpy as jnp
from jax import lax
from jax.experimental import pallas as pl
from jax.experimental.pallas import tpu as pltpu
from jax.experimental.pallas import tpu_sc as plsc

N_NODES = 10000
N_EDGES = 320000
D_FEAT = 128
D_HID = 128
N_LABELS = 64

NC = 2
NS = 16
NW = NC * NS
K = 64
NPAD = 10016
ROWS_PER_TILE = NPAD // NS
SUP = 16
NSUP = 10
C = SUP * NSUP
E_PAD = NW * C * K
EPW = C * K
REAL_PW = N_EDGES // NW
PAD_PW = EPW - REAL_PW
DC = 16


@functools.cache
def _make_sc_aggregate(d, with_counts):
  mesh = plsc.VectorSubcoreMesh(
      core_axis_name="c", subcore_axis_name="s", num_cores=NC, num_subcores=NS
  )

  out_type = [jax.ShapeDtypeStruct((NC, NPAD, d), jnp.float32)]
  scratch = [
      pltpu.VMEM((2 * SUP, K), jnp.int32),
      pltpu.VMEM((2 * SUP, K), jnp.int32),
      pltpu.VMEM((K, d), jnp.float32),
      pltpu.VMEM((K, d), jnp.float32),
      pltpu.VMEM((K, d), jnp.float32),
      pltpu.VMEM((K, d), jnp.float32),
      pltpu.VMEM_SHARED((NPAD, d), jnp.float32),
      pltpu.SemaphoreType.DMA,
      pltpu.SemaphoreType.DMA,
      pltpu.SemaphoreType.DMA,
      pltpu.SemaphoreType.DMA,
      pltpu.SemaphoreType.DMA,
      pltpu.SemaphoreType.DMA,
      pltpu.SemaphoreType.DMA,
      pltpu.SemaphoreType.DMA,
      pltpu.SemaphoreType.DMA,
  ]
  if with_counts:
    out_type.append(jax.ShapeDtypeStruct((NC, NPAD, DC), jnp.float32))
    scratch += [
        pltpu.VMEM((K, DC), jnp.float32),
        pltpu.VMEM_SHARED((NPAD, DC), jnp.float32),
        pltpu.SemaphoreType.DMA,
        pltpu.SemaphoreType.DMA,
        pltpu.SemaphoreType.DMA,
        pltpu.SemaphoreType.DMA,
    ]

  @functools.partial(
      pl.kernel,
      out_type=tuple(out_type),
      mesh=mesh,
      scratch_types=tuple(scratch),
      compiler_params=pltpu.CompilerParams(use_tc_tiling_on_sc=False),
  )
  def sc_aggregate(src_h, dst_h, table_h, zeros_h, *rest):
    if with_counts:
      (zeros_c_h, ones_h, out_h, cout_h,
       srcv, dstv, ra0, ra1, rb0, rb1, acc_sh,
       ga0, ga1, gb0, gb1, sa0, sa1, sb0, sb1, isem,
       ones_v, cnt_sh, ca0, ca1, cb0, cb1) = rest
      csem = ((ca0, ca1), (cb0, cb1))
    else:
      (out_h,
       srcv, dstv, ra0, ra1, rb0, rb1, acc_sh,
       ga0, ga1, gb0, gb1, sa0, sa1, sb0, sb1, isem) = rest

    core = lax.axis_index("c")
    s = lax.axis_index("s")
    wid = s * NC + core
    base = wid * C

    rows = ((ra0, ra1), (rb0, rb1))
    gsem = ((ga0, ga1), (gb0, gb1))
    ssem = ((sa0, sa1), (sb0, sb1))

    with jax.named_scope("zero_stage"):
      pltpu.sync_copy(zeros_h,
                      acc_sh.at[pl.ds(s * ROWS_PER_TILE, ROWS_PER_TILE)])
      if with_counts:
        pltpu.sync_copy(
            zeros_c_h, cnt_sh.at[pl.ds(s * ROWS_PER_TILE, ROWS_PER_TILE)])
        pltpu.sync_copy(ones_h, ones_v)

      pltpu.sync_copy(src_h.at[pl.ds(base, SUP)], srcv.at[pl.ds(0, SUP)])
      pltpu.sync_copy(dst_h.at[pl.ds(base, SUP)], dstv.at[pl.ds(0, SUP)])

    plsc.subcore_barrier()

    for bank in range(2):
      for b in range(2):
        i = 2 * bank + b
        pltpu.async_copy(table_h.at[srcv.at[i]], rows[bank][b],
                         gsem[bank][b])

    def quad(t, q):
      for bank in range(2):
        for b in range(2):
          i = t * SUP + q * 4 + 2 * bank + b
          r = lax.rem(i, 2 * SUP)
          pltpu.make_async_copy(
              table_h.at[srcv.at[r]], rows[bank][b], gsem[bank][b]).wait()
          pltpu.async_copy(
              rows[bank][b], acc_sh.at[dstv.at[r]], ssem[bank][b], add=True)
          if with_counts:
            pltpu.async_copy(
                ones_v, cnt_sh.at[dstv.at[r]], csem[bank][b], add=True)
        for b in range(2):
          i = t * SUP + q * 4 + 2 * bank + b
          r = lax.rem(i, 2 * SUP)
          pltpu.make_async_copy(
              rows[bank][b], acc_sh.at[dstv.at[r]], ssem[bank][b]).wait()
          if with_counts:
            pltpu.make_async_copy(
                ones_v, cnt_sh.at[dstv.at[r]], csem[bank][b]).wait()

          @pl.when(i + 4 < C)
          def _():
            rn = lax.rem(i + 4, 2 * SUP)
            pltpu.async_copy(
                table_h.at[srcv.at[rn]], rows[bank][b], gsem[bank][b])

    def superstep(t, carry):
      nxt = lax.rem((t + 1) * SUP, 2 * SUP)

      @pl.when(t + 1 < NSUP)
      def _():
        pltpu.async_copy(src_h.at[pl.ds(base + (t + 1) * SUP, SUP)],
                         srcv.at[pl.ds(nxt, SUP)], isem)
        pltpu.async_copy(dst_h.at[pl.ds(base + (t + 1) * SUP, SUP)],
                         dstv.at[pl.ds(nxt, SUP)], isem)

      def inner(q, carry2):
        quad(t, q)
        return carry2

      lax.fori_loop(0, 3, inner, 0)

      @pl.when(t + 1 < NSUP)
      def _():
        pltpu.make_async_copy(src_h.at[pl.ds(base + (t + 1) * SUP, SUP)],
                              srcv.at[pl.ds(nxt, SUP)], isem).wait()
        pltpu.make_async_copy(dst_h.at[pl.ds(base + (t + 1) * SUP, SUP)],
                              dstv.at[pl.ds(nxt, SUP)], isem).wait()

      quad(t, 3)
      return carry

    with jax.named_scope("edge_loop"):
      lax.fori_loop(0, NSUP, superstep, 0)

    plsc.subcore_barrier()

    with jax.named_scope("publish"):
      pltpu.sync_copy(
          acc_sh.at[pl.ds(s * ROWS_PER_TILE, ROWS_PER_TILE)],
          out_h.at[core, pl.ds(s * ROWS_PER_TILE, ROWS_PER_TILE)],
      )
      if with_counts:
        pltpu.sync_copy(
            cnt_sh.at[pl.ds(s * ROWS_PER_TILE, ROWS_PER_TILE)],
            cout_h.at[core, pl.ds(s * ROWS_PER_TILE, ROWS_PER_TILE)],
        )

  return sc_aggregate


BN = 2504


def _layer1_body(parts_ref, cnt_ref, x_ref, wl_ref, wr_ref, b_ref,
                 h_ref, inv_ref):
  cnt = cnt_ref[0, :, 0:1] + cnt_ref[1, :, 0:1]
  inv = 1.0 / jnp.maximum(cnt, 1.0)
  agg = (parts_ref[0] + parts_ref[1]) * inv
  h = jnp.dot(agg, wl_ref[...], preferred_element_type=jnp.float32)
  h += jnp.dot(x_ref[...], wr_ref[...], preferred_element_type=jnp.float32)
  h += b_ref[...]
  h_ref[...] = jnp.maximum(h, 0.0)
  inv_ref[...] = jnp.broadcast_to(inv, (BN, D_HID))


def _layer2_body(parts_ref, h_ref, inv_ref, wl_ref, wr_ref, b_ref, o_ref):
  agg = (parts_ref[0] + parts_ref[1]) * inv_ref[:, 0:1]
  o = jnp.dot(agg, wl_ref[...], preferred_element_type=jnp.float32)
  o += jnp.dot(h_ref[...], wr_ref[...], preferred_element_type=jnp.float32)
  o_ref[...] = o + b_ref[...]


def _tc_layer1(parts, cnts, x_pad, W1_l, W1_r, b1):
  grid = (NPAD // BN,)
  return pl.pallas_call(
      _layer1_body,
      grid=grid,
      in_specs=[
          pl.BlockSpec((NC, BN, D_FEAT), lambda i: (0, i, 0)),
          pl.BlockSpec((NC, BN, DC), lambda i: (0, i, 0)),
          pl.BlockSpec((BN, D_FEAT), lambda i: (i, 0)),
          pl.BlockSpec((D_FEAT, D_HID), lambda i: (0, 0)),
          pl.BlockSpec((D_FEAT, D_HID), lambda i: (0, 0)),
          pl.BlockSpec((1, D_HID), lambda i: (0, 0)),
      ],
      out_specs=[
          pl.BlockSpec((BN, D_HID), lambda i: (i, 0)),
          pl.BlockSpec((BN, D_HID), lambda i: (i, 0)),
      ],
      out_shape=[
          jax.ShapeDtypeStruct((NPAD, D_HID), jnp.float32),
          jax.ShapeDtypeStruct((NPAD, D_HID), jnp.float32),
      ],
  )(parts, cnts, x_pad, W1_l, W1_r, b1)


def _tc_layer2(parts, h, inv_b, W2_l, W2_r, b2):
  grid = (NPAD // BN,)
  return pl.pallas_call(
      _layer2_body,
      grid=grid,
      in_specs=[
          pl.BlockSpec((NC, BN, D_HID), lambda i: (0, i, 0)),
          pl.BlockSpec((BN, D_HID), lambda i: (i, 0)),
          pl.BlockSpec((BN, D_HID), lambda i: (i, 0)),
          pl.BlockSpec((D_HID, N_LABELS), lambda i: (0, 0)),
          pl.BlockSpec((D_HID, N_LABELS), lambda i: (0, 0)),
          pl.BlockSpec((1, N_LABELS), lambda i: (0, 0)),
      ],
      out_specs=pl.BlockSpec((BN, N_LABELS), lambda i: (i, 0)),
      out_shape=jax.ShapeDtypeStruct((NPAD, N_LABELS), jnp.float32),
  )(parts, h, inv_b, W2_l, W2_r, b2)


def kernel(x, edge_index, W1_l, W1_r, b1, W2_l, W2_r, b2):
  src = edge_index[0].astype(jnp.int32)
  dst = edge_index[1].astype(jnp.int32)
  sentinel = (N_NODES + jnp.arange(NW, dtype=jnp.int32)[:, None] // NC
              ) * jnp.ones((NW, PAD_PW), jnp.int32)
  src_p = jnp.concatenate(
      [src.reshape(NW, REAL_PW), sentinel], axis=1).reshape(NW * C, K)
  dst_p = jnp.concatenate(
      [dst.reshape(NW, REAL_PW), sentinel], axis=1).reshape(NW * C, K)

  x_pad = jnp.zeros((NPAD, D_FEAT), jnp.float32).at[:N_NODES].set(x)

  zeros_d = jnp.zeros((ROWS_PER_TILE, D_FEAT), jnp.float32)
  zeros_c = jnp.zeros((ROWS_PER_TILE, DC), jnp.float32)
  ones_b = jnp.ones((K, DC), jnp.float32)

  parts1, cnts = _make_sc_aggregate(D_FEAT, True)(
      src_p, dst_p, x_pad, zeros_d, zeros_c, ones_b)
  h, inv_b = _tc_layer1(parts1, cnts, x_pad, W1_l, W1_r,
                        b1.reshape(1, D_HID))
  (parts2,) = _make_sc_aggregate(D_HID, False)(src_p, dst_p, h, zeros_d)
  out = _tc_layer2(parts2, h, inv_b, W2_l, W2_r, b2.reshape(1, N_LABELS))
  return out[:N_NODES]

# --- scband reference (transcript-rebuilt; emitter-appended) ---
"""Pipeline reference for scband-graph-sage-22935125360936 (READ-ONLY COPY).

The authoritative reference and input builder live on the scoring server;
editing this copy changes nothing except your own understanding.
"""

import jax, jax.numpy as jnp
import numpy as np

N_NODES = 10000
N_EDGES = 320000
D_FEAT = 128
D_HID = 128
N_LABELS = 64


def setup_inputs(seed: int = 0) -> dict:
    key = jax.random.key(seed)
    ks = jax.random.split(key, 8)
    x = jax.random.normal(ks[0], (N_NODES, D_FEAT), dtype=jnp.float32)
    edge_index = jax.random.randint(ks[1], (2, N_EDGES), 0, N_NODES, dtype=jnp.int64)
    s1 = 1.0 / np.sqrt(D_FEAT)
    s2 = 1.0 / np.sqrt(D_HID)
    W1_l = jax.random.uniform(ks[2], (D_FEAT, D_HID), minval=-s1, maxval=s1, dtype=jnp.float32)
    W1_r = jax.random.uniform(ks[3], (D_FEAT, D_HID), minval=-s1, maxval=s1, dtype=jnp.float32)
    b1 = jnp.zeros((D_HID,), dtype=jnp.float32)
    W2_l = jax.random.uniform(ks[4], (D_HID, N_LABELS), minval=-s2, maxval=s2, dtype=jnp.float32)
    W2_r = jax.random.uniform(ks[5], (D_HID, N_LABELS), minval=-s2, maxval=s2, dtype=jnp.float32)
    b2 = jnp.zeros((N_LABELS,), dtype=jnp.float32)
    return {"x": x, "edge_index": edge_index, "W1_l": W1_l, "W1_r": W1_r, "b1": b1,
            "W2_l": W2_l, "W2_r": W2_r, "b2": b2}


def _sage_conv(h, src, dst, W_l, W_r, b):
    # PyG-style SAGEConv with mean aggregation:
    # out_i = W_l @ mean_{j in N(i)} h_j + W_r @ h_i + b
    n = h.shape[0]
    msg = jnp.take(h, src, axis=0)
    agg = jax.ops.segment_sum(msg, dst, num_segments=n)
    cnt = jax.ops.segment_sum(jnp.ones((src.shape[0],), dtype=h.dtype), dst, num_segments=n)
    agg = agg / jnp.maximum(cnt, 1.0)[:, None]
    return agg @ W_l + h @ W_r + b


def reference(x, edge_index, W1_l, W1_r, b1, W2_l, W2_r, b2):
    src = edge_index[0]
    dst = edge_index[1]
    h = _sage_conv(x, src, dst, W1_l, W1_r, b1)
    h = jax.nn.relu(h)
    # dropout p=0.0 (eval) -> identity
    out = _sage_conv(h, src, dst, W2_l, W2_r, b2)
    return out

if __name__ == "__main__":
    import jax
    _d = setup_inputs()
    print(jax.jit(kernel)(*tuple(_d.values())))

</pallas_src>

<mosaic_0001>
#map = affine_map<(d0, d1) -> (0, 0)>
#map1 = affine_map<(d0, d1) -> (0, 0, 0)>
module attributes {stable_mosaic.version = 14 : i64} {
  func.func @sc_aggregate(%arg0: i32, %arg1: i32, %arg2: memref<5120x64xi32, #tpu.memory_space<hbm>>, %arg3: memref<5120x64xi32, #tpu.memory_space<hbm>>, %arg4: memref<10016x128xf32, #tpu.memory_space<hbm>>, %arg5: memref<626x128xf32, #tpu.memory_space<hbm>>, %arg6: memref<2x10016x128xf32, #tpu.memory_space<hbm>>, %arg7: memref<32x64xi32, #tpu.memory_space<vmem>>, %arg8: memref<32x64xi32, #tpu.memory_space<vmem>>, %arg9: memref<64x128xf32, #tpu.memory_space<vmem>>, %arg10: memref<64x128xf32, #tpu.memory_space<vmem>>, %arg11: memref<64x128xf32, #tpu.memory_space<vmem>>, %arg12: memref<64x128xf32, #tpu.memory_space<vmem>>, %arg13: memref<10016x128xf32, #tpu.memory_space<vmem_shared>>, %arg14: memref<!tpu.dma_semaphore, #tpu.memory_space<semaphore_mem>>, %arg15: memref<!tpu.dma_semaphore, #tpu.memory_space<semaphore_mem>>, %arg16: memref<!tpu.dma_semaphore, #tpu.memory_space<semaphore_mem>>, %arg17: memref<!tpu.dma_semaphore, #tpu.memory_space<semaphore_mem>>, %arg18: memref<!tpu.dma_semaphore, #tpu.memory_space<semaphore_mem>>, %arg19: memref<!tpu.dma_semaphore, #tpu.memory_space<semaphore_mem>>, %arg20: memref<!tpu.dma_semaphore, #tpu.memory_space<semaphore_mem>>, %arg21: memref<!tpu.dma_semaphore, #tpu.memory_space<semaphore_mem>>, %arg22: memref<!tpu.dma_semaphore, #tpu.memory_space<semaphore_mem>>) attributes {dimension_semantics = [#tpu.dimension_semantics<core_parallel>, #tpu.dimension_semantics<subcore_parallel>], iteration_bounds = array<i64: 2, 16>, scalar_prefetch = 0 : i64, scratch_operands = 16 : i64, tpu.core_type = #tpu.core_type<sc_vector_subcore>, window_params = [{transform_indices = #map}, {transform_indices = #map}, {transform_indices = #map}, {transform_indices = #map}, {transform_indices = #map1}]} {
    %mul3A = arith.constant 2 : i32
    %mul3A_0 = arith.muli %arg1, %mul3A : i32
    %add3A = arith.addi %mul3A_0, %arg0 : i32
    %mul3A_1 = arith.constant 160 : i32
    %mul3A_2 = arith.muli %add3A, %mul3A_1 : i32
    "tpu.trace_start"() <{level = 10 : i32, message = "zero_stage"}> : () -> ()
    %mul3A_3 = arith.constant 626 : i32
    %mul3A_4 = arith.muli %arg1, %mul3A_3 : i32
    "tpu.region"() ({
      %run_scoped3A = tpu.sem_alloc : memref<!tpu.dma_semaphore, #tpu.memory_space<semaphore_mem>>
      %dma_start3A_42 = arith.constant 0 : i32
      %dma_start3A_43 = tpu.memref_slice %arg13[%mul3A_4, %dma_start3A_42] : memref<10016x128xf32, #tpu.memory_space<vmem_shared>> -> memref<626x128xf32, #tpu.memory_space<vmem_shared>>
      tpu.enqueue_dma source(%arg5 : memref<626x128xf32, #tpu.memory_space<hbm>>) target(%dma_start3A_43 : memref<626x128xf32, #tpu.memory_space<vmem_shared>>) target_semaphore(%run_scoped3A : memref<!tpu.dma_semaphore, #tpu.memory_space<semaphore_mem>>)
      %dma_wait3A = arith.constant 0 : i32
      %dma_wait3A_44 = tpu.memref_slice %arg13[%mul3A_4, %dma_wait3A] : memref<10016x128xf32, #tpu.memory_space<vmem_shared>> -> memref<626x128xf32, #tpu.memory_space<vmem_shared>>
      tpu.wait_dma2 semaphore(%run_scoped3A : memref<!tpu.dma_semaphore, #tpu.memory_space<semaphore_mem>>) src(%arg5 : memref<626x128xf32, #tpu.memory_space<hbm>>) dst(%dma_wait3A_44 : memref<626x128xf32, #tpu.memory_space<vmem_shared>>)
      tpu.yield
    }) : () -> ()
    "tpu.region"() ({
      %run_scoped3A = tpu.sem_alloc : memref<!tpu.dma_semaphore, #tpu.memory_space<semaphore_mem>>
      %dma_start3A_42 = arith.constant 0 : i32
      %dma_start3A_43 = arith.constant 0 : i32
      %dma_start3A_44 = tpu.memref_slice %arg7[%dma_start3A_42, %dma_start3A_43] : memref<32x64xi32, #tpu.memory_space<vmem>> -> memref<16x64xi32, #tpu.memory_space<vmem>>
      %dma_start3A_45 = arith.constant 0 : i32
      %dma_start3A_46 = tpu.memref_slice %arg2[%mul3A_2, %dma_start3A_45] : memref<5120x64xi32, #tpu.memory_space<hbm>> -> memref<16x64xi32, #tpu.memory_space<hbm>>
      %dma_start3A_47 = arith.constant 0 : i32
      %dma_start3A_48 = arith.constant 0 : i32
      %dma_start3A_49 = tpu.memref_slice %arg7[%dma_start3A_47, %dma_start3A_48] : memref<32x64xi32, #tpu.memory_space<vmem>> -> memref<16x64xi32, #tpu.memory_space<vmem>>
      %dma_start3A_50 = arith.constant 0 : i32
      %dma_start3A_51 = tpu.memref_slice %arg2[%mul3A_2, %dma_start3A_50] : memref<5120x64xi32, #tpu.memory_space<hbm>> -> memref<16x64xi32, #tpu.memory_space<hbm>>
      tpu.enqueue_dma source(%dma_start3A_51 : memref<16x64xi32, #tpu.memory_space<hbm>>) target(%dma_start3A_49 : memref<16x64xi32, #tpu.memory_space<vmem>>) target_semaphore(%run_scoped3A : memref<!tpu.dma_semaphore, #tpu.memory_space<semaphore_mem>>)
      %dma_wait3A = arith.constant 0 : i32
      %dma_wait3A_52 = arith.constant 0 : i32
      %dma_wait3A_53 = tpu.memref_slice %arg7[%dma_wait3A, %dma_wait3A_52] : memref<32x64xi32, #tpu.memory_space<vmem>> -> memref<16x64xi32, #tpu.memory_space<vmem>>
      %dma_wait3A_54 = arith.constant 0 : i32
      %dma_wait3A_55 = tpu.memref_slice %arg2[%mul3A_2, %dma_wait3A_54] : memref<5120x64xi32, #tpu.memory_space<hbm>> -> memref<16x64xi32, #tpu.memory_space<hbm>>
      %dma_wait3A_56 = arith.constant 0 : i32
      %dma_wait3A_57 = arith.constant 0 : i32
      %dma_wait3A_58 = tpu.memref_slice %arg7[%dma_wait3A_56, %dma_wait3A_57] : memref<32x64xi32, #tpu.memory_space<vmem>> -> memref<16x64xi32, #tpu.memory_space<vmem>>
      %dma_wait3A_59 = arith.constant 0 : i32
      %dma_wait3A_60 = tpu.memref_slice %arg2[%mul3A_2, %dma_wait3A_59] : memref<5120x64xi32, #tpu.memory_space<hbm>> -> memref<16x64xi32, #tpu.memory_space<hbm>>
      tpu.wait_dma2 semaphore(%run_scoped3A : memref<!tpu.dma_semaphore, #tpu.memory_space<semaphore_mem>>) src(%dma_wait3A_60 : memref<16x64xi32, #tpu.memory_space<hbm>>) dst(%dma_wait3A_58 : memref<16x64xi32, #tpu.memory_space<vmem>>)
      tpu.yield
    }) : () -> ()
    "tpu.region"() ({
      %run_scoped3A = tpu.sem_alloc : memref<!tpu.dma_semaphore, #tpu.memory_space<semaphore_mem>>
      %dma_start3A_42 = arith.constant 0 : i32
      %dma_start3A_43 = arith.constant 0 : i32
      %dma_start3A_44 = tpu.memref_slice %arg8[%dma_start3A_42, %dma_start3A_43] : memref<32x64xi32, #tpu.memory_space<vmem>> -> memref<16x64xi32, #tpu.memory_space<vmem>>
      %dma_start3A_45 = arith.constant 0 : i32
      %dma_start3A_46 = tpu.memref_slice %arg3[%mul3A_2, %dma_start3A_45] : memref<5120x64xi32, #tpu.memory_space<hbm>> -> memref<16x64xi32, #tpu.memory_space<hbm>>
      %dma_start3A_47 = arith.constant 0 : i32
      %dma_start3A_48 = arith.constant 0 : i32
      %dma_start3A_49 = tpu.memref_slice %arg8[%dma_start3A_47, %dma_start3A_48] : memref<32x64xi32, #tpu.memory_space<vmem>> -> memref<16x64xi32, #tpu.memory_space<vmem>>
      %dma_start3A_50 = arith.constant 0 : i32
      %dma_start3A_51 = tpu.memref_slice %arg3[%mul3A_2, %dma_start3A_50] : memref<5120x64xi32, #tpu.memory_space<hbm>> -> memref<16x64xi32, #tpu.memory_space<hbm>>
      tpu.enqueue_dma source(%dma_start3A_51 : memref<16x64xi32, #tpu.memory_space<hbm>>) target(%dma_start3A_49 : memref<16x64xi32, #tpu.memory_space<vmem>>) target_semaphore(%run_scoped3A : memref<!tpu.dma_semaphore, #tpu.memory_space<semaphore_mem>>)
      %dma_wait3A = arith.constant 0 : i32
      %dma_wait3A_52 = arith.constant 0 : i32
      %dma_wait3A_53 = tpu.memref_slice %arg8[%dma_wait3A, %dma_wait3A_52] : memref<32x64xi32, #tpu.memory_space<vmem>> -> memref<16x64xi32, #tpu.memory_space<vmem>>
      %dma_wait3A_54 = arith.constant 0 : i32
      %dma_wait3A_55 = tpu.memref_slice %arg3[%mul3A_2, %dma_wait3A_54] : memref<5120x64xi32, #tpu.memory_space<hbm>> -> memref<16x64xi32, #tpu.memory_space<hbm>>
      %dma_wait3A_56 = arith.constant 0 : i32
      %dma_wait3A_57 = arith.constant 0 : i32
      %dma_wait3A_58 = tpu.memref_slice %arg8[%dma_wait3A_56, %dma_wait3A_57] : memref<32x64xi32, #tpu.memory_space<vmem>> -> memref<16x64xi32, #tpu.memory_space<vmem>>
      %dma_wait3A_59 = arith.constant 0 : i32
      %dma_wait3A_60 = tpu.memref_slice %arg3[%mul3A_2, %dma_wait3A_59] : memref<5120x64xi32, #tpu.memory_space<hbm>> -> memref<16x64xi32, #tpu.memory_space<hbm>>
      tpu.wait_dma2 semaphore(%run_scoped3A : memref<!tpu.dma_semaphore, #tpu.memory_space<semaphore_mem>>) src(%dma_wait3A_60 : memref<16x64xi32, #tpu.memory_space<hbm>>) dst(%dma_wait3A_58 : memref<16x64xi32, #tpu.memory_space<vmem>>)
      tpu.yield
    }) : () -> ()
    "tpu.trace_stop"() : () -> ()
    %barrier3A = arith.constant 0 : index
    tpu.barrier barrier_id(%barrier3A)
    %dma_start3A = arith.constant 0 : i32
    %dma_start3A_5 = arith.constant 0 : i32
    %dma_start3A_6 = tpu.memref_slice %arg7[%dma_start3A, %dma_start3A_5] : memref<32x64xi32, #tpu.memory_space<vmem>> -> memref<1x64xi32, #tpu.memory_space<vmem>>
    %dma_start3A_7 = tpu.memref_squeeze %dma_start3A_6 : memref<1x64xi32, #tpu.memory_space<vmem>> -> memref<64xi32, #tpu.memory_space<vmem>>
    %dma_start3A_8 = arith.constant 0 : i32
    %dma_start3A_9 = arith.constant 0 : i32
    %dma_start3A_10 = tpu.memref_slice %arg4[%dma_start3A_8, %dma_start3A_9] : memref<10016x128xf32, #tpu.memory_space<hbm>> -> memref<10016x128xf32, #tpu.memory_space<hbm>>
    tpu.enqueue_indirect_dma source(%dma_start3A_10 : memref<10016x128xf32, #tpu.memory_space<hbm>>) target(%arg9 : memref<64x128xf32, #tpu.memory_space<vmem>>) offsets(%dma_start3A_7 : memref<64xi32, #tpu.memory_space<vmem>>) semaphore(%arg14 : memref<!tpu.dma_semaphore, #tpu.memory_space<semaphore_mem>>)
    %dma_start3A_11 = arith.constant 1 : i32
    %dma_start3A_12 = arith.constant 0 : i32
    %dma_start3A_13 = tpu.memref_slice %arg7[%dma_start3A_11, %dma_start3A_12] : memref<32x64xi32, #tpu.memory_space<vmem>> -> memref<1x64xi32, #tpu.memory_space<vmem>>
    %dma_start3A_14 = tpu.memref_squeeze %dma_start3A_13 : memref<1x64xi32, #tpu.memory_space<vmem>> -> memref<64xi32, #tpu.memory_space<vmem>>
    %dma_start3A_15 = arith.constant 0 : i32
    %dma_start3A_16 = arith.constant 0 : i32
    %dma_start3A_17 = tpu.memref_slice %arg4[%dma_start3A_15, %dma_start3A_16] : memref<10016x128xf32, #tpu.memory_space<hbm>> -> memref<10016x128xf32, #tpu.memory_space<hbm>>
    tpu.enqueue_indirect_dma source(%dma_start3A_17 : memref<10016x128xf32, #tpu.memory_space<hbm>>) target(%arg10 : memref<64x128xf32, #tpu.memory_space<vmem>>) offsets(%dma_start3A_14 : memref<64xi32, #tpu.memory_space<vmem>>) semaphore(%arg15 : memref<!tpu.dma_semaphore, #tpu.memory_space<semaphore_mem>>)
    %dma_start3A_18 = arith.constant 2 : i32
    %dma_start3A_19 = arith.constant 0 : i32
    %dma_start3A_20 = tpu.memref_slice %arg7[%dma_start3A_18, %dma_start3A_19] : memref<32x64xi32, #tpu.memory_space<vmem>> -> memref<1x64xi32, #tpu.memory_space<vmem>>
    %dma_start3A_21 = tpu.memref_squeeze %dma_start3A_20 : memref<1x64xi32, #tpu.memory_space<vmem>> -> memref<64xi32, #tpu.memory_space<vmem>>
    %dma_start3A_22 = arith.constant 0 : i32
    %dma_start3A_23 = arith.constant 0 : i32
    %dma_start3A_24 = tpu.memref_slice %arg4[%dma_start3A_22, %dma_start3A_23] : memref<10016x128xf32, #tpu.memory_space<hbm>> -> memref<10016x128xf32, #tpu.memory_space<hbm>>
    tpu.enqueue_indirect_dma source(%dma_start3A_24 : memref<10016x128xf32, #tpu.memory_space<hbm>>) target(%arg11 : memref<64x128xf32, #tpu.memory_space<vmem>>) offsets(%dma_start3A_21 : memref<64xi32, #tpu.memory_space<vmem>>) semaphore(%arg16 : memref<!tpu.dma_semaphore, #tpu.memory_space<semaphore_mem>>)
    %dma_start3A_25 = arith.constant 3 : i32
    %dma_start3A_26 = arith.constant 0 : i32
    %dma_start3A_27 = tpu.memref_slice %arg7[%dma_start3A_25, %dma_start3A_26] : memref<32x64xi32, #tpu.memory_space<vmem>> -> memref<1x64xi32, #tpu.memory_space<vmem>>
    %dma_start3A_28 = tpu.memref_squeeze %dma_start3A_27 : memref<1x64xi32, #tpu.memory_space<vmem>> -> memref<64xi32, #tpu.memory_space<vmem>>
    %dma_start3A_29 = arith.constant 0 : i32
    %dma_start3A_30 = arith.constant 0 : i32
    %dma_start3A_31 = tpu.memref_slice %arg4[%dma_start3A_29, %dma_start3A_30] : memref<10016x128xf32, #tpu.memory_space<hbm>> -> memref<10016x128xf32, #tpu.memory_space<hbm>>
    tpu.enqueue_indirect_dma source(%dma_start3A_31 : memref<10016x128xf32, #tpu.memory_space<hbm>>) target(%arg12 : memref<64x128xf32, #tpu.memory_space<vmem>>) offsets(%dma_start3A_28 : memref<64xi32, #tpu.memory_space<vmem>>) semaphore(%arg17 : memref<!tpu.dma_semaphore, #tpu.memory_space<semaphore_mem>>)
    "tpu.trace_start"() <{level = 10 : i32, message = "edge_loop"}> : () -> ()
    %scan3A = arith.constant 0 : i32
    %scan3A_32 = arith.constant 0 : i32
    %scan3A_33 = arith.constant 10 : i32
    %scan3A_34 = arith.addi %scan3A_32, %scan3A_33 : i32
    %scan3A_35 = arith.constant 1 : i32
    scf.for %scan3A_42 = %scan3A_32 to %scan3A_34 step %scan3A_35  : i32 {
      %add3A_43 = arith.constant 1 : i32
      %add3A_44 = arith.addi %scan3A_42, %add3A_43 : i32
      %mul3A_45 = arith.constant 16 : i32
      %mul3A_46 = arith.muli %add3A_44, %mul3A_45 : i32
      %rem3A = arith.constant 32 : i32
      %rem3A_47 = arith.remsi %mul3A_46, %rem3A : i32
      %add3A_48 = arith.constant 1 : i32
      %add3A_49 = arith.addi %scan3A_42, %add3A_48 : i32
      %lt3A = arith.constant 10 : i32
      %lt3A_50 = arith.cmpi slt, %add3A_49, %lt3A : i32
      %convert_element_type3A = arith.extui %lt3A_50 : i1 to i32
      %cond3A = arith.constant 0 : i32
      %cond3A_51 = arith.cmpi ne, %convert_element_type3A, %cond3A : i32
      scf.if %cond3A_51 {
        %add3A_244 = arith.constant 1 : i32
        %add3A_245 = arith.addi %scan3A_42, %add3A_244 : i32
        %mul3A_246 = arith.constant 16 : i32
        %mul3A_247 = arith.muli %add3A_245, %mul3A_246 : i32
        %add3A_248 = arith.addi %mul3A_2, %mul3A_247 : i32
        %dma_start3A_249 = arith.constant 0 : i32
        %dma_start3A_250 = tpu.memref_slice %arg7[%rem3A_47, %dma_start3A_249] : memref<32x64xi32, #tpu.memory_space<vmem>> -> memref<16x64xi32, #tpu.memory_space<vmem>>
        %dma_start3A_251 = arith.constant 0 : i32
        %dma_start3A_252 = tpu.memref_slice %arg2[%add3A_248, %dma_start3A_251] : memref<5120x64xi32, #tpu.memory_space<hbm>> -> memref<16x64xi32, #tpu.memory_space<hbm>>
        %dma_start3A_253 = arith.constant 0 : i32
        %dma_start3A_254 = tpu.memref_slice %arg7[%rem3A_47, %dma_start3A_253] : memref<32x64xi32, #tpu.memory_space<vmem>> -> memref<16x64xi32, #tpu.memory_space<vmem>>
        %dma_start3A_255 = arith.constant 0 : i32
        %dma_start3A_256 = tpu.memref_slice %arg2[%add3A_248, %dma_start3A_255] : memref<5120x64xi32, #tpu.memory_space<hbm>> -> memref<16x64xi32, #tpu.memory_space<hbm>>
        tpu.enqueue_dma source(%dma_start3A_256 : memref<16x64xi32, #tpu.memory_space<hbm>>) target(%dma_start3A_254 : memref<16x64xi32, #tpu.memory_space<vmem>>) target_semaphore(%arg22 : memref<!tpu.dma_semaphore, #tpu.memory_space<semaphore_mem>>)
        %add3A_257 = arith.constant 1 : i32
        %add3A_258 = arith.addi %scan3A_42, %add3A_257 : i32
        %mul3A_259 = arith.constant 16 : i32
        %mul3A_260 = arith.muli %add3A_258, %mul3A_259 : i32
        %add3A_261 = arith.addi %mul3A_2, %mul3A_260 : i32
        %dma_start3A_262 = arith.constant 0 : i32
        %dma_start3A_263 = tpu.memref_slice %arg8[%rem3A_47, %dma_start3A_262] : memref<32x64xi32, #tpu.memory_space<vmem>> -> memref<16x64xi32, #tpu.memory_space<vmem>>
        %dma_start3A_264 = arith.constant 0 : i32
        %dma_start3A_265 = tpu.memref_slice %arg3[%add3A_261, %dma_start3A_264] : memref<5120x64xi32, #tpu.memory_space<hbm>> -> memref<16x64xi32, #tpu.memory_space<hbm>>
        %dma_start3A_266 = arith.constant 0 : i32
        %dma_start3A_267 = tpu.memref_slice %arg8[%rem3A_47, %dma_start3A_266] : memref<32x64xi32, #tpu.memory_space<vmem>> -> memref<16x64xi32, #tpu.memory_space<vmem>>
        %dma_start3A_268 = arith.constant 0 : i32
        %dma_start3A_269 = tpu.memref_slice %arg3[%add3A_261, %dma_start3A_268] : memref<5120x64xi32, #tpu.memory_space<hbm>> -> memref<16x64xi32, #tpu.memory_space<hbm>>
        tpu.enqueue_dma source(%dma_start3A_269 : memref<16x64xi32, #tpu.memory_space<hbm>>) target(%dma_start3A_267 : memref<16x64xi32, #tpu.memory_space<vmem>>) target_semaphore(%arg22 : memref<!tpu.dma_semaphore, #tpu.memory_space<semaphore_mem>>)
      } else {
      }
      %scan3A_52 = arith.constant 0 : i32
      %scan3A_53 = arith.constant 0 : i32
      %scan3A_54 = arith.constant 3 : i32
      %scan3A_55 = arith.addi %scan3A_53, %scan3A_54 : i32
      %scan3A_56 = arith.constant 1 : i32
      scf.for %scan3A_244 = %scan3A_53 to %scan3A_55 step %scan3A_56  : i32 {
        %mul3A_245 = arith.constant 16 : i32
        %mul3A_246 = arith.muli %scan3A_42, %mul3A_245 : i32
        %mul3A_247 = arith.constant 4 : i32
        %mul3A_248 = arith.muli %scan3A_244, %mul3A_247 : i32
        %add3A_249 = arith.addi %mul3A_246, %mul3A_248 : i32
        %add3A_250 = arith.constant 0 : i32
        %add3A_251 = arith.addi %add3A_249, %add3A_250 : i32
        %add3A_252 = arith.constant 0 : i32
        %add3A_253 = arith.addi %add3A_251, %add3A_252 : i32
        %rem3A_254 = arith.constant 32 : i32
        %rem3A_255 = arith.remsi %add3A_253, %rem3A_254 : i32
        %dma_wait3A_256 = arith.constant 0 : i32
        %dma_wait3A_257 = tpu.memref_slice %arg7[%rem3A_255, %dma_wait3A_256] : memref<32x64xi32, #tpu.memory_space<vmem>> -> memref<1x64xi32, #tpu.memory_space<vmem>>
        %dma_wait3A_258 = tpu.memref_squeeze %dma_wait3A_257 : memref<1x64xi32, #tpu.memory_space<vmem>> -> memref<64xi32, #tpu.memory_space<vmem>>
        %dma_wait3A_259 = arith.constant 0 : i32
        %dma_wait3A_260 = arith.constant 0 : i32
        %dma_wait3A_261 = tpu.memref_slice %arg4[%dma_wait3A_259, %dma_wait3A_260] : memref<10016x128xf32, #tpu.memory_space<hbm>> -> memref<10016x128xf32, #tpu.memory_space<hbm>>
        tpu.wait_indirect_dma semaphore(%arg14 : memref<!tpu.dma_semaphore, #tpu.memory_space<semaphore_mem>>) src(%dma_wait3A_261 : memref<10016x128xf32, #tpu.memory_space<hbm>>) dst(%arg9 : memref<64x128xf32, #tpu.memory_space<vmem>>)
        %dma_start3A_262 = arith.constant 0 : i32
        %dma_start3A_263 = tpu.memref_slice %arg8[%rem3A_255, %dma_start3A_262] : memref<32x64xi32, #tpu.memory_space<vmem>> -> memref<1x64xi32, #tpu.memory_space<vmem>>
        %dma_start3A_264 = tpu.memref_squeeze %dma_start3A_263 : memref<1x64xi32, #tpu.memory_space<vmem>> -> memref<64xi32, #tpu.memory_space<vmem>>
        %dma_start3A_265 = arith.constant 0 : i32
        %dma_start3A_266 = arith.constant 0 : i32
        %dma_start3A_267 = tpu.memref_slice %arg13[%dma_start3A_265, %dma_start3A_266] : memref<10016x128xf32, #tpu.memory_space<vmem_shared>> -> memref<10016x128xf32, #tpu.memory_space<vmem_shared>>
        tpu.enqueue_indirect_dma source(%arg9 : memref<64x128xf32, #tpu.memory_space<vmem>>) target(%dma_start3A_267 : memref<10016x128xf32, #tpu.memory_space<vmem_shared>>) offsets(%dma_start3A_264 : memref<64xi32, #tpu.memory_space<vmem>>) semaphore(%arg18 : memref<!tpu.dma_semaphore, #tpu.memory_space<semaphore_mem>>) {add = true}
        %mul3A_268 = arith.constant 16 : i32
        %mul3A_269 = arith.muli %scan3A_42, %mul3A_268 : i32
        %mul3A_270 = arith.constant 4 : i32
        %mul3A_271 = arith.muli %scan3A_244, %mul3A_270 : i32
        %add3A_272 = arith.addi %mul3A_269, %mul3A_271 : i32
        %add3A_273 = arith.constant 0 : i32
        %add3A_274 = arith.addi %add3A_272, %add3A_273 : i32
        %add3A_275 = arith.constant 1 : i32
        %add3A_276 = arith.addi %add3A_274, %add3A_275 : i32
        %rem3A_277 = arith.constant 32 : i32
        %rem3A_278 = arith.remsi %add3A_276, %rem3A_277 : i32
        %dma_wait3A_279 = arith.constant 0 : i32
        %dma_wait3A_280 = tpu.memref_slice %arg7[%rem3A_278, %dma_wait3A_279] : memref<32x64xi32, #tpu.memory_space<vmem>> -> memref<1x64xi32, #tpu.memory_space<vmem>>
        %dma_wait3A_281 = tpu.memref_squeeze %dma_wait3A_280 : memref<1x64xi32, #tpu.memory_space<vmem>> -> memref<64xi32, #tpu.memory_space<vmem>>
        %dma_wait3A_282 = arith.constant 0 : i32
        %dma_wait3A_283 = arith.constant 0 : i32
        %dma_wait3A_284 = tpu.memref_slice %arg4[%dma_wait3A_282, %dma_wait3A_283] : memref<10016x128xf32, #tpu.memory_space<hbm>> -> memref<10016x128xf32, #tpu.memory_space<hbm>>
        tpu.wait_indirect_dma semaphore(%arg15 : memref<!tpu.dma_semaphore, #tpu.memory_space<semaphore_mem>>) src(%dma_wait3A_284 : memref<10016x128xf32, #tpu.memory_space<hbm>>) dst(%arg10 : memref<64x128xf32, #tpu.memory_space<vmem>>)
        %dma_start3A_285 = arith.constant 0 : i32
        %dma_start3A_286 = tpu.memref_slice %arg8[%rem3A_278, %dma_start3A_285] : memref<32x64xi32, #tpu.memory_space<vmem>> -> memref<1x64xi32, #tpu.memory_space<vmem>>
        %dma_start3A_287 = tpu.memref_squeeze %dma_start3A_286 : memref<1x64xi32, #tpu.memory_space<vmem>> -> memref<64xi32, #tpu.memory_space<vmem>>
        %dma_start3A_288 = arith.constant 0 : i32
        %dma_start3A_289 = arith.constant 0 : i32
        %dma_start3A_290 = tpu.memref_slice %arg13[%dma_start3A_288, %dma_start3A_289] : memref<10016x128xf32, #tpu.memory_space<vmem_shared>> -> memref<10016x128xf32, #tpu.memory_space<vmem_shared>>
        tpu.enqueue_indirect_dma source(%arg10 : memref<64x128xf32, #tpu.memory_space<vmem>>) target(%dma_start3A_290 : memref<10016x128xf32, #tpu.memory_space<vmem_shared>>) offsets(%dma_start3A_287 : memref<64xi32, #tpu.memory_space<vmem>>) semaphore(%arg19 : memref<!tpu.dma_semaphore, #tpu.memory_space<semaphore_mem>>) {add = true}
        %mul3A_291 = arith.constant 16 : i32
        %mul3A_292 = arith.muli %scan3A_42, %mul3A_291 : i32
        %mul3A_293 = arith.constant 4 : i32
        %mul3A_294 = arith.muli %scan3A_244, %mul3A_293 : i32
        %add3A_295 = arith.addi %mul3A_292, %mul3A_294 : i32
        %add3A_296 = arith.constant 0 : i32
        %add3A_297 = arith.addi %add3A_295, %add3A_296 : i32
        %add3A_298 = arith.constant 0 : i32
        %add3A_299 = arith.addi %add3A_297, %add3A_298 : i32
        %rem3A_300 = arith.constant 32 : i32
        %rem3A_301 = arith.remsi %add3A_299, %rem3A_300 : i32
        %dma_wait3A_302 = arith.constant 0 : i32
        %dma_wait3A_303 = tpu.memref_slice %arg8[%rem3A_301, %dma_wait3A_302] : memref<32x64xi32, #tpu.memory_space<vmem>> -> memref<1x64xi32, #tpu.memory_space<vmem>>
        %dma_wait3A_304 = tpu.memref_squeeze %dma_wait3A_303 : memref<1x64xi32, #tpu.memory_space<vmem>> -> memref<64xi32, #tpu.memory_space<vmem>>
        %dma_wait3A_305 = arith.constant 0 : i32
        %dma_wait3A_306 = arith.constant 0 : i32
        %dma_wait3A_307 = tpu.memref_slice %arg13[%dma_wait3A_305, %dma_wait3A_306] : memref<10016x128xf32, #tpu.memory_space<vmem_shared>> -> memref<10016x128xf32, #tpu.memory_space<vmem_shared>>
        tpu.wait_indirect_dma semaphore(%arg18 : memref<!tpu.dma_semaphore, #tpu.memory_space<semaphore_mem>>) src(%arg9 : memref<64x128xf32, #tpu.memory_space<vmem>>) dst(%dma_wait3A_307 : memref<10016x128xf32, #tpu.memory_space<vmem_shared>>)
        %add3A_308 = arith.constant 4 : i32
        %add3A_309 = arith.addi %add3A_299, %add3A_308 : i32
        %lt3A_310 = arith.constant 160 : i32
        %lt3A_311 = arith.cmpi slt, %add3A_309, %lt3A_310 : i32
        %convert_element_type3A_312 = arith.extui %lt3A_311 : i1 to i32
        %cond3A_313 = arith.constant 0 : i32
        %cond3A_314 = arith.cmpi ne, %convert_element_type3A_312, %cond3A_313 : i32
        scf.if %cond3A_314 {
          %add3A_433 = arith.constant 4 : i32
          %add3A_434 = arith.addi %add3A_299, %add3A_433 : i32
          %rem3A_435 = arith.constant 32 : i32
          %rem3A_436 = arith.remsi %add3A_434, %rem3A_435 : i32
          %dma_start3A_437 = arith.constant 0 : i32
          %dma_start3A_438 = tpu.memref_slice %arg7[%rem3A_436, %dma_start3A_437] : memref<32x64xi32, #tpu.memory_space<vmem>> -> memref<1x64xi32, #tpu.memory_space<vmem>>
          %dma_start3A_439 = tpu.memref_squeeze %dma_start3A_438 : memref<1x64xi32, #tpu.memory_space<vmem>> -> memref<64xi32, #tpu.memory_space<vmem>>
          %dma_start3A_440 = arith.constant 0 : i32
          %dma_start3A_441 = arith.constant 0 : i32
          %dma_start3A_442 = tpu.memref_slice %arg4[%dma_start3A_440, %dma_start3A_441] : memref<10016x128xf32, #tpu.memory_space<hbm>> -> memref<10016x128xf32, #tpu.memory_space<hbm>>
          tpu.enqueue_indirect_dma source(%dma_start3A_442 : memref<10016x128xf32, #tpu.memory_space<hbm>>) target(%arg9 : memref<64x128xf32, #tpu.memory_space<vmem>>) offsets(%dma_start3A_439 : memref<64xi32, #tpu.memory_space<vmem>>) semaphore(%arg14 : memref<!tpu.dma_semaphore, #tpu.memory_space<semaphore_mem>>)
        } else {
        }
        %mul3A_315 = arith.constant 16 : i32
        %mul3A_316 = arith.muli %scan3A_42, %mul3A_315 : i32
        %mul3A_317 = arith.constant 4 : i32
        %mul3A_318 = arith.muli %scan3A_244, %mul3A_317 : i32
        %add3A_319 = arith.addi %mul3A_316, %mul3A_318 : i32
        %add3A_320 = arith.constant 0 : i32
        %add3A_321 = arith.addi %add3A_319, %add3A_320 : i32
        %add3A_322 = arith.constant 1 : i32
        %add3A_323 = arith.addi %add3A_321, %add3A_322 : i32
        %rem3A_324 = arith.constant 32 : i32
        %rem3A_325 = arith.remsi %add3A_323, %rem3A_324 : i32
        %dma_wait3A_326 = arith.constant 0 : i32
        %dma_wait3A_327 = tpu.memref_slice %arg8[%rem3A_325, %dma_wait3A_326] : memref<32x64xi32, #tpu.memory_space<vmem>> -> memref<1x64xi32, #tpu.memory_space<vmem>>
        %dma_wait3A_328 = tpu.memref_squeeze %dma_wait3A_327 : memref<1x64xi32, #tpu.memory_space<vmem>> -> memref<64xi32, #tpu.memory_space<vmem>>
        %dma_wait3A_329 = arith.constant 0 : i32
        %dma_wait3A_330 = arith.constant 0 : i32
        %dma_wait3A_331 = tpu.memref_slice %arg13[%dma_wait3A_329, %dma_wait3A_330] : memref<10016x128xf32, #tpu.memory_space<vmem_shared>> -> memref<10016x128xf32, #tpu.memory_space<vmem_shared>>
        tpu.wait_indirect_dma semaphore(%arg19 : memref<!tpu.dma_semaphore, #tpu.memory_space<semaphore_mem>>) src(%arg10 : memref<64x128xf32, #tpu.memory_space<vmem>>) dst(%dma_wait3A_331 : memref<10016x128xf32, #tpu.memory_space<vmem_shared>>)
        %add3A_332 = arith.constant 4 : i32
        %add3A_333 = arith.addi %add3A_323, %add3A_332 : i32
        %lt3A_334 = arith.constant 160 : i32
        %lt3A_335 = arith.cmpi slt, %add3A_333, %lt3A_334 : i32
        %convert_element_type3A_336 = arith.extui %lt3A_335 : i1 to i32
        %cond3A_337 = arith.constant 0 : i32
        %cond3A_338 = arith.cmpi ne, %convert_element_type3A_336, %cond3A_337 : i32
        scf.if %cond3A_338 {
          %add3A_433 = arith.constant 4 : i32
          %add3A_434 = arith.addi %add3A_323, %add3A_433 : i32
          %rem3A_435 = arith.constant 32 : i32
          %rem3A_436 = arith.remsi %add3A_434, %rem3A_435 : i32
          %dma_start3A_437 = arith.constant 0 : i32
          %dma_start3A_438 = tpu.memref_slice %arg7[%rem3A_436, %dma_start3A_437] : memref<32x64xi32, #tpu.memory_space<vmem>> -> memref<1x64xi32, #tpu.memory_space<vmem>>
          %dma_start3A_439 = tpu.memref_squeeze %dma_start3A_438 : memref<1x64xi32, #tpu.memory_space<vmem>> -> memref<64xi32, #tpu.memory_space<vmem>>
          %dma_start3A_440 = arith.constant 0 : i32
          %dma_start3A_441 = arith.constant 0 : i32
          %dma_start3A_442 = tpu.memref_slice %arg4[%dma_start3A_440, %dma_start3A_441] : memref<10016x128xf32, #tpu.memory_space<hbm>> -> memref<10016x128xf32, #tpu.memory_space<hbm>>
          tpu.enqueue_indirect_dma source(%dma_start3A_442 : memref<10016x128xf32, #tpu.memory_space<hbm>>) target(%arg10 : memref<64x128xf32, #tpu.memory_space<vmem>>) offsets(%dma_start3A_439 : memref<64xi32, #tpu.memory_space<vmem>>) semaphore(%arg15 : memref<!tpu.dma_semaphore, #tpu.memory_space<semaphore_mem>>)
        } else {
        }
        %mul3A_339 = arith.constant 16 : i32
        %mul3A_340 = arith.muli %scan3A_42, %mul3A_339 : i32
        %mul3A_341 = arith.constant 4 : i32
        %mul3A_342 = arith.muli %scan3A_244, %mul3A_341 : i32
        %add3A_343 = arith.addi %mul3A_340, %mul3A_342 : i32
        %add3A_344 = arith.constant 2 : i32
        %add3A_345 = arith.addi %add3A_343, %add3A_344 : i32
        %add3A_346 = arith.constant 0 : i32
        %add3A_347 = arith.addi %add3A_345, %add3A_346 : i32
        %rem3A_348 = arith.constant 32 : i32
        %rem3A_349 = arith.remsi %add3A_347, %rem3A_348 : i32
        %dma_wait3A_350 = arith.constant 0 : i32
        %dma_wait3A_351 = tpu.memref_slice %arg7[%rem3A_349, %dma_wait3A_350] : memref<32x64xi32, #tpu.memory_space<vmem>> -> memref<1x64xi32, #tpu.memory_space<vmem>>
        %dma_wait3A_352 = tpu.memref_squeeze %dma_wait3A_351 : memref<1x64xi32, #tpu.memory_space<vmem>> -> memref<64xi32, #tpu.memory_space<vmem>>
        %dma_wait3A_353 = arith.constant 0 : i32
        %dma_wait3A_354 = arith.constant 0 : i32
        %dma_wait3A_355 = tpu.memref_slice %arg4[%dma_wait3A_353, %dma_wait3A_354] : memref<10016x128xf32, #tpu.memory_space<hbm>> -> memref<10016x128xf32, #tpu.memory_space<hbm>>
        tpu.wait_indirect_dma semaphore(%arg16 : memref<!tpu.dma_semaphore, #tpu.memory_space<semaphore_mem>>) src(%dma_wait3A_355 : memref<10016x128xf32, #tpu.memory_space<hbm>>) dst(%arg11 : memref<64x128xf32, #tpu.memory_space<vmem>>)
        %dma_start3A_356 = arith.constant 0 : i32
        %dma_start3A_357 = tpu.memref_slice %arg8[%rem3A_349, %dma_start3A_356] : memref<32x64xi32, #tpu.memory_space<vmem>> -> memref<1x64xi32, #tpu.memory_space<vmem>>
        %dma_start3A_358 = tpu.memref_squeeze %dma_start3A_357 : memref<1x64xi32, #tpu.memory_space<vmem>> -> memref<64xi32, #tpu.memory_space<vmem>>
        %dma_start3A_359 = arith.constant 0 : i32
        %dma_start3A_360 = arith.constant 0 : i32
        %dma_start3A_361 = tpu.memref_slice %arg13[%dma_start3A_359, %dma_start3A_360] : memref<10016x128xf32, #tpu.memory_space<vmem_shared>> -> memref<10016x128xf32, #tpu.memory_space<vmem_shared>>
        tpu.enqueue_indirect_dma source(%arg11 : memref<64x128xf32, #tpu.memory_space<vmem>>) target(%dma_start3A_361 : memref<10016x128xf32, #tpu.memory_space<vmem_shared>>) offsets(%dma_start3A_358 : memref<64xi32, #tpu.memory_space<vmem>>) semaphore(%arg20 : memref<!tpu.dma_semaphore, #tpu.memory_space<semaphore_mem>>) {add = true}
        %mul3A_362 = arith.constant 16 : i32
        %mul3A_363 = arith.muli %scan3A_42, %mul3A_362 : i32
        %mul3A_364 = arith.constant 4 : i32
        %mul3A_365 = arith.muli %scan3A_244, %mul3A_364 : i32
        %add3A_366 = arith.addi %mul3A_363, %mul3A_365 : i32
        %add3A_367 = arith.constant 2 : i32
        %add3A_368 = arith.addi %add3A_366, %add3A_367 : i32
        %add3A_369 = arith.constant 1 : i32
        %add3A_370 = arith.addi %add3A_368, %add3A_369 : i32
        %rem3A_371 = arith.constant 32 : i32
        %rem3A_372 = arith.remsi %add3A_370, %rem3A_371 : i32
        %dma_wait3A_373 = arith.constant 0 : i32
        %dma_wait3A_374 = tpu.memref_slice %arg7[%rem3A_372, %dma_wait3A_373] : memref<32x64xi32, #tpu.memory_space<vmem>> -> memref<1x64xi32, #tpu.memory_space<vmem>>
        %dma_wait3A_375 = tpu.memref_squeeze %dma_wait3A_374 : memref<1x64xi32, #tpu.memory_space<vmem>> -> memref<64xi32, #tpu.memory_space<vmem>>
        %dma_wait3A_376 = arith.constant 0 : i32
        %dma_wait3A_377 = arith.constant 0 : i32
        %dma_wait3A_378 = tpu.memref_slice %arg4[%dma_wait3A_376, %dma_wait3A_377] : memref<10016x128xf32, #tpu.memory_space<hbm>> -> memref<10016x128xf32, #tpu.memory_space<hbm>>
        tpu.wait_indirect_dma semaphore(%arg17 : memref<!tpu.dma_semaphore, #tpu.memory_space<semaphore_mem>>) src(%dma_wait3A_378 : memref<10016x128xf32, #tpu.memory_space<hbm>>) dst(%arg12 : memref<64x128xf32, #tpu.memory_space<vmem>>)
        %dma_start3A_379 = arith.constant 0 : i32
        %dma_start3A_380 = tpu.memref_slice %arg8[%rem3A_372, %dma_start3A_379] : memref<32x64xi32, #tpu.memory_space<vmem>> -> memref<1x64xi32, #tpu.memory_space<vmem>>
        %dma_start3A_381 = tpu.memref_squeeze %dma_start3A_380 : memref<1x64xi32, #tpu.memory_space<vmem>> -> memref<64xi32, #tpu.memory_space<vmem>>
        %dma_start3A_382 = arith.constant 0 : i32
        %dma_start3A_383 = arith.constant 0 : i32
        %dma_start3A_384 = tpu.memref_slice %arg13[%dma_start3A_382, %dma_start3A_383] : memref<10016x128xf32, #tpu.memory_space<vmem_shared>> -> memref<10016x128xf32, #tpu.memory_space<vmem_shared>>
        tpu.enqueue_indirect_dma source(%arg12 : memref<64x128xf32, #tpu.memory_space<vmem>>) target(%dma_start3A_384 : memref<10016x128xf32, #tpu.memory_space<vmem_shared>>) offsets(%dma_start3A_381 : memref<64xi32, #tpu.memory_space<vmem>>) semaphore(%arg21 : memref<!tpu.dma_semaphore, #tpu.memory_space<semaphore_mem>>) {add = true}
        %mul3A_385 = arith.constant 16 : i32
        %mul3A_386 = arith.muli %scan3A_42, %mul3A_385 : i32
        %mul3A_387 = arith.constant 4 : i32
        %mul3A_388 = arith.muli %scan3A_244, %mul3A_387 : i32
        %add3A_389 = arith.addi %mul3A_386, %mul3A_388 : i32
        %add3A_390 = arith.constant 2 : i32
        %add3A_391 = arith.addi %add3A_389, %add3A_390 : i32
        %add3A_392 = arith.constant 0 : i32
        %add3A_393 = arith.addi %add3A_391, %add3A_392 : i32
        %rem3A_394 = arith.constant 32 : i32
        %rem3A_395 = arith.remsi %add3A_393, %rem3A_394 : i32
        %dma_wait3A_396 = arith.constant 0 : i32
        %dma_wait3A_397 = tpu.memref_slice %arg8[%rem3A_395, %dma_wait3A_396] : memref<32x64xi32, #tpu.memory_space<vmem>> -> memref<1x64xi32, #tpu.memory_space<vmem>>
        %dma_wait3A_398 = tpu.memref_squeeze %dma_wait3A_397 : memref<1x64xi32, #tpu.memory_space<vmem>> -> memref<64xi32, #tpu.memory_space<vmem>>
        %dma_wait3A_399 = arith.constant 0 : i32
        %dma_wait3A_400 = arith.constant 0 : i32
        %dma_wait3A_401 = tpu.memref_slice %arg13[%dma_wait3A_399, %dma_wait3A_400] : memref<10016x128xf32, #tpu.memory_space<vmem_shared>> -> memref<10016x128xf32, #tpu.memory_space<vmem_shared>>
        tpu.wait_indirect_dma semaphore(%arg20 : memref<!tpu.dma_semaphore, #tpu.memory_space<semaphore_mem>>) src(%arg11 : memref<64x128xf32, #tpu.memory_space<vmem>>) dst(%dma_wait3A_401 : memref<10016x128xf32, #tpu.memory_space<vmem_shared>>)
        %add3A_402 = arith.constant 4 : i32
        %add3A_403 = arith.addi %add3A_393, %add3A_402 : i32
        %lt3A_404 = arith.constant 160 : i32
        %lt3A_405 = arith.cmpi slt, %add3A_403, %lt3A_404 : i32
        %convert_element_type3A_406 = arith.extui %lt3A_405 : i1 to i32
        %cond3A_407 = arith.constant 0 : i32
        %cond3A_408 = arith.cmpi ne, %convert_element_type3A_406, %cond3A_407 : i32
        scf.if %cond3A_408 {
          %add3A_433 = arith.constant 4 : i32
          %add3A_434 = arith.addi %add3A_393, %add3A_433 : i32
          %rem3A_435 = arith.constant 32 : i32
          %rem3A_436 = arith.remsi %add3A_434, %rem3A_435 : i32
          %dma_start3A_437 = arith.constant 0 : i32
          %dma_start3A_438 = tpu.memref_slice %arg7[%rem3A_436, %dma_start3A_437] : memref<32x64xi32, #tpu.memory_space<vmem>> -> memref<1x64xi32, #tpu.memory_space<vmem>>
          %dma_start3A_439 = tpu.memref_squeeze %dma_start3A_438 : memref<1x64xi32, #tpu.memory_space<vmem>> -> memref<64xi32, #tpu.memory_space<vmem>>
          %dma_start3A_440 = arith.constant 0 : i32
          %dma_start3A_441 = arith.constant 0 : i32
          %dma_start3A_442 = tpu.memref_slice %arg4[%dma_start3A_440, %dma_start3A_441] : memref<10016x128xf32, #tpu.memory_space<hbm>> -> memref<10016x128xf32, #tpu.memory_space<hbm>>
          tpu.enqueue_indirect_dma source(%dma_start3A_442 : memref<10016x128xf32, #tpu.memory_space<hbm>>) target(%arg11 : memref<64x128xf32, #tpu.memory_space<vmem>>) offsets(%dma_start3A_439 : memref<64xi32, #tpu.memory_space<vmem>>) semaphore(%arg16 : memref<!tpu.dma_semaphore, #tpu.memory_space<semaphore_mem>>)
        } else {
        }
        %mul3A_409 = arith.constant 16 : i32
        %mul3A_410 = arith.muli %scan3A_42, %mul3A_409 : i32
        %mul3A_411 = arith.constant 4 : i32
        %mul3A_412 = arith.muli %scan3A_244, %mul3A_411 : i32
        %add3A_413 = arith.addi %mul3A_410, %mul3A_412 : i32
        %add3A_414 = arith.constant 2 : i32
        %add3A_415 = arith.addi %add3A_413, %add3A_414 : i32
        %add3A_416 = arith.constant 1 : i32
        %add3A_417 = arith.addi %add3A_415, %add3A_416 : i32
        %rem3A_418 = arith.constant 32 : i32
        %rem3A_419 = arith.remsi %add3A_417, %rem3A_418 : i32
        %dma_wait3A_420 = arith.constant 0 : i32
        %dma_wait3A_421 = tpu.memref_slice %arg8[%rem3A_419, %dma_wait3A_420] : memref<32x64xi32, #tpu.memory_space<vmem>> -> memref<1x64xi32, #tpu.memory_space<vmem>>
        %dma_wait3A_422 = tpu.memref_squeeze %dma_wait3A_421 : memref<1x64xi32, #tpu.memory_space<vmem>> -> memref<64xi32, #tpu.memory_space<vmem>>
        %dma_wait3A_423 = arith.constant 0 : i32
        %dma_wait3A_424 = arith.constant 0 : i32
        %dma_wait3A_425 = tpu.memref_slice %arg13[%dma_wait3A_423, %dma_wait3A_424] : memref<10016x128xf32, #tpu.memory_space<vmem_shared>> -> memref<10016x128xf32, #tpu.memory_space<vmem_shared>>
        tpu.wait_indirect_dma semaphore(%arg21 : memref<!tpu.dma_semaphore, #tpu.memory_space<semaphore_mem>>) src(%arg12 : memref<64x128xf32, #tpu.memory_space<vmem>>) dst(%dma_wait3A_425 : memref<10016x128xf32, #tpu.memory_space<vmem_shared>>)
        %add3A_426 = arith.constant 4 : i32
        %add3A_427 = arith.addi %add3A_417, %add3A_426 : i32
        %lt3A_428 = arith.constant 160 : i32
        %lt3A_429 = arith.cmpi slt, %add3A_427, %lt3A_428 : i32
        %convert_element_type3A_430 = arith.extui %lt3A_429 : i1 to i32
        %cond3A_431 = arith.constant 0 : i32
        %cond3A_432 = arith.cmpi ne, %convert_element_type3A_430, %cond3A_431 : i32
        scf.if %cond3A_432 {
          %add3A_433 = arith.constant 4 : i32
          %add3A_434 = arith.addi %add3A_417, %add3A_433 : i32
          %rem3A_435 = arith.constant 32 : i32
          %rem3A_436 = arith.remsi %add3A_434, %rem3A_435 : i32
          %dma_start3A_437 = arith.constant 0 : i32
          %dma_start3A_438 = tpu.memref_slice %arg7[%rem3A_436, %dma_start3A_437] : memref<32x64xi32, #tpu.memory_space<vmem>> -> memref<1x64xi32, #tpu.memory_space<vmem>>
          %dma_start3A_439 = tpu.memref_squeeze %dma_start3A_438 : memref<1x64xi32, #tpu.memory_space<vmem>> -> memref<64xi32, #tpu.memory_space<vmem>>
          %dma_start3A_440 = arith.constant 0 : i32
          %dma_start3A_441 = arith.constant 0 : i32
          %dma_start3A_442 = tpu.memref_slice %arg4[%dma_start3A_440, %dma_start3A_441] : memref<10016x128xf32, #tpu.memory_space<hbm>> -> memref<10016x128xf32, #tpu.memory_space<hbm>>
          tpu.enqueue_indirect_dma source(%dma_start3A_442 : memref<10016x128xf32, #tpu.memory_space<hbm>>) target(%arg12 : memref<64x128xf32, #tpu.memory_space<vmem>>) offsets(%dma_start3A_439 : memref<64xi32, #tpu.memory_space<vmem>>) semaphore(%arg17 : memref<!tpu.dma_semaphore, #tpu.memory_space<semaphore_mem>>)
        } else {
        }
      }
      %scan3A_57 = arith.constant 3 : i32
      %add3A_58 = arith.constant 1 : i32
      %add3A_59 = arith.addi %scan3A_42, %add3A_58 : i32
      %lt3A_60 = arith.constant 10 : i32
      %lt3A_61 = arith.cmpi slt, %add3A_59, %lt3A_60 : i32
      %convert_element_type3A_62 = arith.extui %lt3A_61 : i1 to i32
      %cond3A_63 = arith.constant 0 : i32
      %cond3A_64 = arith.cmpi ne, %convert_element_type3A_62, %cond3A_63 : i32
      scf.if %cond3A_64 {
        %add3A_244 = arith.constant 1 : i32
        %add3A_245 = arith.addi %scan3A_42, %add3A_244 : i32
        %mul3A_246 = arith.constant 16 : i32
        %mul3A_247 = arith.muli %add3A_245, %mul3A_246 : i32
        %add3A_248 = arith.addi %mul3A_2, %mul3A_247 : i32
        %dma_wait3A_249 = arith.constant 0 : i32
        %dma_wait3A_250 = tpu.memref_slice %arg7[%rem3A_47, %dma_wait3A_249] : memref<32x64xi32, #tpu.memory_space<vmem>> -> memref<16x64xi32, #tpu.memory_space<vmem>>
        %dma_wait3A_251 = arith.constant 0 : i32
        %dma_wait3A_252 = tpu.memref_slice %arg2[%add3A_248, %dma_wait3A_251] : memref<5120x64xi32, #tpu.memory_space<hbm>> -> memref<16x64xi32, #tpu.memory_space<hbm>>
        %dma_wait3A_253 = arith.constant 0 : i32
        %dma_wait3A_254 = tpu.memref_slice %arg7[%rem3A_47, %dma_wait3A_253] : memref<32x64xi32, #tpu.memory_space<vmem>> -> memref<16x64xi32, #tpu.memory_space<vmem>>
        %dma_wait3A_255 = arith.constant 0 : i32
        %dma_wait3A_256 = tpu.memref_slice %arg2[%add3A_248, %dma_wait3A_255] : memref<5120x64xi32, #tpu.memory_space<hbm>> -> memref<16x64xi32, #tpu.memory_space<hbm>>
        tpu.wait_dma2 semaphore(%arg22 : memref<!tpu.dma_semaphore, #tpu.memory_space<semaphore_mem>>) src(%dma_wait3A_256 : memref<16x64xi32, #tpu.memory_space<hbm>>) dst(%dma_wait3A_254 : memref<16x64xi32, #tpu.memory_space<vmem>>)
        %add3A_257 = arith.constant 1 : i32
        %add3A_258 = arith.addi %scan3A_42, %add3A_257 : i32
        %mul3A_259 = arith.constant 16 : i32
        %mul3A_260 = arith.muli %add3A_258, %mul3A_259 : i32
        %add3A_261 = arith.addi %mul3A_2, %mul3A_260 : i32
        %dma_wait3A_262 = arith.constant 0 : i32
        %dma_wait3A_263 = tpu.memref_slice %arg8[%rem3A_47, %dma_wait3A_262] : memref<32x64xi32, #tpu.memory_space<vmem>> -> memref<16x64xi32, #tpu.memory_space<vmem>>
        %dma_wait3A_264 = arith.constant 0 : i32
        %dma_wait3A_265 = tpu.memref_slice %arg3[%add3A_261, %dma_wait3A_264] : memref<5120x64xi32, #tpu.memory_space<hbm>> -> memref<16x64xi32, #tpu.memory_space<hbm>>
        %dma_wait3A_266 = arith.constant 0 : i32
        %dma_wait3A_267 = tpu.memref_slice %arg8[%rem3A_47, %dma_wait3A_266] : memref<32x64xi32, #tpu.memory_space<vmem>> -> memref<16x64xi32, #tpu.memory_space<vmem>>
        %dma_wait3A_268 = arith.constant 0 : i32
        %dma_wait3A_269 = tpu.memref_slice %arg3[%add3A_261, %dma_wait3A_268] : memref<5120x64xi32, #tpu.memory_space<hbm>> -> memref<16x64xi32, #tpu.memory_space<hbm>>
        tpu.wait_dma2 semaphore(%arg22 : memref<!tpu.dma_semaphore, #tpu.memory_space<semaphore_mem>>) src(%dma_wait3A_269 : memref<16x64xi32, #tpu.memory_space<hbm>>) dst(%dma_wait3A_267 : memref<16x64xi32, #tpu.memory_space<vmem>>)
      } else {
      }
      %mul3A_65 = arith.constant 16 : i32
      %mul3A_66 = arith.muli %scan3A_42, %mul3A_65 : i32
      %add3A_67 = arith.constant 12 : i32
      %add3A_68 = arith.addi %mul3A_66, %add3A_67 : i32
      %add3A_69 = arith.constant 0 : i32
      %add3A_70 = arith.addi %add3A_68, %add3A_69 : i32
      %add3A_71 = arith.constant 0 : i32
      %add3A_72 = arith.addi %add3A_70, %add3A_71 : i32
      %rem3A_73 = arith.constant 32 : i32
      %rem3A_74 = arith.remsi %add3A_72, %rem3A_73 : i32
      %dma_wait3A = arith.constant 0 : i32
      %dma_wait3A_75 = tpu.memref_slice %arg7[%rem3A_74, %dma_wait3A] : memref<32x64xi32, #tpu.memory_space<vmem>> -> memref<1x64xi32, #tpu.memory_space<vmem>>
      %dma_wait3A_76 = tpu.memref_squeeze %dma_wait3A_75 : memref<1x64xi32, #tpu.memory_space<vmem>> -> memref<64xi32, #tpu.memory_space<vmem>>
      %dma_wait3A_77 = arith.constant 0 : i32
      %dma_wait3A_78 = arith.constant 0 : i32
      %dma_wait3A_79 = tpu.memref_slice %arg4[%dma_wait3A_77, %dma_wait3A_78] : memref<10016x128xf32, #tpu.memory_space<hbm>> -> memref<10016x128xf32, #tpu.memory_space<hbm>>
      tpu.wait_indirect_dma semaphore(%arg14 : memref<!tpu.dma_semaphore, #tpu.memory_space<semaphore_mem>>) src(%dma_wait3A_79 : memref<10016x128xf32, #tpu.memory_space<hbm>>) dst(%arg9 : memref<64x128xf32, #tpu.memory_space<vmem>>)
      %dma_start3A_80 = arith.constant 0 : i32
      %dma_start3A_81 = tpu.memref_slice %arg8[%rem3A_74, %dma_start3A_80] : memref<32x64xi32, #tpu.memory_space<vmem>> -> memref<1x64xi32, #tpu.memory_space<vmem>>
      %dma_start3A_82 = tpu.memref_squeeze %dma_start3A_81 : memref<1x64xi32, #tpu.memory_space<vmem>> -> memref<64xi32, #tpu.memory_space<vmem>>
      %dma_start3A_83 = arith.constant 0 : i32
      %dma_start3A_84 = arith.constant 0 : i32
      %dma_start3A_85 = tpu.memref_slice %arg13[%dma_start3A_83, %dma_start3A_84] : memref<10016x128xf32, #tpu.memory_space<vmem_shared>> -> memref<10016x128xf32, #tpu.memory_space<vmem_shared>>
      tpu.enqueue_indirect_dma source(%arg9 : memref<64x128xf32, #tpu.memory_space<vmem>>) target(%dma_start3A_85 : memref<10016x128xf32, #tpu.memory_space<vmem_shared>>) offsets(%dma_start3A_82 : memref<64xi32, #tpu.memory_space<vmem>>) semaphore(%arg18 : memref<!tpu.dma_semaphore, #tpu.memory_space<semaphore_mem>>) {add = true}
      %mul3A_86 = arith.constant 16 : i32
      %mul3A_87 = arith.muli %scan3A_42, %mul3A_86 : i32
      %add3A_88 = arith.constant 12 : i32
      %add3A_89 = arith.addi %mul3A_87, %add3A_88 : i32
      %add3A_90 = arith.constant 0 : i32
      %add3A_91 = arith.addi %add3A_89, %add3A_90 : i32
      %add3A_92 = arith.constant 1 : i32
      %add3A_93 = arith.addi %add3A_91, %add3A_92 : i32
      %rem3A_94 = arith.constant 32 : i32
      %rem3A_95 = arith.remsi %add3A_93, %rem3A_94 : i32
      %dma_wait3A_96 = arith.constant 0 : i32
      %dma_wait3A_97 = tpu.memref_slice %arg7[%rem3A_95, %dma_wait3A_96] : memref<32x64xi32, #tpu.memory_space<vmem>> -> memref<1x64xi32, #tpu.memory_space<vmem>>
      %dma_wait3A_98 = tpu.memref_squeeze %dma_wait3A_97 : memref<1x64xi32, #tpu.memory_space<vmem>> -> memref<64xi32, #tpu.memory_space<vmem>>
      %dma_wait3A_99 = arith.constant 0 : i32
      %dma_wait3A_100 = arith.constant 0 : i32
      %dma_wait3A_101 = tpu.memref_slice %arg4[%dma_wait3A_99, %dma_wait3A_100] : memref<10016x128xf32, #tpu.memory_space<hbm>> -> memref<10016x128xf32, #tpu.memory_space<hbm>>
      tpu.wait_indirect_dma semaphore(%arg15 : memref<!tpu.dma_semaphore, #tpu.memory_space<semaphore_mem>>) src(%dma_wait3A_101 : memref<10016x128xf32, #tpu.memory_space<hbm>>) dst(%arg10 : memref<64x128xf32, #tpu.memory_space<vmem>>)
      %dma_start3A_102 = arith.constant 0 : i32
      %dma_start3A_103 = tpu.memref_slice %arg8[%rem3A_95, %dma_start3A_102] : memref<32x64xi32, #tpu.memory_space<vmem>> -> memref<1x64xi32, #tpu.memory_space<vmem>>
      %dma_start3A_104 = tpu.memref_squeeze %dma_start3A_103 : memref<1x64xi32, #tpu.memory_space<vmem>> -> memref<64xi32, #tpu.memory_space<vmem>>
      %dma_start3A_105 = arith.constant 0 : i32
      %dma_start3A_106 = arith.constant 0 : i32
      %dma_start3A_107 = tpu.memref_slice %arg13[%dma_start3A_105, %dma_start3A_106] : memref<10016x128xf32, #tpu.memory_space<vmem_shared>> -> memref<10016x128xf32, #tpu.memory_space<vmem_shared>>
      tpu.enqueue_indirect_dma source(%arg10 : memref<64x128xf32, #tpu.memory_space<vmem>>) target(%dma_start3A_107 : memref<10016x128xf32, #tpu.memory_space<vmem_shared>>) offsets(%dma_start3A_104 : memref<64xi32, #tpu.memory_space<vmem>>) semaphore(%arg19 : memref<!tpu.dma_semaphore, #tpu.memory_space<semaphore_mem>>) {add = true}
      %mul3A_108 = arith.constant 16 : i32
      %mul3A_109 = arith.muli %scan3A_42, %mul3A_108 : i32
      %add3A_110 = arith.constant 12 : i32
      %add3A_111 = arith.addi %mul3A_109, %add3A_110 : i32
      %add3A_112 = arith.constant 0 : i32
      %add3A_113 = arith.addi %add3A_111, %add3A_112 : i32
      %add3A_114 = arith.constant 0 : i32
      %add3A_115 = arith.addi %add3A_113, %add3A_114 : i32
      %rem3A_116 = arith.constant 32 : i32
      %rem3A_117 = arith.remsi %add3A_115, %rem3A_116 : i32
      %dma_wait3A_118 = arith.constant 0 : i32
      %dma_wait3A_119 = tpu.memref_slice %arg8[%rem3A_117, %dma_wait3A_118] : memref<32x64xi32, #tpu.memory_space<vmem>> -> memref<1x64xi32, #tpu.memory_space<vmem>>
      %dma_wait3A_120 = tpu.memref_squeeze %dma_wait3A_119 : memref<1x64xi32, #tpu.memory_space<vmem>> -> memref<64xi32, #tpu.memory_space<vmem>>
      %dma_wait3A_121 = arith.constant 0 : i32
      %dma_wait3A_122 = arith.constant 0 : i32
      %dma_wait3A_123 = tpu.memref_slice %arg13[%dma_wait3A_121, %dma_wait3A_122] : memref<10016x128xf32, #tpu.memory_space<vmem_shared>> -> memref<10016x128xf32, #tpu.memory_space<vmem_shared>>
      tpu.wait_indirect_dma semaphore(%arg18 : memref<!tpu.dma_semaphore, #tpu.memory_space<semaphore_mem>>) src(%arg9 : memref<64x128xf32, #tpu.memory_space<vmem>>) dst(%dma_wait3A_123 : memref<10016x128xf32, #tpu.memory_space<vmem_shared>>)
      %add3A_124 = arith.constant 4 : i32
      %add3A_125 = arith.addi %add3A_115, %add3A_124 : i32
      %lt3A_126 = arith.constant 160 : i32
      %lt3A_127 = arith.cmpi slt, %add3A_125, %lt3A_126 : i32
      %convert_element_type3A_128 = arith.extui %lt3A_127 : i1 to i32
      %cond3A_129 = arith.constant 0 : i32
      %cond3A_130 = arith.cmpi ne, %convert_element_type3A_128, %cond3A_129 : i32
      scf.if %cond3A_130 {
        %add3A_244 = arith.constant 4 : i32
        %add3A_245 = arith.addi %add3A_115, %add3A_244 : i32
        %rem3A_246 = arith.constant 32 : i32
        %rem3A_247 = arith.remsi %add3A_245, %rem3A_246 : i32
        %dma_start3A_248 = arith.constant 0 : i32
        %dma_start3A_249 = tpu.memref_slice %arg7[%rem3A_247, %dma_start3A_248] : memref<32x64xi32, #tpu.memory_space<vmem>> -> memref<1x64xi32, #tpu.memory_space<vmem>>
        %dma_start3A_250 = tpu.memref_squeeze %dma_start3A_249 : memref<1x64xi32, #tpu.memory_space<vmem>> -> memref<64xi32, #tpu.memory_space<vmem>>
        %dma_start3A_251 = arith.constant 0 : i32
        %dma_start3A_252 = arith.constant 0 : i32
        %dma_start3A_253 = tpu.memref_slice %arg4[%dma_start3A_251, %dma_start3A_252] : memref<10016x128xf32, #tpu.memory_space<hbm>> -> memref<10016x128xf32, #tpu.memory_space<hbm>>
        tpu.enqueue_indirect_dma source(%dma_start3A_253 : memref<10016x128xf32, #tpu.memory_space<hbm>>) target(%arg9 : memref<64x128xf32, #tpu.memory_space<vmem>>) offsets(%dma_start3A_250 : memref<64xi32, #tpu.memory_space<vmem>>) semaphore(%arg14 : memref<!tpu.dma_semaphore, #tpu.memory_space<semaphore_mem>>)
      } else {
      }
      %mul3A_131 = arith.constant 16 : i32
      %mul3A_132 = arith.muli %scan3A_42, %mul3A_131 : i32
      %add3A_133 = arith.constant 12 : i32
      %add3A_134 = arith.addi %mul3A_132, %add3A_133 : i32
      %add3A_135 = arith.constant 0 : i32
      %add3A_136 = arith.addi %add3A_134, %add3A_135 : i32
      %add3A_137 = arith.constant 1 : i32
      %add3A_138 = arith.addi %add3A_136, %add3A_137 : i32
      %rem3A_139 = arith.constant 32 : i32
      %rem3A_140 = arith.remsi %add3A_138, %rem3A_139 : i32
      %dma_wait3A_141 = arith.constant 0 : i32
      %dma_wait3A_142 = tpu.memref_slice %arg8[%rem3A_140, %dma_wait3A_141] : memref<32x64xi32, #tpu.memory_space<vmem>> -> memref<1x64xi32, #tpu.memory_space<vmem>>
      %dma_wait3A_143 = tpu.memref_squeeze %dma_wait3A_142 : memref<1x64xi32, #tpu.memory_space<vmem>> -> memref<64xi32, #tpu.memory_space<vmem>>
      %dma_wait3A_144 = arith.constant 0 : i32
      %dma_wait3A_145 = arith.constant 0 : i32
      %dma_wait3A_146 = tpu.memref_slice %arg13[%dma_wait3A_144, %dma_wait3A_145] : memref<10016x128xf32, #tpu.memory_space<vmem_shared>> -> memref<10016x128xf32, #tpu.memory_space<vmem_shared>>
      tpu.wait_indirect_dma semaphore(%arg19 : memref<!tpu.dma_semaphore, #tpu.memory_space<semaphore_mem>>) src(%arg10 : memref<64x128xf32, #tpu.memory_space<vmem>>) dst(%dma_wait3A_146 : memref<10016x128xf32, #tpu.memory_space<vmem_shared>>)
      %add3A_147 = arith.constant 4 : i32
      %add3A_148 = arith.addi %add3A_138, %add3A_147 : i32
      %lt3A_149 = arith.constant 160 : i32
      %lt3A_150 = arith.cmpi slt, %add3A_148, %lt3A_149 : i32
      %convert_element_type3A_151 = arith.extui %lt3A_150 : i1 to i32
      %cond3A_152 = arith.constant 0 : i32
      %cond3A_153 = arith.cmpi ne, %convert_element_type3A_151, %cond3A_152 : i32
      scf.if %cond3A_153 {
        %add3A_244 = arith.constant 4 : i32
        %add3A_245 = arith.addi %add3A_138, %add3A_244 : i32
        %rem3A_246 = arith.constant 32 : i32
        %rem3A_247 = arith.remsi %add3A_245, %rem3A_246 : i32
        %dma_start3A_248 = arith.constant 0 : i32
        %dma_start3A_249 = tpu.memref_slice %arg7[%rem3A_247, %dma_start3A_248] : memref<32x64xi32, #tpu.memory_space<vmem>> -> memref<1x64xi32, #tpu.memory_space<vmem>>
        %dma_start3A_250 = tpu.memref_squeeze %dma_start3A_249 : memref<1x64xi32, #tpu.memory_space<vmem>> -> memref<64xi32, #tpu.memory_space<vmem>>
        %dma_start3A_251 = arith.constant 0 : i32
        %dma_start3A_252 = arith.constant 0 : i32
        %dma_start3A_253 = tpu.memref_slice %arg4[%dma_start3A_251, %dma_start3A_252] : memref<10016x128xf32, #tpu.memory_space<hbm>> -> memref<10016x128xf32, #tpu.memory_space<hbm>>
        tpu.enqueue_indirect_dma source(%dma_start3A_253 : memref<10016x128xf32, #tpu.memory_space<hbm>>) target(%arg10 : memref<64x128xf32, #tpu.memory_space<vmem>>) offsets(%dma_start3A_250 : memref<64xi32, #tpu.memory_space<vmem>>) semaphore(%arg15 : memref<!tpu.dma_semaphore, #tpu.memory_space<semaphore_mem>>)
      } else {
      }
      %mul3A_154 = arith.constant 16 : i32
      %mul3A_155 = arith.muli %scan3A_42, %mul3A_154 : i32
      %add3A_156 = arith.constant 12 : i32
      %add3A_157 = arith.addi %mul3A_155, %add3A_156 : i32
      %add3A_158 = arith.constant 2 : i32
      %add3A_159 = arith.addi %add3A_157, %add3A_158 : i32
      %add3A_160 = arith.constant 0 : i32
      %add3A_161 = arith.addi %add3A_159, %add3A_160 : i32
      %rem3A_162 = arith.constant 32 : i32
      %rem3A_163 = arith.remsi %add3A_161, %rem3A_162 : i32
      %dma_wait3A_164 = arith.constant 0 : i32
      %dma_wait3A_165 = tpu.memref_slice %arg7[%rem3A_163, %dma_wait3A_164] : memref<32x64xi32, #tpu.memory_space<vmem>> -> memref<1x64xi32, #tpu.memory_space<vmem>>
      %dma_wait3A_166 = tpu.memref_squeeze %dma_wait3A_165 : memref<1x64xi32, #tpu.memory_space<vmem>> -> memref<64xi32, #tpu.memory_space<vmem>>
      %dma_wait3A_167 = arith.constant 0 : i32
      %dma_wait3A_168 = arith.constant 0 : i32
      %dma_wait3A_169 = tpu.memref_slice %arg4[%dma_wait3A_167, %dma_wait3A_168] : memref<10016x128xf32, #tpu.memory_space<hbm>> -> memref<10016x128xf32, #tpu.memory_space<hbm>>
      tpu.wait_indirect_dma semaphore(%arg16 : memref<!tpu.dma_semaphore, #tpu.memory_space<semaphore_mem>>) src(%dma_wait3A_169 : memref<10016x128xf32, #tpu.memory_space<hbm>>) dst(%arg11 : memref<64x128xf32, #tpu.memory_space<vmem>>)
      %dma_start3A_170 = arith.constant 0 : i32
      %dma_start3A_171 = tpu.memref_slice %arg8[%rem3A_163, %dma_start3A_170] : memref<32x64xi32, #tpu.memory_space<vmem>> -> memref<1x64xi32, #tpu.memory_space<vmem>>
      %dma_start3A_172 = tpu.memref_squeeze %dma_start3A_171 : memref<1x64xi32, #tpu.memory_space<vmem>> -> memref<64xi32, #tpu.memory_space<vmem>>
      %dma_start3A_173 = arith.constant 0 : i32
      %dma_start3A_174 = arith.constant 0 : i32
      %dma_start3A_175 = tpu.memref_slice %arg13[%dma_start3A_173, %dma_start3A_174] : memref<10016x128xf32, #tpu.memory_space<vmem_shared>> -> memref<10016x128xf32, #tpu.memory_space<vmem_shared>>
      tpu.enqueue_indirect_dma source(%arg11 : memref<64x128xf32, #tpu.memory_space<vmem>>) target(%dma_start3A_175 : memref<10016x128xf32, #tpu.memory_space<vmem_shared>>) offsets(%dma_start3A_172 : memref<64xi32, #tpu.memory_space<vmem>>) semaphore(%arg20 : memref<!tpu.dma_semaphore, #tpu.memory_space<semaphore_mem>>) {add = true}
      %mul3A_176 = arith.constant 16 : i32
      %mul3A_177 = arith.muli %scan3A_42, %mul3A_176 : i32
      %add3A_178 = arith.constant 12 : i32
      %add3A_179 = arith.addi %mul3A_177, %add3A_178 : i32
      %add3A_180 = arith.constant 2 : i32
      %add3A_181 = arith.addi %add3A_179, %add3A_180 : i32
      %add3A_182 = arith.constant 1 : i32
      %add3A_183 = arith.addi %add3A_181, %add3A_182 : i32
      %rem3A_184 = arith.constant 32 : i32
      %rem3A_185 = arith.remsi %add3A_183, %rem3A_184 : i32
      %dma_wait3A_186 = arith.constant 0 : i32
      %dma_wait3A_187 = tpu.memref_slice %arg7[%rem3A_185, %dma_wait3A_186] : memref<32x64xi32, #tpu.memory_space<vmem>> -> memref<1x64xi32, #tpu.memory_space<vmem>>
      %dma_wait3A_188 = tpu.memref_squeeze %dma_wait3A_187 : memref<1x64xi32, #tpu.memory_space<vmem>> -> memref<64xi32, #tpu.memory_space<vmem>>
      %dma_wait3A_189 = arith.constant 0 : i32
      %dma_wait3A_190 = arith.constant 0 : i32
      %dma_wait3A_191 = tpu.memref_slice %arg4[%dma_wait3A_189, %dma_wait3A_190] : memref<10016x128xf32, #tpu.memory_space<hbm>> -> memref<10016x128xf32, #tpu.memory_space<hbm>>
      tpu.wait_indirect_dma semaphore(%arg17 : memref<!tpu.dma_semaphore, #tpu.memory_space<semaphore_mem>>) src(%dma_wait3A_191 : memref<10016x128xf32, #tpu.memory_space<hbm>>) dst(%arg12 : memref<64x128xf32, #tpu.memory_space<vmem>>)
      %dma_start3A_192 = arith.constant 0 : i32
      %dma_start3A_193 = tpu.memref_slice %arg8[%rem3A_185, %dma_start3A_192] : memref<32x64xi32, #tpu.memory_space<vmem>> -> memref<1x64xi32, #tpu.memory_space<vmem>>
      %dma_start3A_194 = tpu.memref_squeeze %dma_start3A_193 : memref<1x64xi32, #tpu.memory_space<vmem>> -> memref<64xi32, #tpu.memory_space<vmem>>
      %dma_start3A_195 = arith.constant 0 : i32
      %dma_start3A_196 = arith.constant 0 : i32
      %dma_start3A_197 = tpu.memref_slice %arg13[%dma_start3A_195, %dma_start3A_196] : memref<10016x128xf32, #tpu.memory_space<vmem_shared>> -> memref<10016x128xf32, #tpu.memory_space<vmem_shared>>
      tpu.enqueue_indirect_dma source(%arg12 : memref<64x128xf32, #tpu.memory_space<vmem>>) target(%dma_start3A_197 : memref<10016x128xf32, #tpu.memory_space<vmem_shared>>) offsets(%dma_start3A_194 : memref<64xi32, #tpu.memory_space<vmem>>) semaphore(%arg21 : memref<!tpu.dma_semaphore, #tpu.memory_space<semaphore_mem>>) {add = true}
      %mul3A_198 = arith.constant 16 : i32
      %mul3A_199 = arith.muli %scan3A_42, %mul3A_198 : i32
      %add3A_200 = arith.constant 12 : i32
      %add3A_201 = arith.addi %mul3A_199, %add3A_200 : i32
      %add3A_202 = arith.constant 2 : i32
      %add3A_203 = arith.addi %add3A_201, %add3A_202 : i32
      %add3A_204 = arith.constant 0 : i32
      %add3A_205 = arith.addi %add3A_203, %add3A_204 : i32
      %rem3A_206 = arith.constant 32 : i32
      %rem3A_207 = arith.remsi %add3A_205, %rem3A_206 : i32
      %dma_wait3A_208 = arith.constant 0 : i32
      %dma_wait3A_209 = tpu.memref_slice %arg8[%rem3A_207, %dma_wait3A_208] : memref<32x64xi32, #tpu.memory_space<vmem>> -> memref<1x64xi32, #tpu.memory_space<vmem>>
      %dma_wait3A_210 = tpu.memref_squeeze %dma_wait3A_209 : memref<1x64xi32, #tpu.memory_space<vmem>> -> memref<64xi32, #tpu.memory_space<vmem>>
      %dma_wait3A_211 = arith.constant 0 : i32
      %dma_wait3A_212 = arith.constant 0 : i32
      %dma_wait3A_213 = tpu.memref_slice %arg13[%dma_wait3A_211, %dma_wait3A_212] : memref<10016x128xf32, #tpu.memory_space<vmem_shared>> -> memref<10016x128xf32, #tpu.memory_space<vmem_shared>>
      tpu.wait_indirect_dma semaphore(%arg20 : memref<!tpu.dma_semaphore, #tpu.memory_space<semaphore_mem>>) src(%arg11 : memref<64x128xf32, #tpu.memory_space<vmem>>) dst(%dma_wait3A_213 : memref<10016x128xf32, #tpu.memory_space<vmem_shared>>)
      %add3A_214 = arith.constant 4 : i32
      %add3A_215 = arith.addi %add3A_205, %add3A_214 : i32
      %lt3A_216 = arith.constant 160 : i32
      %lt3A_217 = arith.cmpi slt, %add3A_215, %lt3A_216 : i32
      %convert_element_type3A_218 = arith.extui %lt3A_217 : i1 to i32
      %cond3A_219 = arith.constant 0 : i32
      %cond3A_220 = arith.cmpi ne, %convert_element_type3A_218, %cond3A_219 : i32
      scf.if %cond3A_220 {
        %add3A_244 = arith.constant 4 : i32
        %add3A_245 = arith.addi %add3A_205, %add3A_244 : i32
        %rem3A_246 = arith.constant 32 : i32
        %rem3A_247 = arith.remsi %add3A_245, %rem3A_246 : i32
        %dma_start3A_248 = arith.constant 0 : i32
        %dma_start3A_249 = tpu.memref_slice %arg7[%rem3A_247, %dma_start3A_248] : memref<32x64xi32, #tpu.memory_space<vmem>> -> memref<1x64xi32, #tpu.memory_space<vmem>>
        %dma_start3A_250 = tpu.memref_squeeze %dma_start3A_249 : memref<1x64xi32, #tpu.memory_space<vmem>> -> memref<64xi32, #tpu.memory_space<vmem>>
        %dma_start3A_251 = arith.constant 0 : i32
        %dma_start3A_252 = arith.constant 0 : i32
        %dma_start3A_253 = tpu.memref_slice %arg4[%dma_start3A_251, %dma_start3A_252] : memref<10016x128xf32, #tpu.memory_space<hbm>> -> memref<10016x128xf32, #tpu.memory_space<hbm>>
        tpu.enqueue_indirect_dma source(%dma_start3A_253 : memref<10016x128xf32, #tpu.memory_space<hbm>>) target(%arg11 : memref<64x128xf32, #tpu.memory_space<vmem>>) offsets(%dma_start3A_250 : memref<64xi32, #tpu.memory_space<vmem>>) semaphore(%arg16 : memref<!tpu.dma_semaphore, #tpu.memory_space<semaphore_mem>>)
      } else {
      }
      %mul3A_221 = arith.constant 16 : i32
      %mul3A_222 = arith.muli %scan3A_42, %mul3A_221 : i32
      %add3A_223 = arith.constant 12 : i32
      %add3A_224 = arith.addi %mul3A_222, %add3A_223 : i32
      %add3A_225 = arith.constant 2 : i32
      %add3A_226 = arith.addi %add3A_224, %add3A_225 : i32
      %add3A_227 = arith.constant 1 : i32
      %add3A_228 = arith.addi %add3A_226, %add3A_227 : i32
      %rem3A_229 = arith.constant 32 : i32
      %rem3A_230 = arith.remsi %add3A_228, %rem3A_229 : i32
      %dma_wait3A_231 = arith.constant 0 : i32
      %dma_wait3A_232 = tpu.memref_slice %arg8[%rem3A_230, %dma_wait3A_231] : memref<32x64xi32, #tpu.memory_space<vmem>> -> memref<1x64xi32, #tpu.memory_space<vmem>>
      %dma_wait3A_233 = tpu.memref_squeeze %dma_wait3A_232 : memref<1x64xi32, #tpu.memory_space<vmem>> -> memref<64xi32, #tpu.memory_space<vmem>>
      %dma_wait3A_234 = arith.constant 0 : i32
      %dma_wait3A_235 = arith.constant 0 : i32
      %dma_wait3A_236 = tpu.memref_slice %arg13[%dma_wait3A_234, %dma_wait3A_235] : memref<10016x128xf32, #tpu.memory_space<vmem_shared>> -> memref<10016x128xf32, #tpu.memory_space<vmem_shared>>
      tpu.wait_indirect_dma semaphore(%arg21 : memref<!tpu.dma_semaphore, #tpu.memory_space<semaphore_mem>>) src(%arg12 : memref<64x128xf32, #tpu.memory_space<vmem>>) dst(%dma_wait3A_236 : memref<10016x128xf32, #tpu.memory_space<vmem_shared>>)
      %add3A_237 = arith.constant 4 : i32
      %add3A_238 = arith.addi %add3A_228, %add3A_237 : i32
      %lt3A_239 = arith.constant 160 : i32
      %lt3A_240 = arith.cmpi slt, %add3A_238, %lt3A_239 : i32
      %convert_element_type3A_241 = arith.extui %lt3A_240 : i1 to i32
      %cond3A_242 = arith.constant 0 : i32
      %cond3A_243 = arith.cmpi ne, %convert_element_type3A_241, %cond3A_242 : i32
      scf.if %cond3A_243 {
        %add3A_244 = arith.constant 4 : i32
        %add3A_245 = arith.addi %add3A_228, %add3A_244 : i32
        %rem3A_246 = arith.constant 32 : i32
        %rem3A_247 = arith.remsi %add3A_245, %rem3A_246 : i32
        %dma_start3A_248 = arith.constant 0 : i32
        %dma_start3A_249 = tpu.memref_slice %arg7[%rem3A_247, %dma_start3A_248] : memref<32x64xi32, #tpu.memory_space<vmem>> -> memref<1x64xi32, #tpu.memory_space<vmem>>
        %dma_start3A_250 = tpu.memref_squeeze %dma_start3A_249 : memref<1x64xi32, #tpu.memory_space<vmem>> -> memref<64xi32, #tpu.memory_space<vmem>>
        %dma_start3A_251 = arith.constant 0 : i32
        %dma_start3A_252 = arith.constant 0 : i32
        %dma_start3A_253 = tpu.memref_slice %arg4[%dma_start3A_251, %dma_start3A_252] : memref<10016x128xf32, #tpu.memory_space<hbm>> -> memref<10016x128xf32, #tpu.memory_space<hbm>>
        tpu.enqueue_indirect_dma source(%dma_start3A_253 : memref<10016x128xf32, #tpu.memory_space<hbm>>) target(%arg12 : memref<64x128xf32, #tpu.memory_space<vmem>>) offsets(%dma_start3A_250 : memref<64xi32, #tpu.memory_space<vmem>>) semaphore(%arg17 : memref<!tpu.dma_semaphore, #tpu.memory_space<semaphore_mem>>)
      } else {
      }
    }
    %scan3A_36 = arith.constant 10 : i32
    "tpu.trace_stop"() : () -> ()
    %barrier3A_37 = arith.constant 0 : index
    tpu.barrier barrier_id(%barrier3A_37)
    "tpu.trace_start"() <{level = 10 : i32, message = "publish"}> : () -> ()
    %mul3A_38 = arith.constant 626 : i32
    %mul3A_39 = arith.muli %arg1, %mul3A_38 : i32
    %mul3A_40 = arith.constant 626 : i32
    %mul3A_41 = arith.muli %arg1, %mul3A_40 : i32
    "tpu.region"() ({
      %run_scoped3A = tpu.sem_alloc : memref<!tpu.dma_semaphore, #tpu.memory_space<semaphore_mem>>
      %dma_start3A_42 = arith.constant 0 : i32
      %dma_start3A_43 = tpu.memref_slice %arg6[%arg0, %mul3A_41, %dma_start3A_42] : memref<2x10016x128xf32, #tpu.memory_space<hbm>> -> memref<1x626x128xf32, #tpu.memory_space<hbm>>
      %dma_start3A_44 = tpu.memref_squeeze %dma_start3A_43 : memref<1x626x128xf32, #tpu.memory_space<hbm>> -> memref<626x128xf32, #tpu.memory_space<hbm>>
      %dma_start3A_45 = arith.constant 0 : i32
      %dma_start3A_46 = tpu.memref_slice %arg13[%mul3A_39, %dma_start3A_45] : memref<10016x128xf32, #tpu.memory_space<vmem_shared>> -> memref<626x128xf32, #tpu.memory_space<vmem_shared>>
      tpu.enqueue_dma source(%dma_start3A_46 : memref<626x128xf32, #tpu.memory_space<vmem_shared>>) target(%dma_start3A_44 : memref<626x128xf32, #tpu.memory_space<hbm>>) target_semaphore(%run_scoped3A : memref<!tpu.dma_semaphore, #tpu.memory_space<semaphore_mem>>)
      %dma_wait3A = arith.constant 0 : i32
      %dma_wait3A_47 = tpu.memref_slice %arg6[%arg0, %mul3A_41, %dma_wait3A] : memref<2x10016x128xf32, #tpu.memory_space<hbm>> -> memref<1x626x128xf32, #tpu.memory_space<hbm>>
      %dma_wait3A_48 = tpu.memref_squeeze %dma_wait3A_47 : memref<1x626x128xf32, #tpu.memory_space<hbm>> -> memref<626x128xf32, #tpu.memory_space<hbm>>
      %dma_wait3A_49 = arith.constant 0 : i32
      %dma_wait3A_50 = tpu.memref_slice %arg13[%mul3A_39, %dma_wait3A_49] : memref<10016x128xf32, #tpu.memory_space<vmem_shared>> -> memref<626x128xf32, #tpu.memory_space<vmem_shared>>
      tpu.wait_dma2 semaphore(%run_scoped3A : memref<!tpu.dma_semaphore, #tpu.memory_space<semaphore_mem>>) src(%dma_wait3A_50 : memref<626x128xf32, #tpu.memory_space<vmem_shared>>) dst(%dma_wait3A_48 : memref<626x128xf32, #tpu.memory_space<hbm>>)
      tpu.yield
    }) : () -> ()
    "tpu.trace_stop"() : () -> ()
    return
  }
}

#map = affine_map<(d0, d1) -> (0, 0)>
#map1 = affine_map<(d0, d1) -> (0, 0, 0)>
module attributes {stable_mosaic.version = 14 : i64} {
  func.func @sc_aggregate(%arg0: i32, %arg1: i32, %arg2: memref<5120x64xi32, #tpu.memory_space<hbm>>, %arg3: memref<5120x64xi32, #tpu.memory_space<hbm>>, %arg4: memref<10016x128xf32, #tpu.memory_space<hbm>>, %arg5: memref<626x128xf32, #tpu.memory_space<hbm>>, %arg6: memref<626x16xf32, #tpu.memory_space<hbm>>, %arg7: memref<64x16xf32, #tpu.memory_space<hbm>>, %arg8: memref<2x10016x128xf32, #tpu.memory_space<hbm>>, %arg9: memref<2x10016x16xf32, #tpu.memory_space<hbm>>, %arg10: memref<32x64xi32, #tpu.memory_space<vmem>>, %arg11: memref<32x64xi32, #tpu.memory_space<vmem>>, %arg12: memref<64x128xf32, #tpu.memory_space<vmem>>, %arg13: memref<64x128xf32, #tpu.memory_space<vmem>>, %arg14: memref<64x128xf32, #tpu.memory_space<vmem>>, %arg15: memref<64x128xf32, #tpu.memory_space<vmem>>, %arg16: memref<10016x128xf32, #tpu.memory_space<vmem_shared>>, %arg17: memref<!tpu.dma_semaphore, #tpu.memory_space<semaphore_mem>>, %arg18: memref<!tpu.dma_semaphore, #tpu.memory_space<semaphore_mem>>, %arg19: memref<!tpu.dma_semaphore, #tpu.memory_space<semaphore_mem>>, %arg20: memref<!tpu.dma_semaphore, #tpu.memory_space<semaphore_mem>>, %arg21: memref<!tpu.dma_semaphore, #tpu.memory_space<semaphore_mem>>, %arg22: memref<!tpu.dma_semaphore, #tpu.memory_space<semaphore_mem>>, %arg23: memref<!tpu.dma_semaphore, #tpu.memory_space<semaphore_mem>>, %arg24: memref<!tpu.dma_semaphore, #tpu.memory_space<semaphore_mem>>, %arg25: memref<!tpu.dma_semaphore, #tpu.memory_space<semaphore_mem>>, %arg26: memref<64x16xf32, #tpu.memory_space<vmem>>, %arg27: memref<10016x16xf32, #tpu.memory_space<vmem_shared>>, %arg28: memref<!tpu.dma_semaphore, #tpu.memory_space<semaphore_mem>>, %arg29: memref<!tpu.dma_semaphore, #tpu.memory_space<semaphore_mem>>, %arg30: memref<!tpu.dma_semaphore, #tpu.memory_space<semaphore_mem>>, %arg31: memref<!tpu.dma_semaphore, #tpu.memory_space<semaphore_mem>>) attributes {dimension_semantics = [#tpu.dimension_semantics<core_parallel>, #tpu.dimension_semantics<subcore_parallel>], iteration_bounds = array<i64: 2, 16>, scalar_prefetch = 0 : i64, scratch_operands = 22 : i64, tpu.core_type = #tpu.core_type<sc_vector_subcore>, window_params = [{transform_indices = #map}, {transform_indices = #map}, {transform_indices = #map}, {transform_indices = #map}, {transform_indices = #map}, {transform_indices = #map}, {transform_indices = #map1}, {transform_indices = #map1}]} {
    %mul3A = arith.constant 2 : i32
    %mul3A_0 = arith.muli %arg1, %mul3A : i32
    %add3A = arith.addi %mul3A_0, %arg0 : i32
    %mul3A_1 = arith.constant 160 : i32
    %mul3A_2 = arith.muli %add3A, %mul3A_1 : i32
    "tpu.trace_start"() <{level = 10 : i32, message = "zero_stage"}> : () -> ()
    %mul3A_3 = arith.constant 626 : i32
    %mul3A_4 = arith.muli %arg1, %mul3A_3 : i32
    "tpu.region"() ({
      %run_scoped3A = tpu.sem_alloc : memref<!tpu.dma_semaphore, #tpu.memory_space<semaphore_mem>>
      %dma_start3A_48 = arith.constant 0 : i32
      %dma_start3A_49 = tpu.memref_slice %arg16[%mul3A_4, %dma_start3A_48] : memref<10016x128xf32, #tpu.memory_space<vmem_shared>> -> memref<626x128xf32, #tpu.memory_space<vmem_shared>>
      tpu.enqueue_dma source(%arg5 : memref<626x128xf32, #tpu.memory_space<hbm>>) target(%dma_start3A_49 : memref<626x128xf32, #tpu.memory_space<vmem_shared>>) target_semaphore(%run_scoped3A : memref<!tpu.dma_semaphore, #tpu.memory_space<semaphore_mem>>)
      %dma_wait3A = arith.constant 0 : i32
      %dma_wait3A_50 = tpu.memref_slice %arg16[%mul3A_4, %dma_wait3A] : memref<10016x128xf32, #tpu.memory_space<vmem_shared>> -> memref<626x128xf32, #tpu.memory_space<vmem_shared>>
      tpu.wait_dma2 semaphore(%run_scoped3A : memref<!tpu.dma_semaphore, #tpu.memory_space<semaphore_mem>>) src(%arg5 : memref<626x128xf32, #tpu.memory_space<hbm>>) dst(%dma_wait3A_50 : memref<626x128xf32, #tpu.memory_space<vmem_shared>>)
      tpu.yield
    }) : () -> ()
    %mul3A_5 = arith.constant 626 : i32
    %mul3A_6 = arith.muli %arg1, %mul3A_5 : i32
    "tpu.region"() ({
      %run_scoped3A = tpu.sem_alloc : memref<!tpu.dma_semaphore, #tpu.memory_space<semaphore_mem>>
      %dma_start3A_48 = arith.constant 0 : i32
      %dma_start3A_49 = tpu.memref_slice %arg27[%mul3A_6, %dma_start3A_48] : memref<10016x16xf32, #tpu.memory_space<vmem_shared>> -> memref<626x16xf32, #tpu.memory_space<vmem_shared>>
      tpu.enqueue_dma source(%arg6 : memref<626x16xf32, #tpu.memory_space<hbm>>) target(%dma_start3A_49 : memref<626x16xf32, #tpu.memory_space<vmem_shared>>) target_semaphore(%run_scoped3A : memref<!tpu.dma_semaphore, #tpu.memory_space<semaphore_mem>>)
      %dma_wait3A = arith.constant 0 : i32
      %dma_wait3A_50 = tpu.memref_slice %arg27[%mul3A_6, %dma_wait3A] : memref<10016x16xf32, #tpu.memory_space<vmem_shared>> -> memref<626x16xf32, #tpu.memory_space<vmem_shared>>
      tpu.wait_dma2 semaphore(%run_scoped3A : memref<!tpu.dma_semaphore, #tpu.memory_space<semaphore_mem>>) src(%arg6 : memref<626x16xf32, #tpu.memory_space<hbm>>) dst(%dma_wait3A_50 : memref<626x16xf32, #tpu.memory_space<vmem_shared>>)
      tpu.yield
    }) : () -> ()
    "tpu.region"() ({
      %run_scoped3A = tpu.sem_alloc : memref<!tpu.dma_semaphore, #tpu.memory_space<semaphore_mem>>
      tpu.enqueue_dma source(%arg7 : memref<64x16xf32, #tpu.memory_space<hbm>>) target(%arg26 : memref<64x16xf32, #tpu.memory_space<vmem>>) target_semaphore(%run_scoped3A : memref<!tpu.dma_semaphore, #tpu.memory_space<semaphore_mem>>)
      tpu.wait_dma2 semaphore(%run_scoped3A : memref<!tpu.dma_semaphore, #tpu.memory_space<semaphore_mem>>) src(%arg7 : memref<64x16xf32, #tpu.memory_space<hbm>>) dst(%arg26 : memref<64x16xf32, #tpu.memory_space<vmem>>)
      tpu.yield
    }) : () -> ()
    "tpu.region"() ({
      %run_scoped3A = tpu.sem_alloc : memref<!tpu.dma_semaphore, #tpu.memory_space<semaphore_mem>>
      %dma_start3A_48 = arith.constant 0 : i32
      %dma_start3A_49 = arith.constant 0 : i32
      %dma_start3A_50 = tpu.memref_slice %arg10[%dma_start3A_48, %dma_start3A_49] : memref<32x64xi32, #tpu.memory_space<vmem>> -> memref<16x64xi32, #tpu.memory_space<vmem>>
      %dma_start3A_51 = arith.constant 0 : i32
      %dma_start3A_52 = tpu.memref_slice %arg2[%mul3A_2, %dma_start3A_51] : memref<5120x64xi32, #tpu.memory_space<hbm>> -> memref<16x64xi32, #tpu.memory_space<hbm>>
      %dma_start3A_53 = arith.constant 0 : i32
      %dma_start3A_54 = arith.constant 0 : i32
      %dma_start3A_55 = tpu.memref_slice %arg10[%dma_start3A_53, %dma_start3A_54] : memref<32x64xi32, #tpu.memory_space<vmem>> -> memref<16x64xi32, #tpu.memory_space<vmem>>
      %dma_start3A_56 = arith.constant 0 : i32
      %dma_start3A_57 = tpu.memref_slice %arg2[%mul3A_2, %dma_start3A_56] : memref<5120x64xi32, #tpu.memory_space<hbm>> -> memref<16x64xi32, #tpu.memory_space<hbm>>
      tpu.enqueue_dma source(%dma_start3A_57 : memref<16x64xi32, #tpu.memory_space<hbm>>) target(%dma_start3A_55 : memref<16x64xi32, #tpu.memory_space<vmem>>) target_semaphore(%run_scoped3A : memref<!tpu.dma_semaphore, #tpu.memory_space<semaphore_mem>>)
      %dma_wait3A = arith.constant 0 : i32
      %dma_wait3A_58 = arith.constant 0 : i32
      %dma_wait3A_59 = tpu.memref_slice %arg10[%dma_wait3A, %dma_wait3A_58] : memref<32x64xi32, #tpu.memory_space<vmem>> -> memref<16x64xi32, #tpu.memory_space<vmem>>
      %dma_wait3A_60 = arith.constant 0 : i32
      %dma_wait3A_61 = tpu.memref_slice %arg2[%mul3A_2, %dma_wait3A_60] : memref<5120x64xi32, #tpu.memory_space<hbm>> -> memref<16x64xi32, #tpu.memory_space<hbm>>
      %dma_wait3A_62 = arith.constant 0 : i32
      %dma_wait3A_63 = arith.constant 0 : i32
      %dma_wait3A_64 = tpu.memref_slice %arg10[%dma_wait3A_62, %dma_wait3A_63] : memref<32x64xi32, #tpu.memory_space<vmem>> -> memref<16x64xi32, #tpu.memory_space<vmem>>
      %dma_wait3A_65 = arith.constant 0 : i32
      %dma_wait3A_66 = tpu.memref_slice %arg2[%mul3A_2, %dma_wait3A_65] : memref<5120x64xi32, #tpu.memory_space<hbm>> -> memref<16x64xi32, #tpu.memory_space<hbm>>
      tpu.wait_dma2 semaphore(%run_scoped3A : memref<!tpu.dma_semaphore, #tpu.memory_space<semaphore_mem>>) src(%dma_wait3A_66 : memref<16x64xi32, #tpu.memory_space<hbm>>) dst(%dma_wait3A_64 : memref<16x64xi32, #tpu.memory_space<vmem>>)
      tpu.yield
    }) : () -> ()
    "tpu.region"() ({
      %run_scoped3A = tpu.sem_alloc : memref<!tpu.dma_semaphore, #tpu.memory_space<semaphore_mem>>
      %dma_start3A_48 = arith.constant 0 : i32
      %dma_start3A_49 = arith.constant 0 : i32
      %dma_start3A_50 = tpu.memref_slice %arg11[%dma_start3A_48, %dma_start3A_49] : memref<32x64xi32, #tpu.memory_space<vmem>> -> memref<16x64xi32, #tpu.memory_space<vmem>>
      %dma_start3A_51 = arith.constant 0 : i32
      %dma_start3A_52 = tpu.memref_slice %arg3[%mul3A_2, %dma_start3A_51] : memref<5120x64xi32, #tpu.memory_space<hbm>> -> memref<16x64xi32, #tpu.memory_space<hbm>>
      %dma_start3A_53 = arith.constant 0 : i32
      %dma_start3A_54 = arith.constant 0 : i32
      %dma_start3A_55 = tpu.memref_slice %arg11[%dma_start3A_53, %dma_start3A_54] : memref<32x64xi32, #tpu.memory_space<vmem>> -> memref<16x64xi32, #tpu.memory_space<vmem>>
      %dma_start3A_56 = arith.constant 0 : i32
      %dma_start3A_57 = tpu.memref_slice %arg3[%mul3A_2, %dma_start3A_56] : memref<5120x64xi32, #tpu.memory_space<hbm>> -> memref<16x64xi32, #tpu.memory_space<hbm>>
      tpu.enqueue_dma source(%dma_start3A_57 : memref<16x64xi32, #tpu.memory_space<hbm>>) target(%dma_start3A_55 : memref<16x64xi32, #tpu.memory_space<vmem>>) target_semaphore(%run_scoped3A : memref<!tpu.dma_semaphore, #tpu.memory_space<semaphore_mem>>)
      %dma_wait3A = arith.constant 0 : i32
      %dma_wait3A_58 = arith.constant 0 : i32
      %dma_wait3A_59 = tpu.memref_slice %arg11[%dma_wait3A, %dma_wait3A_58] : memref<32x64xi32, #tpu.memory_space<vmem>> -> memref<16x64xi32, #tpu.memory_space<vmem>>
      %dma_wait3A_60 = arith.constant 0 : i32
      %dma_wait3A_61 = tpu.memref_slice %arg3[%mul3A_2, %dma_wait3A_60] : memref<5120x64xi32, #tpu.memory_space<hbm>> -> memref<16x64xi32, #tpu.memory_space<hbm>>
      %dma_wait3A_62 = arith.constant 0 : i32
      %dma_wait3A_63 = arith.constant 0 : i32
      %dma_wait3A_64 = tpu.memref_slice %arg11[%dma_wait3A_62, %dma_wait3A_63] : memref<32x64xi32, #tpu.memory_space<vmem>> -> memref<16x64xi32, #tpu.memory_space<vmem>>
      %dma_wait3A_65 = arith.constant 0 : i32
      %dma_wait3A_66 = tpu.memref_slice %arg3[%mul3A_2, %dma_wait3A_65] : memref<5120x64xi32, #tpu.memory_space<hbm>> -> memref<16x64xi32, #tpu.memory_space<hbm>>
      tpu.wait_dma2 semaphore(%run_scoped3A : memref<!tpu.dma_semaphore, #tpu.memory_space<semaphore_mem>>) src(%dma_wait3A_66 : memref<16x64xi32, #tpu.memory_space<hbm>>) dst(%dma_wait3A_64 : memref<16x64xi32, #tpu.memory_space<vmem>>)
      tpu.yield
    }) : () -> ()
    "tpu.trace_stop"() : () -> ()
    %barrier3A = arith.constant 0 : index
    tpu.barrier barrier_id(%barrier3A)
    %dma_start3A = arith.constant 0 : i32
    %dma_start3A_7 = arith.constant 0 : i32
    %dma_start3A_8 = tpu.memref_slice %arg10[%dma_start3A, %dma_start3A_7] : memref<32x64xi32, #tpu.memory_space<vmem>> -> memref<1x64xi32, #tpu.memory_space<vmem>>
    %dma_start3A_9 = tpu.memref_squeeze %dma_start3A_8 : memref<1x64xi32, #tpu.memory_space<vmem>> -> memref<64xi32, #tpu.memory_space<vmem>>
    %dma_start3A_10 = arith.constant 0 : i32
    %dma_start3A_11 = arith.constant 0 : i32
    %dma_start3A_12 = tpu.memref_slice %arg4[%dma_start3A_10, %dma_start3A_11] : memref<10016x128xf32, #tpu.memory_space<hbm>> -> memref<10016x128xf32, #tpu.memory_space<hbm>>
    tpu.enqueue_indirect_dma source(%dma_start3A_12 : memref<10016x128xf32, #tpu.memory_space<hbm>>) target(%arg12 : memref<64x128xf32, #tpu.memory_space<vmem>>) offsets(%dma_start3A_9 : memref<64xi32, #tpu.memory_space<vmem>>) semaphore(%arg17 : memref<!tpu.dma_semaphore, #tpu.memory_space<semaphore_mem>>)
    %dma_start3A_13 = arith.constant 1 : i32
    %dma_start3A_14 = arith.constant 0 : i32
    %dma_start3A_15 = tpu.memref_slice %arg10[%dma_start3A_13, %dma_start3A_14] : memref<32x64xi32, #tpu.memory_space<vmem>> -> memref<1x64xi32, #tpu.memory_space<vmem>>
    %dma_start3A_16 = tpu.memref_squeeze %dma_start3A_15 : memref<1x64xi32, #tpu.memory_space<vmem>> -> memref<64xi32, #tpu.memory_space<vmem>>
    %dma_start3A_17 = arith.constant 0 : i32
    %dma_start3A_18 = arith.constant 0 : i32
    %dma_start3A_19 = tpu.memref_slice %arg4[%dma_start3A_17, %dma_start3A_18] : memref<10016x128xf32, #tpu.memory_space<hbm>> -> memref<10016x128xf32, #tpu.memory_space<hbm>>
    tpu.enqueue_indirect_dma source(%dma_start3A_19 : memref<10016x128xf32, #tpu.memory_space<hbm>>) target(%arg13 : memref<64x128xf32, #tpu.memory_space<vmem>>) offsets(%dma_start3A_16 : memref<64xi32, #tpu.memory_space<vmem>>) semaphore(%arg18 : memref<!tpu.dma_semaphore, #tpu.memory_space<semaphore_mem>>)
    %dma_start3A_20 = arith.constant 2 : i32
    %dma_start3A_21 = arith.constant 0 : i32
    %dma_start3A_22 = tpu.memref_slice %arg10[%dma_start3A_20, %dma_start3A_21] : memref<32x64xi32, #tpu.memory_space<vmem>> -> memref<1x64xi32, #tpu.memory_space<vmem>>
    %dma_start3A_23 = tpu.memref_squeeze %dma_start3A_22 : memref<1x64xi32, #tpu.memory_space<vmem>> -> memref<64xi32, #tpu.memory_space<vmem>>
    %dma_start3A_24 = arith.constant 0 : i32
    %dma_start3A_25 = arith.constant 0 : i32
    %dma_start3A_26 = tpu.memref_slice %arg4[%dma_start3A_24, %dma_start3A_25] : memref<10016x128xf32, #tpu.memory_space<hbm>> -> memref<10016x128xf32, #tpu.memory_space<hbm>>
    tpu.enqueue_indirect_dma source(%dma_start3A_26 : memref<10016x128xf32, #tpu.memory_space<hbm>>) target(%arg14 : memref<64x128xf32, #tpu.memory_space<vmem>>) offsets(%dma_start3A_23 : memref<64xi32, #tpu.memory_space<vmem>>) semaphore(%arg19 : memref<!tpu.dma_semaphore, #tpu.memory_space<semaphore_mem>>)
    %dma_start3A_27 = arith.constant 3 : i32
    %dma_start3A_28 = arith.constant 0 : i32
    %dma_start3A_29 = tpu.memref_slice %arg10[%dma_start3A_27, %dma_start3A_28] : memref<32x64xi32, #tpu.memory_space<vmem>> -> memref<1x64xi32, #tpu.memory_space<vmem>>
    %dma_start3A_30 = tpu.memref_squeeze %dma_start3A_29 : memref<1x64xi32, #tpu.memory_space<vmem>> -> memref<64xi32, #tpu.memory_space<vmem>>
    %dma_start3A_31 = arith.constant 0 : i32
    %dma_start3A_32 = arith.constant 0 : i32
    %dma_start3A_33 = tpu.memref_slice %arg4[%dma_start3A_31, %dma_start3A_32] : memref<10016x128xf32, #tpu.memory_space<hbm>> -> memref<10016x128xf32, #tpu.memory_space<hbm>>
    tpu.enqueue_indirect_dma source(%dma_start3A_33 : memref<10016x128xf32, #tpu.memory_space<hbm>>) target(%arg15 : memref<64x128xf32, #tpu.memory_space<vmem>>) offsets(%dma_start3A_30 : memref<64xi32, #tpu.memory_space<vmem>>) semaphore(%arg20 : memref<!tpu.dma_semaphore, #tpu.memory_space<semaphore_mem>>)
    "tpu.trace_start"() <{level = 10 : i32, message = "edge_loop"}> : () -> ()
    %scan3A = arith.constant 0 : i32
    %scan3A_34 = arith.constant 0 : i32
    %scan3A_35 = arith.constant 10 : i32
    %scan3A_36 = arith.addi %scan3A_34, %scan3A_35 : i32
    %scan3A_37 = arith.constant 1 : i32
    scf.for %scan3A_48 = %scan3A_34 to %scan3A_36 step %scan3A_37  : i32 {
      %add3A_49 = arith.constant 1 : i32
      %add3A_50 = arith.addi %scan3A_48, %add3A_49 : i32
      %mul3A_51 = arith.constant 16 : i32
      %mul3A_52 = arith.muli %add3A_50, %mul3A_51 : i32
      %rem3A = arith.constant 32 : i32
      %rem3A_53 = arith.remsi %mul3A_52, %rem3A : i32
      %add3A_54 = arith.constant 1 : i32
      %add3A_55 = arith.addi %scan3A_48, %add3A_54 : i32
      %lt3A = arith.constant 10 : i32
      %lt3A_56 = arith.cmpi slt, %add3A_55, %lt3A : i32
      %convert_element_type3A = arith.extui %lt3A_56 : i1 to i32
      %cond3A = arith.constant 0 : i32
      %cond3A_57 = arith.cmpi ne, %convert_element_type3A, %cond3A : i32
      scf.if %cond3A_57 {
        %add3A_298 = arith.constant 1 : i32
        %add3A_299 = arith.addi %scan3A_48, %add3A_298 : i32
        %mul3A_300 = arith.constant 16 : i32
        %mul3A_301 = arith.muli %add3A_299, %mul3A_300 : i32
        %add3A_302 = arith.addi %mul3A_2, %mul3A_301 : i32
        %dma_start3A_303 = arith.constant 0 : i32
        %dma_start3A_304 = tpu.memref_slice %arg10[%rem3A_53, %dma_start3A_303] : memref<32x64xi32, #tpu.memory_space<vmem>> -> memref<16x64xi32, #tpu.memory_space<vmem>>
        %dma_start3A_305 = arith.constant 0 : i32
        %dma_start3A_306 = tpu.memref_slice %arg2[%add3A_302, %dma_start3A_305] : memref<5120x64xi32, #tpu.memory_space<hbm>> -> memref<16x64xi32, #tpu.memory_space<hbm>>
        %dma_start3A_307 = arith.constant 0 : i32
        %dma_start3A_308 = tpu.memref_slice %arg10[%rem3A_53, %dma_start3A_307] : memref<32x64xi32, #tpu.memory_space<vmem>> -> memref<16x64xi32, #tpu.memory_space<vmem>>
        %dma_start3A_309 = arith.constant 0 : i32
        %dma_start3A_310 = tpu.memref_slice %arg2[%add3A_302, %dma_start3A_309] : memref<5120x64xi32, #tpu.memory_space<hbm>> -> memref<16x64xi32, #tpu.memory_space<hbm>>
        tpu.enqueue_dma source(%dma_start3A_310 : memref<16x64xi32, #tpu.memory_space<hbm>>) target(%dma_start3A_308 : memref<16x64xi32, #tpu.memory_space<vmem>>) target_semaphore(%arg25 : memref<!tpu.dma_semaphore, #tpu.memory_space<semaphore_mem>>)
        %add3A_311 = arith.constant 1 : i32
        %add3A_312 = arith.addi %scan3A_48, %add3A_311 : i32
        %mul3A_313 = arith.constant 16 : i32
        %mul3A_314 = arith.muli %add3A_312, %mul3A_313 : i32
        %add3A_315 = arith.addi %mul3A_2, %mul3A_314 : i32
        %dma_start3A_316 = arith.constant 0 : i32
        %dma_start3A_317 = tpu.memref_slice %arg11[%rem3A_53, %dma_start3A_316] : memref<32x64xi32, #tpu.memory_space<vmem>> -> memref<16x64xi32, #tpu.memory_space<vmem>>
        %dma_start3A_318 = arith.constant 0 : i32
        %dma_start3A_319 = tpu.memref_slice %arg3[%add3A_315, %dma_start3A_318] : memref<5120x64xi32, #tpu.memory_space<hbm>> -> memref<16x64xi32, #tpu.memory_space<hbm>>
        %dma_start3A_320 = arith.constant 0 : i32
        %dma_start3A_321 = tpu.memref_slice %arg11[%rem3A_53, %dma_start3A_320] : memref<32x64xi32, #tpu.memory_space<vmem>> -> memref<16x64xi32, #tpu.memory_space<vmem>>
        %dma_start3A_322 = arith.constant 0 : i32
        %dma_start3A_323 = tpu.memref_slice %arg3[%add3A_315, %dma_start3A_322] : memref<5120x64xi32, #tpu.memory_space<hbm>> -> memref<16x64xi32, #tpu.memory_space<hbm>>
        tpu.enqueue_dma source(%dma_start3A_323 : memref<16x64xi32, #tpu.memory_space<hbm>>) target(%dma_start3A_321 : memref<16x64xi32, #tpu.memory_space<vmem>>) target_semaphore(%arg25 : memref<!tpu.dma_semaphore, #tpu.memory_space<semaphore_mem>>)
      } else {
      }
      %scan3A_58 = arith.constant 0 : i32
      %scan3A_59 = arith.constant 0 : i32
      %scan3A_60 = arith.constant 3 : i32
      %scan3A_61 = arith.addi %scan3A_59, %scan3A_60 : i32
      %scan3A_62 = arith.constant 1 : i32
      scf.for %scan3A_298 = %scan3A_59 to %scan3A_61 step %scan3A_62  : i32 {
        %mul3A_299 = arith.constant 16 : i32
        %mul3A_300 = arith.muli %scan3A_48, %mul3A_299 : i32
        %mul3A_301 = arith.constant 4 : i32
        %mul3A_302 = arith.muli %scan3A_298, %mul3A_301 : i32
        %add3A_303 = arith.addi %mul3A_300, %mul3A_302 : i32
        %add3A_304 = arith.constant 0 : i32
        %add3A_305 = arith.addi %add3A_303, %add3A_304 : i32
        %add3A_306 = arith.constant 0 : i32
        %add3A_307 = arith.addi %add3A_305, %add3A_306 : i32
        %rem3A_308 = arith.constant 32 : i32
        %rem3A_309 = arith.remsi %add3A_307, %rem3A_308 : i32
        %dma_wait3A_310 = arith.constant 0 : i32
        %dma_wait3A_311 = tpu.memref_slice %arg10[%rem3A_309, %dma_wait3A_310] : memref<32x64xi32, #tpu.memory_space<vmem>> -> memref<1x64xi32, #tpu.memory_space<vmem>>
        %dma_wait3A_312 = tpu.memref_squeeze %dma_wait3A_311 : memref<1x64xi32, #tpu.memory_space<vmem>> -> memref<64xi32, #tpu.memory_space<vmem>>
        %dma_wait3A_313 = arith.constant 0 : i32
        %dma_wait3A_314 = arith.constant 0 : i32
        %dma_wait3A_315 = tpu.memref_slice %arg4[%dma_wait3A_313, %dma_wait3A_314] : memref<10016x128xf32, #tpu.memory_space<hbm>> -> memref<10016x128xf32, #tpu.memory_space<hbm>>
        tpu.wait_indirect_dma semaphore(%arg17 : memref<!tpu.dma_semaphore, #tpu.memory_space<semaphore_mem>>) src(%dma_wait3A_315 : memref<10016x128xf32, #tpu.memory_space<hbm>>) dst(%arg12 : memref<64x128xf32, #tpu.memory_space<vmem>>)
        %dma_start3A_316 = arith.constant 0 : i32
        %dma_start3A_317 = tpu.memref_slice %arg11[%rem3A_309, %dma_start3A_316] : memref<32x64xi32, #tpu.memory_space<vmem>> -> memref<1x64xi32, #tpu.memory_space<vmem>>
        %dma_start3A_318 = tpu.memref_squeeze %dma_start3A_317 : memref<1x64xi32, #tpu.memory_space<vmem>> -> memref<64xi32, #tpu.memory_space<vmem>>
        %dma_start3A_319 = arith.constant 0 : i32
        %dma_start3A_320 = arith.constant 0 : i32
        %dma_start3A_321 = tpu.memref_slice %arg16[%dma_start3A_319, %dma_start3A_320] : memref<10016x128xf32, #tpu.memory_space<vmem_shared>> -> memref<10016x128xf32, #tpu.memory_space<vmem_shared>>
        tpu.enqueue_indirect_dma source(%arg12 : memref<64x128xf32, #tpu.memory_space<vmem>>) target(%dma_start3A_321 : memref<10016x128xf32, #tpu.memory_space<vmem_shared>>) offsets(%dma_start3A_318 : memref<64xi32, #tpu.memory_space<vmem>>) semaphore(%arg21 : memref<!tpu.dma_semaphore, #tpu.memory_space<semaphore_mem>>) {add = true}
        %dma_start3A_322 = arith.constant 0 : i32
        %dma_start3A_323 = tpu.memref_slice %arg11[%rem3A_309, %dma_start3A_322] : memref<32x64xi32, #tpu.memory_space<vmem>> -> memref<1x64xi32, #tpu.memory_space<vmem>>
        %dma_start3A_324 = tpu.memref_squeeze %dma_start3A_323 : memref<1x64xi32, #tpu.memory_space<vmem>> -> memref<64xi32, #tpu.memory_space<vmem>>
        %dma_start3A_325 = arith.constant 0 : i32
        %dma_start3A_326 = arith.constant 0 : i32
        %dma_start3A_327 = tpu.memref_slice %arg27[%dma_start3A_325, %dma_start3A_326] : memref<10016x16xf32, #tpu.memory_space<vmem_shared>> -> memref<10016x16xf32, #tpu.memory_space<vmem_shared>>
        tpu.enqueue_indirect_dma source(%arg26 : memref<64x16xf32, #tpu.memory_space<vmem>>) target(%dma_start3A_327 : memref<10016x16xf32, #tpu.memory_space<vmem_shared>>) offsets(%dma_start3A_324 : memref<64xi32, #tpu.memory_space<vmem>>) semaphore(%arg28 : memref<!tpu.dma_semaphore, #tpu.memory_space<semaphore_mem>>) {add = true}
        %mul3A_328 = arith.constant 16 : i32
        %mul3A_329 = arith.muli %scan3A_48, %mul3A_328 : i32
        %mul3A_330 = arith.constant 4 : i32
        %mul3A_331 = arith.muli %scan3A_298, %mul3A_330 : i32
        %add3A_332 = arith.addi %mul3A_329, %mul3A_331 : i32
        %add3A_333 = arith.constant 0 : i32
        %add3A_334 = arith.addi %add3A_332, %add3A_333 : i32
        %add3A_335 = arith.constant 1 : i32
        %add3A_336 = arith.addi %add3A_334, %add3A_335 : i32
        %rem3A_337 = arith.constant 32 : i32
        %rem3A_338 = arith.remsi %add3A_336, %rem3A_337 : i32
        %dma_wait3A_339 = arith.constant 0 : i32
        %dma_wait3A_340 = tpu.memref_slice %arg10[%rem3A_338, %dma_wait3A_339] : memref<32x64xi32, #tpu.memory_space<vmem>> -> memref<1x64xi32, #tpu.memory_space<vmem>>
        %dma_wait3A_341 = tpu.memref_squeeze %dma_wait3A_340 : memref<1x64xi32, #tpu.memory_space<vmem>> -> memref<64xi32, #tpu.memory_space<vmem>>
        %dma_wait3A_342 = arith.constant 0 : i32
        %dma_wait3A_343 = arith.constant 0 : i32
        %dma_wait3A_344 = tpu.memref_slice %arg4[%dma_wait3A_342, %dma_wait3A_343] : memref<10016x128xf32, #tpu.memory_space<hbm>> -> memref<10016x128xf32, #tpu.memory_space<hbm>>
        tpu.wait_indirect_dma semaphore(%arg18 : memref<!tpu.dma_semaphore, #tpu.memory_space<semaphore_mem>>) src(%dma_wait3A_344 : memref<10016x128xf32, #tpu.memory_space<hbm>>) dst(%arg13 : memref<64x128xf32, #tpu.memory_space<vmem>>)
        %dma_start3A_345 = arith.constant 0 : i32
        %dma_start3A_346 = tpu.memref_slice %arg11[%rem3A_338, %dma_start3A_345] : memref<32x64xi32, #tpu.memory_space<vmem>> -> memref<1x64xi32, #tpu.memory_space<vmem>>
        %dma_start3A_347 = tpu.memref_squeeze %dma_start3A_346 : memref<1x64xi32, #tpu.memory_space<vmem>> -> memref<64xi32, #tpu.memory_space<vmem>>
        %dma_start3A_348 = arith.constant 0 : i32
        %dma_start3A_349 = arith.constant 0 : i32
        %dma_start3A_350 = tpu.memref_slice %arg16[%dma_start3A_348, %dma_start3A_349] : memref<10016x128xf32, #tpu.memory_space<vmem_shared>> -> memref<10016x128xf32, #tpu.memory_space<vmem_shared>>
        tpu.enqueue_indirect_dma source(%arg13 : memref<64x128xf32, #tpu.memory_space<vmem>>) target(%dma_start3A_350 : memref<10016x128xf32, #tpu.memory_space<vmem_shared>>) offsets(%dma_start3A_347 : memref<64xi32, #tpu.memory_space<vmem>>) semaphore(%arg22 : memref<!tpu.dma_semaphore, #tpu.memory_space<semaphore_mem>>) {add = true}
        %dma_start3A_351 = arith.constant 0 : i32
        %dma_start3A_352 = tpu.memref_slice %arg11[%rem3A_338, %dma_start3A_351] : memref<32x64xi32, #tpu.memory_space<vmem>> -> memref<1x64xi32, #tpu.memory_space<vmem>>
        %dma_start3A_353 = tpu.memref_squeeze %dma_start3A_352 : memref<1x64xi32, #tpu.memory_space<vmem>> -> memref<64xi32, #tpu.memory_space<vmem>>
        %dma_start3A_354 = arith.constant 0 : i32
        %dma_start3A_355 = arith.constant 0 : i32
        %dma_start3A_356 = tpu.memref_slice %arg27[%dma_start3A_354, %dma_start3A_355] : memref<10016x16xf32, #tpu.memory_space<vmem_shared>> -> memref<10016x16xf32, #tpu.memory_space<vmem_shared>>
        tpu.enqueue_indirect_dma source(%arg26 : memref<64x16xf32, #tpu.memory_space<vmem>>) target(%dma_start3A_356 : memref<10016x16xf32, #tpu.memory_space<vmem_shared>>) offsets(%dma_start3A_353 : memref<64xi32, #tpu.memory_space<vmem>>) semaphore(%arg29 : memref<!tpu.dma_semaphore, #tpu.memory_space<semaphore_mem>>) {add = true}
        %mul3A_357 = arith.constant 16 : i32
        %mul3A_358 = arith.muli %scan3A_48, %mul3A_357 : i32
        %mul3A_359 = arith.constant 4 : i32
        %mul3A_360 = arith.muli %scan3A_298, %mul3A_359 : i32
        %add3A_361 = arith.addi %mul3A_358, %mul3A_360 : i32
        %add3A_362 = arith.constant 0 : i32
        %add3A_363 = arith.addi %add3A_361, %add3A_362 : i32
        %add3A_364 = arith.constant 0 : i32
        %add3A_365 = arith.addi %add3A_363, %add3A_364 : i32
        %rem3A_366 = arith.constant 32 : i32
        %rem3A_367 = arith.remsi %add3A_365, %rem3A_366 : i32
        %dma_wait3A_368 = arith.constant 0 : i32
        %dma_wait3A_369 = tpu.memref_slice %arg11[%rem3A_367, %dma_wait3A_368] : memref<32x64xi32, #tpu.memory_space<vmem>> -> memref<1x64xi32, #tpu.memory_space<vmem>>
        %dma_wait3A_370 = tpu.memref_squeeze %dma_wait3A_369 : memref<1x64xi32, #tpu.memory_space<vmem>> -> memref<64xi32, #tpu.memory_space<vmem>>
        %dma_wait3A_371 = arith.constant 0 : i32
        %dma_wait3A_372 = arith.constant 0 : i32
        %dma_wait3A_373 = tpu.memref_slice %arg16[%dma_wait3A_371, %dma_wait3A_372] : memref<10016x128xf32, #tpu.memory_space<vmem_shared>> -> memref<10016x128xf32, #tpu.memory_space<vmem_shared>>
        tpu.wait_indirect_dma semaphore(%arg21 : memref<!tpu.dma_semaphore, #tpu.memory_space<semaphore_mem>>) src(%arg12 : memref<64x128xf32, #tpu.memory_space<vmem>>) dst(%dma_wait3A_373 : memref<10016x128xf32, #tpu.memory_space<vmem_shared>>)
        %dma_wait3A_374 = arith.constant 0 : i32
        %dma_wait3A_375 = tpu.memref_slice %arg11[%rem3A_367, %dma_wait3A_374] : memref<32x64xi32, #tpu.memory_space<vmem>> -> memref<1x64xi32, #tpu.memory_space<vmem>>
        %dma_wait3A_376 = tpu.memref_squeeze %dma_wait3A_375 : memref<1x64xi32, #tpu.memory_space<vmem>> -> memref<64xi32, #tpu.memory_space<vmem>>
        %dma_wait3A_377 = arith.constant 0 : i32
        %dma_wait3A_378 = arith.constant 0 : i32
        %dma_wait3A_379 = tpu.memref_slice %arg27[%dma_wait3A_377, %dma_wait3A_378] : memref<10016x16xf32, #tpu.memory_space<vmem_shared>> -> memref<10016x16xf32, #tpu.memory_space<vmem_shared>>
        tpu.wait_indirect_dma semaphore(%arg28 : memref<!tpu.dma_semaphore, #tpu.memory_space<semaphore_mem>>) src(%arg26 : memref<64x16xf32, #tpu.memory_space<vmem>>) dst(%dma_wait3A_379 : memref<10016x16xf32, #tpu.memory_space<vmem_shared>>)
        %add3A_380 = arith.constant 4 : i32
        %add3A_381 = arith.addi %add3A_365, %add3A_380 : i32
        %lt3A_382 = arith.constant 160 : i32
        %lt3A_383 = arith.cmpi slt, %add3A_381, %lt3A_382 : i32
        %convert_element_type3A_384 = arith.extui %lt3A_383 : i1 to i32
        %cond3A_385 = arith.constant 0 : i32
        %cond3A_386 = arith.cmpi ne, %convert_element_type3A_384, %cond3A_385 : i32
        scf.if %cond3A_386 {
          %add3A_535 = arith.constant 4 : i32
          %add3A_536 = arith.addi %add3A_365, %add3A_535 : i32
          %rem3A_537 = arith.constant 32 : i32
          %rem3A_538 = arith.remsi %add3A_536, %rem3A_537 : i32
          %dma_start3A_539 = arith.constant 0 : i32
          %dma_start3A_540 = tpu.memref_slice %arg10[%rem3A_538, %dma_start3A_539] : memref<32x64xi32, #tpu.memory_space<vmem>> -> memref<1x64xi32, #tpu.memory_space<vmem>>
          %dma_start3A_541 = tpu.memref_squeeze %dma_start3A_540 : memref<1x64xi32, #tpu.memory_space<vmem>> -> memref<64xi32, #tpu.memory_space<vmem>>
          %dma_start3A_542 = arith.constant 0 : i32
          %dma_start3A_543 = arith.constant 0 : i32
          %dma_start3A_544 = tpu.memref_slice %arg4[%dma_start3A_542, %dma_start3A_543] : memref<10016x128xf32, #tpu.memory_space<hbm>> -> memref<10016x128xf32, #tpu.memory_space<hbm>>
          tpu.enqueue_indirect_dma source(%dma_start3A_544 : memref<10016x128xf32, #tpu.memory_space<hbm>>) target(%arg12 : memref<64x128xf32, #tpu.memory_space<vmem>>) offsets(%dma_start3A_541 : memref<64xi32, #tpu.memory_space<vmem>>) semaphore(%arg17 : memref<!tpu.dma_semaphore, #tpu.memory_space<semaphore_mem>>)
        } else {
        }
        %mul3A_387 = arith.constant 16 : i32
        %mul3A_388 = arith.muli %scan3A_48, %mul3A_387 : i32
        %mul3A_389 = arith.constant 4 : i32
        %mul3A_390 = arith.muli %scan3A_298, %mul3A_389 : i32
        %add3A_391 = arith.addi %mul3A_388, %mul3A_390 : i32
        %add3A_392 = arith.constant 0 : i32
        %add3A_393 = arith.addi %add3A_391, %add3A_392 : i32
        %add3A_394 = arith.constant 1 : i32
        %add3A_395 = arith.addi %add3A_393, %add3A_394 : i32
        %rem3A_396 = arith.constant 32 : i32
        %rem3A_397 = arith.remsi %add3A_395, %rem3A_396 : i32
        %dma_wait3A_398 = arith.constant 0 : i32
        %dma_wait3A_399 = tpu.memref_slice %arg11[%rem3A_397, %dma_wait3A_398] : memref<32x64xi32, #tpu.memory_space<vmem>> -> memref<1x64xi32, #tpu.memory_space<vmem>>
        %dma_wait3A_400 = tpu.memref_squeeze %dma_wait3A_399 : memref<1x64xi32, #tpu.memory_space<vmem>> -> memref<64xi32, #tpu.memory_space<vmem>>
        %dma_wait3A_401 = arith.constant 0 : i32
        %dma_wait3A_402 = arith.constant 0 : i32
        %dma_wait3A_403 = tpu.memref_slice %arg16[%dma_wait3A_401, %dma_wait3A_402] : memref<10016x128xf32, #tpu.memory_space<vmem_shared>> -> memref<10016x128xf32, #tpu.memory_space<vmem_shared>>
        tpu.wait_indirect_dma semaphore(%arg22 : memref<!tpu.dma_semaphore, #tpu.memory_space<semaphore_mem>>) src(%arg13 : memref<64x128xf32, #tpu.memory_space<vmem>>) dst(%dma_wait3A_403 : memref<10016x128xf32, #tpu.memory_space<vmem_shared>>)
        %dma_wait3A_404 = arith.constant 0 : i32
        %dma_wait3A_405 = tpu.memref_slice %arg11[%rem3A_397, %dma_wait3A_404] : memref<32x64xi32, #tpu.memory_space<vmem>> -> memref<1x64xi32, #tpu.memory_space<vmem>>
        %dma_wait3A_406 = tpu.memref_squeeze %dma_wait3A_405 : memref<1x64xi32, #tpu.memory_space<vmem>> -> memref<64xi32, #tpu.memory_space<vmem>>
        %dma_wait3A_407 = arith.constant 0 : i32
        %dma_wait3A_408 = arith.constant 0 : i32
        %dma_wait3A_409 = tpu.memref_slice %arg27[%dma_wait3A_407, %dma_wait3A_408] : memref<10016x16xf32, #tpu.memory_space<vmem_shared>> -> memref<10016x16xf32, #tpu.memory_space<vmem_shared>>
        tpu.wait_indirect_dma semaphore(%arg29 : memref<!tpu.dma_semaphore, #tpu.memory_space<semaphore_mem>>) src(%arg26 : memref<64x16xf32, #tpu.memory_space<vmem>>) dst(%dma_wait3A_409 : memref<10016x16xf32, #tpu.memory_space<vmem_shared>>)
        %add3A_410 = arith.constant 4 : i32
        %add3A_411 = arith.addi %add3A_395, %add3A_410 : i32
        %lt3A_412 = arith.constant 160 : i32
        %lt3A_413 = arith.cmpi slt, %add3A_411, %lt3A_412 : i32
        %convert_element_type3A_414 = arith.extui %lt3A_413 : i1 to i32
        %cond3A_415 = arith.constant 0 : i32
        %cond3A_416 = arith.cmpi ne, %convert_element_type3A_414, %cond3A_415 : i32
        scf.if %cond3A_416 {
          %add3A_535 = arith.constant 4 : i32
          %add3A_536 = arith.addi %add3A_395, %add3A_535 : i32
          %rem3A_537 = arith.constant 32 : i32
          %rem3A_538 = arith.remsi %add3A_536, %rem3A_537 : i32
          %dma_start3A_539 = arith.constant 0 : i32
          %dma_start3A_540 = tpu.memref_slice %arg10[%rem3A_538, %dma_start3A_539] : memref<32x64xi32, #tpu.memory_space<vmem>> -> memref<1x64xi32, #tpu.memory_space<vmem>>
          %dma_start3A_541 = tpu.memref_squeeze %dma_start3A_540 : memref<1x64xi32, #tpu.memory_space<vmem>> -> memref<64xi32, #tpu.memory_space<vmem>>
          %dma_start3A_542 = arith.constant 0 : i32
          %dma_start3A_543 = arith.constant 0 : i32
          %dma_start3A_544 = tpu.memref_slice %arg4[%dma_start3A_542, %dma_start3A_543] : memref<10016x128xf32, #tpu.memory_space<hbm>> -> memref<10016x128xf32, #tpu.memory_space<hbm>>
          tpu.enqueue_indirect_dma source(%dma_start3A_544 : memref<10016x128xf32, #tpu.memory_space<hbm>>) target(%arg13 : memref<64x128xf32, #tpu.memory_space<vmem>>) offsets(%dma_start3A_541 : memref<64xi32, #tpu.memory_space<vmem>>) semaphore(%arg18 : memref<!tpu.dma_semaphore, #tpu.memory_space<semaphore_mem>>)
        } else {
        }
        %mul3A_417 = arith.constant 16 : i32
        %mul3A_418 = arith.muli %scan3A_48, %mul3A_417 : i32
        %mul3A_419 = arith.constant 4 : i32
        %mul3A_420 = arith.muli %scan3A_298, %mul3A_419 : i32
        %add3A_421 = arith.addi %mul3A_418, %mul3A_420 : i32
        %add3A_422 = arith.constant 2 : i32
        %add3A_423 = arith.addi %add3A_421, %add3A_422 : i32
        %add3A_424 = arith.constant 0 : i32
        %add3A_425 = arith.addi %add3A_423, %add3A_424 : i32
        %rem3A_426 = arith.constant 32 : i32
        %rem3A_427 = arith.remsi %add3A_425, %rem3A_426 : i32
        %dma_wait3A_428 = arith.constant 0 : i32
        %dma_wait3A_429 = tpu.memref_slice %arg10[%rem3A_427, %dma_wait3A_428] : memref<32x64xi32, #tpu.memory_space<vmem>> -> memref<1x64xi32, #tpu.memory_space<vmem>>
        %dma_wait3A_430 = tpu.memref_squeeze %dma_wait3A_429 : memref<1x64xi32, #tpu.memory_space<vmem>> -> memref<64xi32, #tpu.memory_space<vmem>>
        %dma_wait3A_431 = arith.constant 0 : i32
        %dma_wait3A_432 = arith.constant 0 : i32
        %dma_wait3A_433 = tpu.memref_slice %arg4[%dma_wait3A_431, %dma_wait3A_432] : memref<10016x128xf32, #tpu.memory_space<hbm>> -> memref<10016x128xf32, #tpu.memory_space<hbm>>
        tpu.wait_indirect_dma semaphore(%arg19 : memref<!tpu.dma_semaphore, #tpu.memory_space<semaphore_mem>>) src(%dma_wait3A_433 : memref<10016x128xf32, #tpu.memory_space<hbm>>) dst(%arg14 : memref<64x128xf32, #tpu.memory_space<vmem>>)
        %dma_start3A_434 = arith.constant 0 : i32
        %dma_start3A_435 = tpu.memref_slice %arg11[%rem3A_427, %dma_start3A_434] : memref<32x64xi32, #tpu.memory_space<vmem>> -> memref<1x64xi32, #tpu.memory_space<vmem>>
        %dma_start3A_436 = tpu.memref_squeeze %dma_start3A_435 : memref<1x64xi32, #tpu.memory_space<vmem>> -> memref<64xi32, #tpu.memory_space<vmem>>
        %dma_start3A_437 = arith.constant 0 : i32
        %dma_start3A_438 = arith.constant 0 : i32
        %dma_start3A_439 = tpu.memref_slice %arg16[%dma_start3A_437, %dma_start3A_438] : memref<10016x128xf32, #tpu.memory_space<vmem_shared>> -> memref<10016x128xf32, #tpu.memory_space<vmem_shared>>
        tpu.enqueue_indirect_dma source(%arg14 : memref<64x128xf32, #tpu.memory_space<vmem>>) target(%dma_start3A_439 : memref<10016x128xf32, #tpu.memory_space<vmem_shared>>) offsets(%dma_start3A_436 : memref<64xi32, #tpu.memory_space<vmem>>) semaphore(%arg23 : memref<!tpu.dma_semaphore, #tpu.memory_space<semaphore_mem>>) {add = true}
        %dma_start3A_440 = arith.constant 0 : i32
        %dma_start3A_441 = tpu.memref_slice %arg11[%rem3A_427, %dma_start3A_440] : memref<32x64xi32, #tpu.memory_space<vmem>> -> memref<1x64xi32, #tpu.memory_space<vmem>>
        %dma_start3A_442 = tpu.memref_squeeze %dma_start3A_441 : memref<1x64xi32, #tpu.memory_space<vmem>> -> memref<64xi32, #tpu.memory_space<vmem>>
        %dma_start3A_443 = arith.constant 0 : i32
        %dma_start3A_444 = arith.constant 0 : i32
        %dma_start3A_445 = tpu.memref_slice %arg27[%dma_start3A_443, %dma_start3A_444] : memref<10016x16xf32, #tpu.memory_space<vmem_shared>> -> memref<10016x16xf32, #tpu.memory_space<vmem_shared>>
        tpu.enqueue_indirect_dma source(%arg26 : memref<64x16xf32, #tpu.memory_space<vmem>>) target(%dma_start3A_445 : memref<10016x16xf32, #tpu.memory_space<vmem_shared>>) offsets(%dma_start3A_442 : memref<64xi32, #tpu.memory_space<vmem>>) semaphore(%arg30 : memref<!tpu.dma_semaphore, #tpu.memory_space<semaphore_mem>>) {add = true}
        %mul3A_446 = arith.constant 16 : i32
        %mul3A_447 = arith.muli %scan3A_48, %mul3A_446 : i32
        %mul3A_448 = arith.constant 4 : i32
        %mul3A_449 = arith.muli %scan3A_298, %mul3A_448 : i32
        %add3A_450 = arith.addi %mul3A_447, %mul3A_449 : i32
        %add3A_451 = arith.constant 2 : i32
        %add3A_452 = arith.addi %add3A_450, %add3A_451 : i32
        %add3A_453 = arith.constant 1 : i32
        %add3A_454 = arith.addi %add3A_452, %add3A_453 : i32
        %rem3A_455 = arith.constant 32 : i32
        %rem3A_456 = arith.remsi %add3A_454, %rem3A_455 : i32
        %dma_wait3A_457 = arith.constant 0 : i32
        %dma_wait3A_458 = tpu.memref_slice %arg10[%rem3A_456, %dma_wait3A_457] : memref<32x64xi32, #tpu.memory_space<vmem>> -> memref<1x64xi32, #tpu.memory_space<vmem>>
        %dma_wait3A_459 = tpu.memref_squeeze %dma_wait3A_458 : memref<1x64xi32, #tpu.memory_space<vmem>> -> memref<64xi32, #tpu.memory_space<vmem>>
        %dma_wait3A_460 = arith.constant 0 : i32
        %dma_wait3A_461 = arith.constant 0 : i32
        %dma_wait3A_462 = tpu.memref_slice %arg4[%dma_wait3A_460, %dma_wait3A_461] : memref<10016x128xf32, #tpu.memory_space<hbm>> -> memref<10016x128xf32, #tpu.memory_space<hbm>>
        tpu.wait_indirect_dma semaphore(%arg20 : memref<!tpu.dma_semaphore, #tpu.memory_space<semaphore_mem>>) src(%dma_wait3A_462 : memref<10016x128xf32, #tpu.memory_space<hbm>>) dst(%arg15 : memref<64x128xf32, #tpu.memory_space<vmem>>)
        %dma_start3A_463 = arith.constant 0 : i32
        %dma_start3A_464 = tpu.memref_slice %arg11[%rem3A_456, %dma_start3A_463] : memref<32x64xi32, #tpu.memory_space<vmem>> -> memref<1x64xi32, #tpu.memory_space<vmem>>
        %dma_start3A_465 = tpu.memref_squeeze %dma_start3A_464 : memref<1x64xi32, #tpu.memory_space<vmem>> -> memref<64xi32, #tpu.memory_space<vmem>>
        %dma_start3A_466 = arith.constant 0 : i32
        %dma_start3A_467 = arith.constant 0 : i32
        %dma_start3A_468 = tpu.memref_slice %arg16[%dma_start3A_466, %dma_start3A_467] : memref<10016x128xf32, #tpu.memory_space<vmem_shared>> -> memref<10016x128xf32, #tpu.memory_space<vmem_shared>>
        tpu.enqueue_indirect_dma source(%arg15 : memref<64x128xf32, #tpu.memory_space<vmem>>) target(%dma_start3A_468 : memref<10016x128xf32, #tpu.memory_space<vmem_shared>>) offsets(%dma_start3A_465 : memref<64xi32, #tpu.memory_space<vmem>>) semaphore(%arg24 : memref<!tpu.dma_semaphore, #tpu.memory_space<semaphore_mem>>) {add = true}
        %dma_start3A_469 = arith.constant 0 : i32
        %dma_start3A_470 = tpu.memref_slice %arg11[%rem3A_456, %dma_start3A_469] : memref<32x64xi32, #tpu.memory_space<vmem>> -> memref<1x64xi32, #tpu.memory_space<vmem>>
        %dma_start3A_471 = tpu.memref_squeeze %dma_start3A_470 : memref<1x64xi32, #tpu.memory_space<vmem>> -> memref<64xi32, #tpu.memory_space<vmem>>
        %dma_start3A_472 = arith.constant 0 : i32
        %dma_start3A_473 = arith.constant 0 : i32
        %dma_start3A_474 = tpu.memref_slice %arg27[%dma_start3A_472, %dma_start3A_473] : memref<10016x16xf32, #tpu.memory_space<vmem_shared>> -> memref<10016x16xf32, #tpu.memory_space<vmem_shared>>
        tpu.enqueue_indirect_dma source(%arg26 : memref<64x16xf32, #tpu.memory_space<vmem>>) target(%dma_start3A_474 : memref<10016x16xf32, #tpu.memory_space<vmem_shared>>) offsets(%dma_start3A_471 : memref<64xi32, #tpu.memory_space<vmem>>) semaphore(%arg31 : memref<!tpu.dma_semaphore, #tpu.memory_space<semaphore_mem>>) {add = true}
        %mul3A_475 = arith.constant 16 : i32
        %mul3A_476 = arith.muli %scan3A_48, %mul3A_475 : i32
        %mul3A_477 = arith.constant 4 : i32
        %mul3A_478 = arith.muli %scan3A_298, %mul3A_477 : i32
        %add3A_479 = arith.addi %mul3A_476, %mul3A_478 : i32
        %add3A_480 = arith.constant 2 : i32
        %add3A_481 = arith.addi %add3A_479, %add3A_480 : i32
        %add3A_482 = arith.constant 0 : i32
        %add3A_483 = arith.addi %add3A_481, %add3A_482 : i32
        %rem3A_484 = arith.constant 32 : i32
        %rem3A_485 = arith.remsi %add3A_483, %rem3A_484 : i32
        %dma_wait3A_486 = arith.constant 0 : i32
        %dma_wait3A_487 = tpu.memref_slice %arg11[%rem3A_485, %dma_wait3A_486] : memref<32x64xi32, #tpu.memory_space<vmem>> -> memref<1x64xi32, #tpu.memory_space<vmem>>
        %dma_wait3A_488 = tpu.memref_squeeze %dma_wait3A_487 : memref<1x64xi32, #tpu.memory_space<vmem>> -> memref<64xi32, #tpu.memory_space<vmem>>
        %dma_wait3A_489 = arith.constant 0 : i32
        %dma_wait3A_490 = arith.constant 0 : i32
        %dma_wait3A_491 = tpu.memref_slice %arg16[%dma_wait3A_489, %dma_wait3A_490] : memref<10016x128xf32, #tpu.memory_space<vmem_shared>> -> memref<10016x128xf32, #tpu.memory_space<vmem_shared>>
        tpu.wait_indirect_dma semaphore(%arg23 : memref<!tpu.dma_semaphore, #tpu.memory_space<semaphore_mem>>) src(%arg14 : memref<64x128xf32, #tpu.memory_space<vmem>>) dst(%dma_wait3A_491 : memref<10016x128xf32, #tpu.memory_space<vmem_shared>>)
        %dma_wait3A_492 = arith.constant 0 : i32
        %dma_wait3A_493 = tpu.memref_slice %arg11[%rem3A_485, %dma_wait3A_492] : memref<32x64xi32, #tpu.memory_space<vmem>> -> memref<1x64xi32, #tpu.memory_space<vmem>>
        %dma_wait3A_494 = tpu.memref_squeeze %dma_wait3A_493 : memref<1x64xi32, #tpu.memory_space<vmem>> -> memref<64xi32, #tpu.memory_space<vmem>>
        %dma_wait3A_495 = arith.constant 0 : i32
        %dma_wait3A_496 = arith.constant 0 : i32
        %dma_wait3A_497 = tpu.memref_slice %arg27[%dma_wait3A_495, %dma_wait3A_496] : memref<10016x16xf32, #tpu.memory_space<vmem_shared>> -> memref<10016x16xf32, #tpu.memory_space<vmem_shared>>
        tpu.wait_indirect_dma semaphore(%arg30 : memref<!tpu.dma_semaphore, #tpu.memory_space<semaphore_mem>>) src(%arg26 : memref<64x16xf32, #tpu.memory_space<vmem>>) dst(%dma_wait3A_497 : memref<10016x16xf32, #tpu.memory_space<vmem_shared>>)
        %add3A_498 = arith.constant 4 : i32
        %add3A_499 = arith.addi %add3A_483, %add3A_498 : i32
        %lt3A_500 = arith.constant 160 : i32
        %lt3A_501 = arith.cmpi slt, %add3A_499, %lt3A_500 : i32
        %convert_element_type3A_502 = arith.extui %lt3A_501 : i1 to i32
        %cond3A_503 = arith.constant 0 : i32
        %cond3A_504 = arith.cmpi ne, %convert_element_type3A_502, %cond3A_503 : i32
        scf.if %cond3A_504 {
          %add3A_535 = arith.constant 4 : i32
          %add3A_536 = arith.addi %add3A_483, %add3A_535 : i32
          %rem3A_537 = arith.constant 32 : i32
          %rem3A_538 = arith.remsi %add3A_536, %rem3A_537 : i32
          %dma_start3A_539 = arith.constant 0 : i32
          %dma_start3A_540 = tpu.memref_slice %arg10[%rem3A_538, %dma_start3A_539] : memref<32x64xi32, #tpu.memory_space<vmem>> -> memref<1x64xi32, #tpu.memory_space<vmem>>
          %dma_start3A_541 = tpu.memref_squeeze %dma_start3A_540 : memref<1x64xi32, #tpu.memory_space<vmem>> -> memref<64xi32, #tpu.memory_space<vmem>>
          %dma_start3A_542 = arith.constant 0 : i32
          %dma_start3A_543 = arith.constant 0 : i32
          %dma_start3A_544 = tpu.memref_slice %arg4[%dma_start3A_542, %dma_start3A_543] : memref<10016x128xf32, #tpu.memory_space<hbm>> -> memref<10016x128xf32, #tpu.memory_space<hbm>>
          tpu.enqueue_indirect_dma source(%dma_start3A_544 : memref<10016x128xf32, #tpu.memory_space<hbm>>) target(%arg14 : memref<64x128xf32, #tpu.memory_space<vmem>>) offsets(%dma_start3A_541 : memref<64xi32, #tpu.memory_space<vmem>>) semaphore(%arg19 : memref<!tpu.dma_semaphore, #tpu.memory_space<semaphore_mem>>)
        } else {
        }
        %mul3A_505 = arith.constant 16 : i32
        %mul3A_506 = arith.muli %scan3A_48, %mul3A_505 : i32
        %mul3A_507 = arith.constant 4 : i32
        %mul3A_508 = arith.muli %scan3A_298, %mul3A_507 : i32
        %add3A_509 = arith.addi %mul3A_506, %mul3A_508 : i32
        %add3A_510 = arith.constant 2 : i32
        %add3A_511 = arith.addi %add3A_509, %add3A_510 : i32
        %add3A_512 = arith.constant 1 : i32
        %add3A_513 = arith.addi %add3A_511, %add3A_512 : i32
        %rem3A_514 = arith.constant 32 : i32
        %rem3A_515 = arith.remsi %add3A_513, %rem3A_514 : i32
        %dma_wait3A_516 = arith.constant 0 : i32
        %dma_wait3A_517 = tpu.memref_slice %arg11[%rem3A_515, %dma_wait3A_516] : memref<32x64xi32, #tpu.memory_space<vmem>> -> memref<1x64xi32, #tpu.memory_space<vmem>>
        %dma_wait3A_518 = tpu.memref_squeeze %dma_wait3A_517 : memref<1x64xi32, #tpu.memory_space<vmem>> -> memref<64xi32, #tpu.memory_space<vmem>>
        %dma_wait3A_519 = arith.constant 0 : i32
        %dma_wait3A_520 = arith.constant 0 : i32
        %dma_wait3A_521 = tpu.memref_slice %arg16[%dma_wait3A_519, %dma_wait3A_520] : memref<10016x128xf32, #tpu.memory_space<vmem_shared>> -> memref<10016x128xf32, #tpu.memory_space<vmem_shared>>
        tpu.wait_indirect_dma semaphore(%arg24 : memref<!tpu.dma_semaphore, #tpu.memory_space<semaphore_mem>>) src(%arg15 : memref<64x128xf32, #tpu.memory_space<vmem>>) dst(%dma_wait3A_521 : memref<10016x128xf32, #tpu.memory_space<vmem_shared>>)
        %dma_wait3A_522 = arith.constant 0 : i32
        %dma_wait3A_523 = tpu.memref_slice %arg11[%rem3A_515, %dma_wait3A_522] : memref<32x64xi32, #tpu.memory_space<vmem>> -> memref<1x64xi32, #tpu.memory_space<vmem>>
        %dma_wait3A_524 = tpu.memref_squeeze %dma_wait3A_523 : memref<1x64xi32, #tpu.memory_space<vmem>> -> memref<64xi32, #tpu.memory_space<vmem>>
        %dma_wait3A_525 = arith.constant 0 : i32
        %dma_wait3A_526 = arith.constant 0 : i32
        %dma_wait3A_527 = tpu.memref_slice %arg27[%dma_wait3A_525, %dma_wait3A_526] : memref<10016x16xf32, #tpu.memory_space<vmem_shared>> -> memref<10016x16xf32, #tpu.memory_space<vmem_shared>>
        tpu.wait_indirect_dma semaphore(%arg31 : memref<!tpu.dma_semaphore, #tpu.memory_space<semaphore_mem>>) src(%arg26 : memref<64x16xf32, #tpu.memory_space<vmem>>) dst(%dma_wait3A_527 : memref<10016x16xf32, #tpu.memory_space<vmem_shared>>)
        %add3A_528 = arith.constant 4 : i32
        %add3A_529 = arith.addi %add3A_513, %add3A_528 : i32
        %lt3A_530 = arith.constant 160 : i32
        %lt3A_531 = arith.cmpi slt, %add3A_529, %lt3A_530 : i32
        %convert_element_type3A_532 = arith.extui %lt3A_531 : i1 to i32
        %cond3A_533 = arith.constant 0 : i32
        %cond3A_534 = arith.cmpi ne, %convert_element_type3A_532, %cond3A_533 : i32
        scf.if %cond3A_534 {
          %add3A_535 = arith.constant 4 : i32
          %add3A_536 = arith.addi %add3A_513, %add3A_535 : i32
          %rem3A_537 = arith.constant 32 : i32
          %rem3A_538 = arith.remsi %add3A_536, %rem3A_537 : i32
          %dma_start3A_539 = arith.constant 0 : i32
          %dma_start3A_540 = tpu.memref_slice %arg10[%rem3A_538, %dma_start3A_539] : memref<32x64xi32, #tpu.memory_space<vmem>> -> memref<1x64xi32, #tpu.memory_space<vmem>>
          %dma_start3A_541 = tpu.memref_squeeze %dma_start3A_540 : memref<1x64xi32, #tpu.memory_space<vmem>> -> memref<64xi32, #tpu.memory_space<vmem>>
          %dma_start3A_542 = arith.constant 0 : i32
          %dma_start3A_543 = arith.constant 0 : i32
          %dma_start3A_544 = tpu.memref_slice %arg4[%dma_start3A_542, %dma_start3A_543] : memref<10016x128xf32, #tpu.memory_space<hbm>> -> memref<10016x128xf32, #tpu.memory_space<hbm>>
          tpu.enqueue_indirect_dma source(%dma_start3A_544 : memref<10016x128xf32, #tpu.memory_space<hbm>>) target(%arg15 : memref<64x128xf32, #tpu.memory_space<vmem>>) offsets(%dma_start3A_541 : memref<64xi32, #tpu.memory_space<vmem>>) semaphore(%arg20 : memref<!tpu.dma_semaphore, #tpu.memory_space<semaphore_mem>>)
        } else {
        }
      }
      %scan3A_63 = arith.constant 3 : i32
      %add3A_64 = arith.constant 1 : i32
      %add3A_65 = arith.addi %scan3A_48, %add3A_64 : i32
      %lt3A_66 = arith.constant 10 : i32
      %lt3A_67 = arith.cmpi slt, %add3A_65, %lt3A_66 : i32
      %convert_element_type3A_68 = arith.extui %lt3A_67 : i1 to i32
      %cond3A_69 = arith.constant 0 : i32
      %cond3A_70 = arith.cmpi ne, %convert_element_type3A_68, %cond3A_69 : i32
      scf.if %cond3A_70 {
        %add3A_298 = arith.constant 1 : i32
        %add3A_299 = arith.addi %scan3A_48, %add3A_298 : i32
        %mul3A_300 = arith.constant 16 : i32
        %mul3A_301 = arith.muli %add3A_299, %mul3A_300 : i32
        %add3A_302 = arith.addi %mul3A_2, %mul3A_301 : i32
        %dma_wait3A_303 = arith.constant 0 : i32
        %dma_wait3A_304 = tpu.memref_slice %arg10[%rem3A_53, %dma_wait3A_303] : memref<32x64xi32, #tpu.memory_space<vmem>> -> memref<16x64xi32, #tpu.memory_space<vmem>>
        %dma_wait3A_305 = arith.constant 0 : i32
        %dma_wait3A_306 = tpu.memref_slice %arg2[%add3A_302, %dma_wait3A_305] : memref<5120x64xi32, #tpu.memory_space<hbm>> -> memref<16x64xi32, #tpu.memory_space<hbm>>
        %dma_wait3A_307 = arith.constant 0 : i32
        %dma_wait3A_308 = tpu.memref_slice %arg10[%rem3A_53, %dma_wait3A_307] : memref<32x64xi32, #tpu.memory_space<vmem>> -> memref<16x64xi32, #tpu.memory_space<vmem>>
        %dma_wait3A_309 = arith.constant 0 : i32
        %dma_wait3A_310 = tpu.memref_slice %arg2[%add3A_302, %dma_wait3A_309] : memref<5120x64xi32, #tpu.memory_space<hbm>> -> memref<16x64xi32, #tpu.memory_space<hbm>>
        tpu.wait_dma2 semaphore(%arg25 : memref<!tpu.dma_semaphore, #tpu.memory_space<semaphore_mem>>) src(%dma_wait3A_310 : memref<16x64xi32, #tpu.memory_space<hbm>>) dst(%dma_wait3A_308 : memref<16x64xi32, #tpu.memory_space<vmem>>)
        %add3A_311 = arith.constant 1 : i32
        %add3A_312 = arith.addi %scan3A_48, %add3A_311 : i32
        %mul3A_313 = arith.constant 16 : i32
        %mul3A_314 = arith.muli %add3A_312, %mul3A_313 : i32
        %add3A_315 = arith.addi %mul3A_2, %mul3A_314 : i32
        %dma_wait3A_316 = arith.constant 0 : i32
        %dma_wait3A_317 = tpu.memref_slice %arg11[%rem3A_53, %dma_wait3A_316] : memref<32x64xi32, #tpu.memory_space<vmem>> -> memref<16x64xi32, #tpu.memory_space<vmem>>
        %dma_wait3A_318 = arith.constant 0 : i32
        %dma_wait3A_319 = tpu.memref_slice %arg3[%add3A_315, %dma_wait3A_318] : memref<5120x64xi32, #tpu.memory_space<hbm>> -> memref<16x64xi32, #tpu.memory_space<hbm>>
        %dma_wait3A_320 = arith.constant 0 : i32
        %dma_wait3A_321 = tpu.memref_slice %arg11[%rem3A_53, %dma_wait3A_320] : memref<32x64xi32, #tpu.memory_space<vmem>> -> memref<16x64xi32, #tpu.memory_space<vmem>>
        %dma_wait3A_322 = arith.constant 0 : i32
        %dma_wait3A_323 = tpu.memref_slice %arg3[%add3A_315, %dma_wait3A_322] : memref<5120x64xi32, #tpu.memory_space<hbm>> -> memref<16x64xi32, #tpu.memory_space<hbm>>
        tpu.wait_dma2 semaphore(%arg25 : memref<!tpu.dma_semaphore, #tpu.memory_space<semaphore_mem>>) src(%dma_wait3A_323 : memref<16x64xi32, #tpu.memory_space<hbm>>) dst(%dma_wait3A_321 : memref<16x64xi32, #tpu.memory_space<vmem>>)
      } else {
      }
      %mul3A_71 = arith.constant 16 : i32
      %mul3A_72 = arith.muli %scan3A_48, %mul3A_71 : i32
      %add3A_73 = arith.constant 12 : i32
      %add3A_74 = arith.addi %mul3A_72, %add3A_73 : i32
      %add3A_75 = arith.constant 0 : i32
      %add3A_76 = arith.addi %add3A_74, %add3A_75 : i32
      %add3A_77 = arith.constant 0 : i32
      %add3A_78 = arith.addi %add3A_76, %add3A_77 : i32
      %rem3A_79 = arith.constant 32 : i32
      %rem3A_80 = arith.remsi %add3A_78, %rem3A_79 : i32
      %dma_wait3A = arith.constant 0 : i32
      %dma_wait3A_81 = tpu.memref_slice %arg10[%rem3A_80, %dma_wait3A] : memref<32x64xi32, #tpu.memory_space<vmem>> -> memref<1x64xi32, #tpu.memory_space<vmem>>
      %dma_wait3A_82 = tpu.memref_squeeze %dma_wait3A_81 : memref<1x64xi32, #tpu.memory_space<vmem>> -> memref<64xi32, #tpu.memory_space<vmem>>
      %dma_wait3A_83 = arith.constant 0 : i32
      %dma_wait3A_84 = arith.constant 0 : i32
      %dma_wait3A_85 = tpu.memref_slice %arg4[%dma_wait3A_83, %dma_wait3A_84] : memref<10016x128xf32, #tpu.memory_space<hbm>> -> memref<10016x128xf32, #tpu.memory_space<hbm>>
      tpu.wait_indirect_dma semaphore(%arg17 : memref<!tpu.dma_semaphore, #tpu.memory_space<semaphore_mem>>) src(%dma_wait3A_85 : memref<10016x128xf32, #tpu.memory_space<hbm>>) dst(%arg12 : memref<64x128xf32, #tpu.memory_space<vmem>>)
      %dma_start3A_86 = arith.constant 0 : i32
      %dma_start3A_87 = tpu.memref_slice %arg11[%rem3A_80, %dma_start3A_86] : memref<32x64xi32, #tpu.memory_space<vmem>> -> memref<1x64xi32, #tpu.memory_space<vmem>>
      %dma_start3A_88 = tpu.memref_squeeze %dma_start3A_87 : memref<1x64xi32, #tpu.memory_space<vmem>> -> memref<64xi32, #tpu.memory_space<vmem>>
      %dma_start3A_89 = arith.constant 0 : i32
      %dma_start3A_90 = arith.constant 0 : i32
      %dma_start3A_91 = tpu.memref_slice %arg16[%dma_start3A_89, %dma_start3A_90] : memref<10016x128xf32, #tpu.memory_space<vmem_shared>> -> memref<10016x128xf32, #tpu.memory_space<vmem_shared>>
      tpu.enqueue_indirect_dma source(%arg12 : memref<64x128xf32, #tpu.memory_space<vmem>>) target(%dma_start3A_91 : memref<10016x128xf32, #tpu.memory_space<vmem_shared>>) offsets(%dma_start3A_88 : memref<64xi32, #tpu.memory_space<vmem>>) semaphore(%arg21 : memref<!tpu.dma_semaphore, #tpu.memory_space<semaphore_mem>>) {add = true}
      %dma_start3A_92 = arith.constant 0 : i32
      %dma_start3A_93 = tpu.memref_slice %arg11[%rem3A_80, %dma_start3A_92] : memref<32x64xi32, #tpu.memory_space<vmem>> -> memref<1x64xi32, #tpu.memory_space<vmem>>
      %dma_start3A_94 = tpu.memref_squeeze %dma_start3A_93 : memref<1x64xi32, #tpu.memory_space<vmem>> -> memref<64xi32, #tpu.memory_space<vmem>>
      %dma_start3A_95 = arith.constant 0 : i32
      %dma_start3A_96 = arith.constant 0 : i32
      %dma_start3A_97 = tpu.memref_slice %arg27[%dma_start3A_95, %dma_start3A_96] : memref<10016x16xf32, #tpu.memory_space<vmem_shared>> -> memref<10016x16xf32, #tpu.memory_space<vmem_shared>>
      tpu.enqueue_indirect_dma source(%arg26 : memref<64x16xf32, #tpu.memory_space<vmem>>) target(%dma_start3A_97 : memref<10016x16xf32, #tpu.memory_space<vmem_shared>>) offsets(%dma_start3A_94 : memref<64xi32, #tpu.memory_space<vmem>>) semaphore(%arg28 : memref<!tpu.dma_semaphore, #tpu.memory_space<semaphore_mem>>) {add = true}
      %mul3A_98 = arith.constant 16 : i32
      %mul3A_99 = arith.muli %scan3A_48, %mul3A_98 : i32
      %add3A_100 = arith.constant 12 : i32
      %add3A_101 = arith.addi %mul3A_99, %add3A_100 : i32
      %add3A_102 = arith.constant 0 : i32
      %add3A_103 = arith.addi %add3A_101, %add3A_102 : i32
      %add3A_104 = arith.constant 1 : i32
      %add3A_105 = arith.addi %add3A_103, %add3A_104 : i32
      %rem3A_106 = arith.constant 32 : i32
      %rem3A_107 = arith.remsi %add3A_105, %rem3A_106 : i32
      %dma_wait3A_108 = arith.constant 0 : i32
      %dma_wait3A_109 = tpu.memref_slice %arg10[%rem3A_107, %dma_wait3A_108] : memref<32x64xi32, #tpu.memory_space<vmem>> -> memref<1x64xi32, #tpu.memory_space<vmem>>
      %dma_wait3A_110 = tpu.memref_squeeze %dma_wait3A_109 : memref<1x64xi32, #tpu.memory_space<vmem>> -> memref<64xi32, #tpu.memory_space<vmem>>
      %dma_wait3A_111 = arith.constant 0 : i32
      %dma_wait3A_112 = arith.constant 0 : i32
      %dma_wait3A_113 = tpu.memref_slice %arg4[%dma_wait3A_111, %dma_wait3A_112] : memref<10016x128xf32, #tpu.memory_space<hbm>> -> memref<10016x128xf32, #tpu.memory_space<hbm>>
      tpu.wait_indirect_dma semaphore(%arg18 : memref<!tpu.dma_semaphore, #tpu.memory_space<semaphore_mem>>) src(%dma_wait3A_113 : memref<10016x128xf32, #tpu.memory_space<hbm>>) dst(%arg13 : memref<64x128xf32, #tpu.memory_space<vmem>>)
      %dma_start3A_114 = arith.constant 0 : i32
      %dma_start3A_115 = tpu.memref_slice %arg11[%rem3A_107, %dma_start3A_114] : memref<32x64xi32, #tpu.memory_space<vmem>> -> memref<1x64xi32, #tpu.memory_space<vmem>>
      %dma_start3A_116 = tpu.memref_squeeze %dma_start3A_115 : memref<1x64xi32, #tpu.memory_space<vmem>> -> memref<64xi32, #tpu.memory_space<vmem>>
      %dma_start3A_117 = arith.constant 0 : i32
      %dma_start3A_118 = arith.constant 0 : i32
      %dma_start3A_119 = tpu.memref_slice %arg16[%dma_start3A_117, %dma_start3A_118] : memref<10016x128xf32, #tpu.memory_space<vmem_shared>> -> memref<10016x128xf32, #tpu.memory_space<vmem_shared>>
      tpu.enqueue_indirect_dma source(%arg13 : memref<64x128xf32, #tpu.memory_space<vmem>>) target(%dma_start3A_119 : memref<10016x128xf32, #tpu.memory_space<vmem_shared>>) offsets(%dma_start3A_116 : memref<64xi32, #tpu.memory_space<vmem>>) semaphore(%arg22 : memref<!tpu.dma_semaphore, #tpu.memory_space<semaphore_mem>>) {add = true}
      %dma_start3A_120 = arith.constant 0 : i32
      %dma_start3A_121 = tpu.memref_slice %arg11[%rem3A_107, %dma_start3A_120] : memref<32x64xi32, #tpu.memory_space<vmem>> -> memref<1x64xi32, #tpu.memory_space<vmem>>
      %dma_start3A_122 = tpu.memref_squeeze %dma_start3A_121 : memref<1x64xi32, #tpu.memory_space<vmem>> -> memref<64xi32, #tpu.memory_space<vmem>>
      %dma_start3A_123 = arith.constant 0 : i32
      %dma_start3A_124 = arith.constant 0 : i32
      %dma_start3A_125 = tpu.memref_slice %arg27[%dma_start3A_123, %dma_start3A_124] : memref<10016x16xf32, #tpu.memory_space<vmem_shared>> -> memref<10016x16xf32, #tpu.memory_space<vmem_shared>>
      tpu.enqueue_indirect_dma source(%arg26 : memref<64x16xf32, #tpu.memory_space<vmem>>) target(%dma_start3A_125 : memref<10016x16xf32, #tpu.memory_space<vmem_shared>>) offsets(%dma_start3A_122 : memref<64xi32, #tpu.memory_space<vmem>>) semaphore(%arg29 : memref<!tpu.dma_semaphore, #tpu.memory_space<semaphore_mem>>) {add = true}
      %mul3A_126 = arith.constant 16 : i32
      %mul3A_127 = arith.muli %scan3A_48, %mul3A_126 : i32
      %add3A_128 = arith.constant 12 : i32
      %add3A_129 = arith.addi %mul3A_127, %add3A_128 : i32
      %add3A_130 = arith.constant 0 : i32
      %add3A_131 = arith.addi %add3A_129, %add3A_130 : i32
      %add3A_132 = arith.constant 0 : i32
      %add3A_133 = arith.addi %add3A_131, %add3A_132 : i32
      %rem3A_134 = arith.constant 32 : i32
      %rem3A_135 = arith.remsi %add3A_133, %rem3A_134 : i32
      %dma_wait3A_136 = arith.constant 0 : i32
      %dma_wait3A_137 = tpu.memref_slice %arg11[%rem3A_135, %dma_wait3A_136] : memref<32x64xi32, #tpu.memory_space<vmem>> -> memref<1x64xi32, #tpu.memory_space<vmem>>
      %dma_wait3A_138 = tpu.memref_squeeze %dma_wait3A_137 : memref<1x64xi32, #tpu.memory_space<vmem>> -> memref<64xi32, #tpu.memory_space<vmem>>
      %dma_wait3A_139 = arith.constant 0 : i32
      %dma_wait3A_140 = arith.constant 0 : i32
      %dma_wait3A_141 = tpu.memref_slice %arg16[%dma_wait3A_139, %dma_wait3A_140] : memref<10016x128xf32, #tpu.memory_space<vmem_shared>> -> memref<10016x128xf32, #tpu.memory_space<vmem_shared>>
      tpu.wait_indirect_dma semaphore(%arg21 : memref<!tpu.dma_semaphore, #tpu.memory_space<semaphore_mem>>) src(%arg12 : memref<64x128xf32, #tpu.memory_space<vmem>>) dst(%dma_wait3A_141 : memref<10016x128xf32, #tpu.memory_space<vmem_shared>>)
      %dma_wait3A_142 = arith.constant 0 : i32
      %dma_wait3A_143 = tpu.memref_slice %arg11[%rem3A_135, %dma_wait3A_142] : memref<32x64xi32, #tpu.memory_space<vmem>> -> memref<1x64xi32, #tpu.memory_space<vmem>>
      %dma_wait3A_144 = tpu.memref_squeeze %dma_wait3A_143 : memref<1x64xi32, #tpu.memory_space<vmem>> -> memref<64xi32, #tpu.memory_space<vmem>>
      %dma_wait3A_145 = arith.constant 0 : i32
      %dma_wait3A_146 = arith.constant 0 : i32
      %dma_wait3A_147 = tpu.memref_slice %arg27[%dma_wait3A_145, %dma_wait3A_146] : memref<10016x16xf32, #tpu.memory_space<vmem_shared>> -> memref<10016x16xf32, #tpu.memory_space<vmem_shared>>
      tpu.wait_indirect_dma semaphore(%arg28 : memref<!tpu.dma_semaphore, #tpu.memory_space<semaphore_mem>>) src(%arg26 : memref<64x16xf32, #tpu.memory_space<vmem>>) dst(%dma_wait3A_147 : memref<10016x16xf32, #tpu.memory_space<vmem_shared>>)
      %add3A_148 = arith.constant 4 : i32
      %add3A_149 = arith.addi %add3A_133, %add3A_148 : i32
      %lt3A_150 = arith.constant 160 : i32
      %lt3A_151 = arith.cmpi slt, %add3A_149, %lt3A_150 : i32
      %convert_element_type3A_152 = arith.extui %lt3A_151 : i1 to i32
      %cond3A_153 = arith.constant 0 : i32
      %cond3A_154 = arith.cmpi ne, %convert_element_type3A_152, %cond3A_153 : i32
      scf.if %cond3A_154 {
        %add3A_298 = arith.constant 4 : i32
        %add3A_299 = arith.addi %add3A_133, %add3A_298 : i32
        %rem3A_300 = arith.constant 32 : i32
        %rem3A_301 = arith.remsi %add3A_299, %rem3A_300 : i32
        %dma_start3A_302 = arith.constant 0 : i32
        %dma_start3A_303 = tpu.memref_slice %arg10[%rem3A_301, %dma_start3A_302] : memref<32x64xi32, #tpu.memory_space<vmem>> -> memref<1x64xi32, #tpu.memory_space<vmem>>
        %dma_start3A_304 = tpu.memref_squeeze %dma_start3A_303 : memref<1x64xi32, #tpu.memory_space<vmem>> -> memref<64xi32, #tpu.memory_space<vmem>>
        %dma_start3A_305 = arith.constant 0 : i32
        %dma_start3A_306 = arith.constant 0 : i32
        %dma_start3A_307 = tpu.memref_slice %arg4[%dma_start3A_305, %dma_start3A_306] : memref<10016x128xf32, #tpu.memory_space<hbm>> -> memref<10016x128xf32, #tpu.memory_space<hbm>>
        tpu.enqueue_indirect_dma source(%dma_start3A_307 : memref<10016x128xf32, #tpu.memory_space<hbm>>) target(%arg12 : memref<64x128xf32, #tpu.memory_space<vmem>>) offsets(%dma_start3A_304 : memref<64xi32, #tpu.memory_space<vmem>>) semaphore(%arg17 : memref<!tpu.dma_semaphore, #tpu.memory_space<semaphore_mem>>)
      } else {
      }
      %mul3A_155 = arith.constant 16 : i32
      %mul3A_156 = arith.muli %scan3A_48, %mul3A_155 : i32
      %add3A_157 = arith.constant 12 : i32
      %add3A_158 = arith.addi %mul3A_156, %add3A_157 : i32
      %add3A_159 = arith.constant 0 : i32
      %add3A_160 = arith.addi %add3A_158, %add3A_159 : i32
      %add3A_161 = arith.constant 1 : i32
      %add3A_162 = arith.addi %add3A_160, %add3A_161 : i32
      %rem3A_163 = arith.constant 32 : i32
      %rem3A_164 = arith.remsi %add3A_162, %rem3A_163 : i32
      %dma_wait3A_165 = arith.constant 0 : i32
      %dma_wait3A_166 = tpu.memref_slice %arg11[%rem3A_164, %dma_wait3A_165] : memref<32x64xi32, #tpu.memory_space<vmem>> -> memref<1x64xi32, #tpu.memory_space<vmem>>
      %dma_wait3A_167 = tpu.memref_squeeze %dma_wait3A_166 : memref<1x64xi32, #tpu.memory_space<vmem>> -> memref<64xi32, #tpu.memory_space<vmem>>
      %dma_wait3A_168 = arith.constant 0 : i32
      %dma_wait3A_169 = arith.constant 0 : i32
      %dma_wait3A_170 = tpu.memref_slice %arg16[%dma_wait3A_168, %dma_wait3A_169] : memref<10016x128xf32, #tpu.memory_space<vmem_shared>> -> memref<10016x128xf32, #tpu.memory_space<vmem_shared>>
      tpu.wait_indirect_dma semaphore(%arg22 : memref<!tpu.dma_semaphore, #tpu.memory_space<semaphore_mem>>) src(%arg13 : memref<64x128xf32, #tpu.memory_space<vmem>>) dst(%dma_wait3A_170 : memref<10016x128xf32, #tpu.memory_space<vmem_shared>>)
      %dma_wait3A_171 = arith.constant 0 : i32
      %dma_wait3A_172 = tpu.memref_slice %arg11[%rem3A_164, %dma_wait3A_171] : memref<32x64xi32, #tpu.memory_space<vmem>> -> memref<1x64xi32, #tpu.memory_space<vmem>>
      %dma_wait3A_173 = tpu.memref_squeeze %dma_wait3A_172 : memref<1x64xi32, #tpu.memory_space<vmem>> -> memref<64xi32, #tpu.memory_space<vmem>>
      %dma_wait3A_174 = arith.constant 0 : i32
      %dma_wait3A_175 = arith.constant 0 : i32
      %dma_wait3A_176 = tpu.memref_slice %arg27[%dma_wait3A_174, %dma_wait3A_175] : memref<10016x16xf32, #tpu.memory_space<vmem_shared>> -> memref<10016x16xf32, #tpu.memory_space<vmem_shared>>
      tpu.wait_indirect_dma semaphore(%arg29 : memref<!tpu.dma_semaphore, #tpu.memory_space<semaphore_mem>>) src(%arg26 : memref<64x16xf32, #tpu.memory_space<vmem>>) dst(%dma_wait3A_176 : memref<10016x16xf32, #tpu.memory_space<vmem_shared>>)
      %add3A_177 = arith.constant 4 : i32
      %add3A_178 = arith.addi %add3A_162, %add3A_177 : i32
      %lt3A_179 = arith.constant 160 : i32
      %lt3A_180 = arith.cmpi slt, %add3A_178, %lt3A_179 : i32
      %convert_element_type3A_181 = arith.extui %lt3A_180 : i1 to i32
      %cond3A_182 = arith.constant 0 : i32
      %cond3A_183 = arith.cmpi ne, %convert_element_type3A_181, %cond3A_182 : i32
      scf.if %cond3A_183 {
        %add3A_298 = arith.constant 4 : i32
        %add3A_299 = arith.addi %add3A_162, %add3A_298 : i32
        %rem3A_300 = arith.constant 32 : i32
        %rem3A_301 = arith.remsi %add3A_299, %rem3A_300 : i32
        %dma_start3A_302 = arith.constant 0 : i32
        %dma_start3A_303 = tpu.memref_slice %arg10[%rem3A_301, %dma_start3A_302] : memref<32x64xi32, #tpu.memory_space<vmem>> -> memref<1x64xi32, #tpu.memory_space<vmem>>
        %dma_start3A_304 = tpu.memref_squeeze %dma_start3A_303 : memref<1x64xi32, #tpu.memory_space<vmem>> -> memref<64xi32, #tpu.memory_space<vmem>>
        %dma_start3A_305 = arith.constant 0 : i32
        %dma_start3A_306 = arith.constant 0 : i32
        %dma_start3A_307 = tpu.memref_slice %arg4[%dma_start3A_305, %dma_start3A_306] : memref<10016x128xf32, #tpu.memory_space<hbm>> -> memref<10016x128xf32, #tpu.memory_space<hbm>>
        tpu.enqueue_indirect_dma source(%dma_start3A_307 : memref<10016x128xf32, #tpu.memory_space<hbm>>) target(%arg13 : memref<64x128xf32, #tpu.memory_space<vmem>>) offsets(%dma_start3A_304 : memref<64xi32, #tpu.memory_space<vmem>>) semaphore(%arg18 : memref<!tpu.dma_semaphore, #tpu.memory_space<semaphore_mem>>)
      } else {
      }
      %mul3A_184 = arith.constant 16 : i32
      %mul3A_185 = arith.muli %scan3A_48, %mul3A_184 : i32
      %add3A_186 = arith.constant 12 : i32
      %add3A_187 = arith.addi %mul3A_185, %add3A_186 : i32
      %add3A_188 = arith.constant 2 : i32
      %add3A_189 = arith.addi %add3A_187, %add3A_188 : i32
      %add3A_190 = arith.constant 0 : i32
      %add3A_191 = arith.addi %add3A_189, %add3A_190 : i32
      %rem3A_192 = arith.constant 32 : i32
      %rem3A_193 = arith.remsi %add3A_191, %rem3A_192 : i32
      %dma_wait3A_194 = arith.constant 0 : i32
      %dma_wait3A_195 = tpu.memref_slice %arg10[%rem3A_193, %dma_wait3A_194] : memref<32x64xi32, #tpu.memory_space<vmem>> -> memref<1x64xi32, #tpu.memory_space<vmem>>
      %dma_wait3A_196 = tpu.memref_squeeze %dma_wait3A_195 : memref<1x64xi32, #tpu.memory_space<vmem>> -> memref<64xi32, #tpu.memory_space<vmem>>
      %dma_wait3A_197 = arith.constant 0 : i32
      %dma_wait3A_198 = arith.constant 0 : i32
      %dma_wait3A_199 = tpu.memref_slice %arg4[%dma_wait3A_197, %dma_wait3A_198] : memref<10016x128xf32, #tpu.memory_space<hbm>> -> memref<10016x128xf32, #tpu.memory_space<hbm>>
      tpu.wait_indirect_dma semaphore(%arg19 : memref<!tpu.dma_semaphore, #tpu.memory_space<semaphore_mem>>) src(%dma_wait3A_199 : memref<10016x128xf32, #tpu.memory_space<hbm>>) dst(%arg14 : memref<64x128xf32, #tpu.memory_space<vmem>>)
      %dma_start3A_200 = arith.constant 0 : i32
      %dma_start3A_201 = tpu.memref_slice %arg11[%rem3A_193, %dma_start3A_200] : memref<32x64xi32, #tpu.memory_space<vmem>> -> memref<1x64xi32, #tpu.memory_space<vmem>>
      %dma_start3A_202 = tpu.memref_squeeze %dma_start3A_201 : memref<1x64xi32, #tpu.memory_space<vmem>> -> memref<64xi32, #tpu.memory_space<vmem>>
      %dma_start3A_203 = arith.constant 0 : i32
      %dma_start3A_204 = arith.constant 0 : i32
      %dma_start3A_205 = tpu.memref_slice %arg16[%dma_start3A_203, %dma_start3A_204] : memref<10016x128xf32, #tpu.memory_space<vmem_shared>> -> memref<10016x128xf32, #tpu.memory_space<vmem_shared>>
      tpu.enqueue_indirect_dma source(%arg14 : memref<64x128xf32, #tpu.memory_space<vmem>>) target(%dma_start3A_205 : memref<10016x128xf32, #tpu.memory_space<vmem_shared>>) offsets(%dma_start3A_202 : memref<64xi32, #tpu.memory_space<vmem>>) semaphore(%arg23 : memref<!tpu.dma_semaphore, #tpu.memory_space<semaphore_mem>>) {add = true}
      %dma_start3A_206 = arith.constant 0 : i32
      %dma_start3A_207 = tpu.memref_slice %arg11[%rem3A_193, %dma_start3A_206] : memref<32x64xi32, #tpu.memory_space<vmem>> -> memref<1x64xi32, #tpu.memory_space<vmem>>
      %dma_start3A_208 = tpu.memref_squeeze %dma_start3A_207 : memref<1x64xi32, #tpu.memory_space<vmem>> -> memref<64xi32, #tpu.memory_space<vmem>>
      %dma_start3A_209 = arith.constant 0 : i32
      %dma_start3A_210 = arith.constant 0 : i32
      %dma_start3A_211 = tpu.memref_slice %arg27[%dma_start3A_209, %dma_start3A_210] : memref<10016x16xf32, #tpu.memory_space<vmem_shared>> -> memref<10016x16xf32, #tpu.memory_space<vmem_shared>>
      tpu.enqueue_indirect_dma source(%arg26 : memref<64x16xf32, #tpu.memory_space<vmem>>) target(%dma_start3A_211 : memref<10016x16xf32, #tpu.memory_space<vmem_shared>>) offsets(%dma_start3A_208 : memref<64xi32, #tpu.memory_space<vmem>>) semaphore(%arg30 : memref<!tpu.dma_semaphore, #tpu.memory_space<semaphore_mem>>) {add = true}
      %mul3A_212 = arith.constant 16 : i32
      %mul3A_213 = arith.muli %scan3A_48, %mul3A_212 : i32
      %add3A_214 = arith.constant 12 : i32
      %add3A_215 = arith.addi %mul3A_213, %add3A_214 : i32
      %add3A_216 = arith.constant 2 : i32
      %add3A_217 = arith.addi %add3A_215, %add3A_216 : i32
      %add3A_218 = arith.constant 1 : i32
      %add3A_219 = arith.addi %add3A_217, %add3A_218 : i32
      %rem3A_220 = arith.constant 32 : i32
      %rem3A_221 = arith.remsi %add3A_219, %rem3A_220 : i32
      %dma_wait3A_222 = arith.constant 0 : i32
      %dma_wait3A_223 = tpu.memref_slice %arg10[%rem3A_221, %dma_wait3A_222] : memref<32x64xi32, #tpu.memory_space<vmem>> -> memref<1x64xi32, #tpu.memory_space<vmem>>
      %dma_wait3A_224 = tpu.memref_squeeze %dma_wait3A_223 : memref<1x64xi32, #tpu.memory_space<vmem>> -> memref<64xi32, #tpu.memory_space<vmem>>
      %dma_wait3A_225 = arith.constant 0 : i32
      %dma_wait3A_226 = arith.constant 0 : i32
      %dma_wait3A_227 = tpu.memref_slice %arg4[%dma_wait3A_225, %dma_wait3A_226] : memref<10016x128xf32, #tpu.memory_space<hbm>> -> memref<10016x128xf32, #tpu.memory_space<hbm>>
      tpu.wait_indirect_dma semaphore(%arg20 : memref<!tpu.dma_semaphore, #tpu.memory_space<semaphore_mem>>) src(%dma_wait3A_227 : memref<10016x128xf32, #tpu.memory_space<hbm>>) dst(%arg15 : memref<64x128xf32, #tpu.memory_space<vmem>>)
      %dma_start3A_228 = arith.constant 0 : i32
      %dma_start3A_229 = tpu.memref_slice %arg11[%rem3A_221, %dma_start3A_228] : memref<32x64xi32, #tpu.memory_space<vmem>> -> memref<1x64xi32, #tpu.memory_space<vmem>>
      %dma_start3A_230 = tpu.memref_squeeze %dma_start3A_229 : memref<1x64xi32, #tpu.memory_space<vmem>> -> memref<64xi32, #tpu.memory_space<vmem>>
      %dma_start3A_231 = arith.constant 0 : i32
      %dma_start3A_232 = arith.constant 0 : i32
      %dma_start3A_233 = tpu.memref_slice %arg16[%dma_start3A_231, %dma_start3A_232] : memref<10016x128xf32, #tpu.memory_space<vmem_shared>> -> memref<10016x128xf32, #tpu.memory_space<vmem_shared>>
      tpu.enqueue_indirect_dma source(%arg15 : memref<64x128xf32, #tpu.memory_space<vmem>>) target(%dma_start3A_233 : memref<10016x128xf32, #tpu.memory_space<vmem_shared>>) offsets(%dma_start3A_230 : memref<64xi32, #tpu.memory_space<vmem>>) semaphore(%arg24 : memref<!tpu.dma_semaphore, #tpu.memory_space<semaphore_mem>>) {add = true}
      %dma_start3A_234 = arith.constant 0 : i32
      %dma_start3A_235 = tpu.memref_slice %arg11[%rem3A_221, %dma_start3A_234] : memref<32x64xi32, #tpu.memory_space<vmem>> -> memref<1x64xi32, #tpu.memory_space<vmem>>
      %dma_start3A_236 = tpu.memref_squeeze %dma_start3A_235 : memref<1x64xi32, #tpu.memory_space<vmem>> -> memref<64xi32, #tpu.memory_space<vmem>>
      %dma_start3A_237 = arith.constant 0 : i32
      %dma_start3A_238 = arith.constant 0 : i32
      %dma_start3A_239 = tpu.memref_slice %arg27[%dma_start3A_237, %dma_start3A_238] : memref<10016x16xf32, #tpu.memory_space<vmem_shared>> -> memref<10016x16xf32, #tpu.memory_space<vmem_shared>>
      tpu.enqueue_indirect_dma source(%arg26 : memref<64x16xf32, #tpu.memory_space<vmem>>) target(%dma_start3A_239 : memref<10016x16xf32, #tpu.memory_space<vmem_shared>>) offsets(%dma_start3A_236 : memref<64xi32, #tpu.memory_space<vmem>>) semaphore(%arg31 : memref<!tpu.dma_semaphore, #tpu.memory_space<semaphore_mem>>) {add = true}
      %mul3A_240 = arith.constant 16 : i32
      %mul3A_241 = arith.muli %scan3A_48, %mul3A_240 : i32
      %add3A_242 = arith.constant 12 : i32
      %add3A_243 = arith.addi %mul3A_241, %add3A_242 : i32
      %add3A_244 = arith.constant 2 : i32
      %add3A_245 = arith.addi %add3A_243, %add3A_244 : i32
      %add3A_246 = arith.constant 0 : i32
      %add3A_247 = arith.addi %add3A_245, %add3A_246 : i32
      %rem3A_248 = arith.constant 32 : i32
      %rem3A_249 = arith.remsi %add3A_247, %rem3A_248 : i32
      %dma_wait3A_250 = arith.constant 0 : i32
      %dma_wait3A_251 = tpu.memref_slice %arg11[%rem3A_249, %dma_wait3A_250] : memref<32x64xi32, #tpu.memory_space<vmem>> -> memref<1x64xi32, #tpu.memory_space<vmem>>
      %dma_wait3A_252 = tpu.memref_squeeze %dma_wait3A_251 : memref<1x64xi32, #tpu.memory_space<vmem>> -> memref<64xi32, #tpu.memory_space<vmem>>
      %dma_wait3A_253 = arith.constant 0 : i32
      %dma_wait3A_254 = arith.constant 0 : i32
      %dma_wait3A_255 = tpu.memref_slice %arg16[%dma_wait3A_253, %dma_wait3A_254] : memref<10016x128xf32, #tpu.memory_space<vmem_shared>> -> memref<10016x128xf32, #tpu.memory_space<vmem_shared>>
      tpu.wait_indirect_dma semaphore(%arg23 : memref<!tpu.dma_semaphore, #tpu.memory_space<semaphore_mem>>) src(%arg14 : memref<64x128xf32, #tpu.memory_space<vmem>>) dst(%dma_wait3A_255 : memref<10016x128xf32, #tpu.memory_space<vmem_shared>>)
      %dma_wait3A_256 = arith.constant 0 : i32
      %dma_wait3A_257 = tpu.memref_slice %arg11[%rem3A_249, %dma_wait3A_256] : memref<32x64xi32, #tpu.memory_space<vmem>> -> memref<1x64xi32, #tpu.memory_space<vmem>>
      %dma_wait3A_258 = tpu.memref_squeeze %dma_wait3A_257 : memref<1x64xi32, #tpu.memory_space<vmem>> -> memref<64xi32, #tpu.memory_space<vmem>>
      %dma_wait3A_259 = arith.constant 0 : i32
      %dma_wait3A_260 = arith.constant 0 : i32
      %dma_wait3A_261 = tpu.memref_slice %arg27[%dma_wait3A_259, %dma_wait3A_260] : memref<10016x16xf32, #tpu.memory_space<vmem_shared>> -> memref<10016x16xf32, #tpu.memory_space<vmem_shared>>
      tpu.wait_indirect_dma semaphore(%arg30 : memref<!tpu.dma_semaphore, #tpu.memory_space<semaphore_mem>>) src(%arg26 : memref<64x16xf32, #tpu.memory_space<vmem>>) dst(%dma_wait3A_261 : memref<10016x16xf32, #tpu.memory_space<vmem_shared>>)
      %add3A_262 = arith.constant 4 : i32
      %add3A_263 = arith.addi %add3A_247, %add3A_262 : i32
      %lt3A_264 = arith.constant 160 : i32
      %lt3A_265 = arith.cmpi slt, %add3A_263, %lt3A_264 : i32
      %convert_element_type3A_266 = arith.extui %lt3A_265 : i1 to i32
      %cond3A_267 = arith.constant 0 : i32
      %cond3A_268 = arith.cmpi ne, %convert_element_type3A_266, %cond3A_267 : i32
      scf.if %cond3A_268 {
        %add3A_298 = arith.constant 4 : i32
        %add3A_299 = arith.addi %add3A_247, %add3A_298 : i32
        %rem3A_300 = arith.constant 32 : i32
        %rem3A_301 = arith.remsi %add3A_299, %rem3A_300 : i32
        %dma_start3A_302 = arith.constant 0 : i32
        %dma_start3A_303 = tpu.memref_slice %arg10[%rem3A_301, %dma_start3A_302] : memref<32x64xi32, #tpu.memory_space<vmem>> -> memref<1x64xi32, #tpu.memory_space<vmem>>
        %dma_start3A_304 = tpu.memref_squeeze %dma_start3A_303 : memref<1x64xi32, #tpu.memory_space<vmem>> -> memref<64xi32, #tpu.memory_space<vmem>>
        %dma_start3A_305 = arith.constant 0 : i32
        %dma_start3A_306 = arith.constant 0 : i32
        %dma_start3A_307 = tpu.memref_slice %arg4[%dma_start3A_305, %dma_start3A_306] : memref<10016x128xf32, #tpu.memory_space<hbm>> -> memref<10016x128xf32, #tpu.memory_space<hbm>>
        tpu.enqueue_indirect_dma source(%dma_start3A_307 : memref<10016x128xf32, #tpu.memory_space<hbm>>) target(%arg14 : memref<64x128xf32, #tpu.memory_space<vmem>>) offsets(%dma_start3A_304 : memref<64xi32, #tpu.memory_space<vmem>>) semaphore(%arg19 : memref<!tpu.dma_semaphore, #tpu.memory_space<semaphore_mem>>)
      } else {
      }
      %mul3A_269 = arith.constant 16 : i32
      %mul3A_270 = arith.muli %scan3A_48, %mul3A_269 : i32
      %add3A_271 = arith.constant 12 : i32
      %add3A_272 = arith.addi %mul3A_270, %add3A_271 : i32
      %add3A_273 = arith.constant 2 : i32
      %add3A_274 = arith.addi %add3A_272, %add3A_273 : i32
      %add3A_275 = arith.constant 1 : i32
      %add3A_276 = arith.addi %add3A_274, %add3A_275 : i32
      %rem3A_277 = arith.constant 32 : i32
      %rem3A_278 = arith.remsi %add3A_276, %rem3A_277 : i32
      %dma_wait3A_279 = arith.constant 0 : i32
      %dma_wait3A_280 = tpu.memref_slice %arg11[%rem3A_278, %dma_wait3A_279] : memref<32x64xi32, #tpu.memory_space<vmem>> -> memref<1x64xi32, #tpu.memory_space<vmem>>
      %dma_wait3A_281 = tpu.memref_squeeze %dma_wait3A_280 : memref<1x64xi32, #tpu.memory_space<vmem>> -> memref<64xi32, #tpu.memory_space<vmem>>
      %dma_wait3A_282 = arith.constant 0 : i32
      %dma_wait3A_283 = arith.constant 0 : i32
      %dma_wait3A_284 = tpu.memref_slice %arg16[%dma_wait3A_282, %dma_wait3A_283] : memref<10016x128xf32, #tpu.memory_space<vmem_shared>> -> memref<10016x128xf32, #tpu.memory_space<vmem_shared>>
      tpu.wait_indirect_dma semaphore(%arg24 : memref<!tpu.dma_semaphore, #tpu.memory_space<semaphore_mem>>) src(%arg15 : memref<64x128xf32, #tpu.memory_space<vmem>>) dst(%dma_wait3A_284 : memref<10016x128xf32, #tpu.memory_space<vmem_shared>>)
      %dma_wait3A_285 = arith.constant 0 : i32
      %dma_wait3A_286 = tpu.memref_slice %arg11[%rem3A_278, %dma_wait3A_285] : memref<32x64xi32, #tpu.memory_space<vmem>> -> memref<1x64xi32, #tpu.memory_space<vmem>>
      %dma_wait3A_287 = tpu.memref_squeeze %dma_wait3A_286 : memref<1x64xi32, #tpu.memory_space<vmem>> -> memref<64xi32, #tpu.memory_space<vmem>>
      %dma_wait3A_288 = arith.constant 0 : i32
      %dma_wait3A_289 = arith.constant 0 : i32
      %dma_wait3A_290 = tpu.memref_slice %arg27[%dma_wait3A_288, %dma_wait3A_289] : memref<10016x16xf32, #tpu.memory_space<vmem_shared>> -> memref<10016x16xf32, #tpu.memory_space<vmem_shared>>
      tpu.wait_indirect_dma semaphore(%arg31 : memref<!tpu.dma_semaphore, #tpu.memory_space<semaphore_mem>>) src(%arg26 : memref<64x16xf32, #tpu.memory_space<vmem>>) dst(%dma_wait3A_290 : memref<10016x16xf32, #tpu.memory_space<vmem_shared>>)
      %add3A_291 = arith.constant 4 : i32
      %add3A_292 = arith.addi %add3A_276, %add3A_291 : i32
      %lt3A_293 = arith.constant 160 : i32
      %lt3A_294 = arith.cmpi slt, %add3A_292, %lt3A_293 : i32
      %convert_element_type3A_295 = arith.extui %lt3A_294 : i1 to i32
      %cond3A_296 = arith.constant 0 : i32
      %cond3A_297 = arith.cmpi ne, %convert_element_type3A_295, %cond3A_296 : i32
      scf.if %cond3A_297 {
        %add3A_298 = arith.constant 4 : i32
        %add3A_299 = arith.addi %add3A_276, %add3A_298 : i32
        %rem3A_300 = arith.constant 32 : i32
        %rem3A_301 = arith.remsi %add3A_299, %rem3A_300 : i32
        %dma_start3A_302 = arith.constant 0 : i32
        %dma_start3A_303 = tpu.memref_slice %arg10[%rem3A_301, %dma_start3A_302] : memref<32x64xi32, #tpu.memory_space<vmem>> -> memref<1x64xi32, #tpu.memory_space<vmem>>
        %dma_start3A_304 = tpu.memref_squeeze %dma_start3A_303 : memref<1x64xi32, #tpu.memory_space<vmem>> -> memref<64xi32, #tpu.memory_space<vmem>>
        %dma_start3A_305 = arith.constant 0 : i32
        %dma_start3A_306 = arith.constant 0 : i32
        %dma_start3A_307 = tpu.memref_slice %arg4[%dma_start3A_305, %dma_start3A_306] : memref<10016x128xf32, #tpu.memory_space<hbm>> -> memref<10016x128xf32, #tpu.memory_space<hbm>>
        tpu.enqueue_indirect_dma source(%dma_start3A_307 : memref<10016x128xf32, #tpu.memory_space<hbm>>) target(%arg15 : memref<64x128xf32, #tpu.memory_space<vmem>>) offsets(%dma_start3A_304 : memref<64xi32, #tpu.memory_space<vmem>>) semaphore(%arg20 : memref<!tpu.dma_semaphore, #tpu.memory_space<semaphore_mem>>)
      } else {
      }
    }
    %scan3A_38 = arith.constant 10 : i32
    "tpu.trace_stop"() : () -> ()
    %barrier3A_39 = arith.constant 0 : index
    tpu.barrier barrier_id(%barrier3A_39)
    "tpu.trace_start"() <{level = 10 : i32, message = "publish"}> : () -> ()
    %mul3A_40 = arith.constant 626 : i32
    %mul3A_41 = arith.muli %arg1, %mul3A_40 : i32
    %mul3A_42 = arith.constant 626 : i32
    %mul3A_43 = arith.muli %arg1, %mul3A_42 : i32
    "tpu.region"() ({
      %run_scoped3A = tpu.sem_alloc : memref<!tpu.dma_semaphore, #tpu.memory_space<semaphore_mem>>
      %dma_start3A_48 = arith.constant 0 : i32
      %dma_start3A_49 = tpu.memref_slice %arg8[%arg0, %mul3A_43, %dma_start3A_48] : memref<2x10016x128xf32, #tpu.memory_space<hbm>> -> memref<1x626x128xf32, #tpu.memory_space<hbm>>
      %dma_start3A_50 = tpu.memref_squeeze %dma_start3A_49 : memref<1x626x128xf32, #tpu.memory_space<hbm>> -> memref<626x128xf32, #tpu.memory_space<hbm>>
      %dma_start3A_51 = arith.constant 0 : i32
      %dma_start3A_52 = tpu.memref_slice %arg16[%mul3A_41, %dma_start3A_51] : memref<10016x128xf32, #tpu.memory_space<vmem_shared>> -> memref<626x128xf32, #tpu.memory_space<vmem_shared>>
      tpu.enqueue_dma source(%dma_start3A_52 : memref<626x128xf32, #tpu.memory_space<vmem_shared>>) target(%dma_start3A_50 : memref<626x128xf32, #tpu.memory_space<hbm>>) target_semaphore(%run_scoped3A : memref<!tpu.dma_semaphore, #tpu.memory_space<semaphore_mem>>)
      %dma_wait3A = arith.constant 0 : i32
      %dma_wait3A_53 = tpu.memref_slice %arg8[%arg0, %mul3A_43, %dma_wait3A] : memref<2x10016x128xf32, #tpu.memory_space<hbm>> -> memref<1x626x128xf32, #tpu.memory_space<hbm>>
      %dma_wait3A_54 = tpu.memref_squeeze %dma_wait3A_53 : memref<1x626x128xf32, #tpu.memory_space<hbm>> -> memref<626x128xf32, #tpu.memory_space<hbm>>
      %dma_wait3A_55 = arith.constant 0 : i32
      %dma_wait3A_56 = tpu.memref_slice %arg16[%mul3A_41, %dma_wait3A_55] : memref<10016x128xf32, #tpu.memory_space<vmem_shared>> -> memref<626x128xf32, #tpu.memory_space<vmem_shared>>
      tpu.wait_dma2 semaphore(%run_scoped3A : memref<!tpu.dma_semaphore, #tpu.memory_space<semaphore_mem>>) src(%dma_wait3A_56 : memref<626x128xf32, #tpu.memory_space<vmem_shared>>) dst(%dma_wait3A_54 : memref<626x128xf32, #tpu.memory_space<hbm>>)
      tpu.yield
    }) : () -> ()
    %mul3A_44 = arith.constant 626 : i32
    %mul3A_45 = arith.muli %arg1, %mul3A_44 : i32
    %mul3A_46 = arith.constant 626 : i32
    %mul3A_47 = arith.muli %arg1, %mul3A_46 : i32
    "tpu.region"() ({
      %run_scoped3A = tpu.sem_alloc : memref<!tpu.dma_semaphore, #tpu.memory_space<semaphore_mem>>
      %dma_start3A_48 = arith.constant 0 : i32
      %dma_start3A_49 = tpu.memref_slice %arg9[%arg0, %mul3A_47, %dma_start3A_48] : memref<2x10016x16xf32, #tpu.memory_space<hbm>> -> memref<1x626x16xf32, #tpu.memory_space<hbm>>
      %dma_start3A_50 = tpu.memref_squeeze %dma_start3A_49 : memref<1x626x16xf32, #tpu.memory_space<hbm>> -> memref<626x16xf32, #tpu.memory_space<hbm>>
      %dma_start3A_51 = arith.constant 0 : i32
      %dma_start3A_52 = tpu.memref_slice %arg27[%mul3A_45, %dma_start3A_51] : memref<10016x16xf32, #tpu.memory_space<vmem_shared>> -> memref<626x16xf32, #tpu.memory_space<vmem_shared>>
      tpu.enqueue_dma source(%dma_start3A_52 : memref<626x16xf32, #tpu.memory_space<vmem_shared>>) target(%dma_start3A_50 : memref<626x16xf32, #tpu.memory_space<hbm>>) target_semaphore(%run_scoped3A : memref<!tpu.dma_semaphore, #tpu.memory_space<semaphore_mem>>)
      %dma_wait3A = arith.constant 0 : i32
      %dma_wait3A_53 = tpu.memref_slice %arg9[%arg0, %mul3A_47, %dma_wait3A] : memref<2x10016x16xf32, #tpu.memory_space<hbm>> -> memref<1x626x16xf32, #tpu.memory_space<hbm>>
      %dma_wait3A_54 = tpu.memref_squeeze %dma_wait3A_53 : memref<1x626x16xf32, #tpu.memory_space<hbm>> -> memref<626x16xf32, #tpu.memory_space<hbm>>
      %dma_wait3A_55 = arith.constant 0 : i32
      %dma_wait3A_56 = tpu.memref_slice %arg27[%mul3A_45, %dma_wait3A_55] : memref<10016x16xf32, #tpu.memory_space<vmem_shared>> -> memref<626x16xf32, #tpu.memory_space<vmem_shared>>
      tpu.wait_dma2 semaphore(%run_scoped3A : memref<!tpu.dma_semaphore, #tpu.memory_space<semaphore_mem>>) src(%dma_wait3A_56 : memref<626x16xf32, #tpu.memory_space<vmem_shared>>) dst(%dma_wait3A_54 : memref<626x16xf32, #tpu.memory_space<hbm>>)
      tpu.yield
    }) : () -> ()
    "tpu.trace_stop"() : () -> ()
    return
  }
}

module attributes {stable_mosaic.version = 14 : i64} {
  func.func @_layer1_body(%arg0: i32, %arg1: memref<2x2504x128xf32, #tpu.memory_space<vmem>>, %arg2: memref<2x2504x16xf32, #tpu.memory_space<vmem>>, %arg3: memref<2504x128xf32, #tpu.memory_space<vmem>>, %arg4: memref<128x128xf32, #tpu.memory_space<vmem>>, %arg5: memref<128x128xf32, #tpu.memory_space<vmem>>, %arg6: memref<1x128xf32, #tpu.memory_space<vmem>>, %arg7: memref<2504x128xf32, #tpu.memory_space<vmem>>, %arg8: memref<2504x128xf32, #tpu.memory_space<vmem>>) attributes {dimension_semantics = [#tpu.dimension_semantics<arbitrary>], iteration_bounds = array<i64: 4>, scalar_prefetch = 0 : i64, scratch_operands = 0 : i64, tpu.core_type = #tpu.core_type<tc>, window_params = [{transform_indices = @transform_0, window_bounds = array<i64: 2, 2504, 128>}, {transform_indices = @transform_1, window_bounds = array<i64: 2, 2504, 16>}, {transform_indices = @transform_2, window_bounds = array<i64: 2504, 128>}, {pipeline_mode = #tpu.pipeline_mode<synchronous>, transform_indices = @transform_3, window_bounds = array<i64: 128, 128>}, {pipeline_mode = #tpu.pipeline_mode<synchronous>, transform_indices = @transform_4, window_bounds = array<i64: 128, 128>}, {pipeline_mode = #tpu.pipeline_mode<synchronous>, transform_indices = @transform_5, window_bounds = array<i64: 1, 128>}, {transform_indices = @transform_6, window_bounds = array<i64: 2504, 128>}, {transform_indices = @transform_7, window_bounds = array<i64: 2504, 128>}]} {
    %get3A = arith.constant 0 : index
    %get3A_0 = arith.constant 0 : index
    %get3A_1 = arith.constant 0 : index
    %get3A_2 = vector.load %arg2[%get3A, %get3A_0, %get3A_1] : memref<2x2504x16xf32, #tpu.memory_space<vmem>>, vector<1x2504x1xf32>
    %get3A_3 = vector.shape_cast %get3A_2 : vector<1x2504x1xf32> to vector<2504x1xf32>
    %get3A_4 = arith.constant 1 : index
    %get3A_5 = arith.constant 0 : index
    %get3A_6 = arith.constant 0 : index
    %get3A_7 = vector.load %arg2[%get3A_4, %get3A_5, %get3A_6] : memref<2x2504x16xf32, #tpu.memory_space<vmem>>, vector<1x2504x1xf32>
    %get3A_8 = vector.shape_cast %get3A_7 : vector<1x2504x1xf32> to vector<2504x1xf32>
    %add3A = arith.addf %get3A_3, %get3A_8 : vector<2504x1xf32>
    %max3A = arith.constant 1.000000e+00 : f32
    %max3A_9 = vector.broadcast %max3A : f32 to vector<2504x1xf32>
    %max3A_10 = arith.maximumf %add3A, %max3A_9 : vector<2504x1xf32>
    %div3A = arith.constant 1.000000e+00 : f32
    %div3A_11 = vector.broadcast %div3A : f32 to vector<2504x1xf32>
    %div3A_12 = arith.divf %div3A_11, %max3A_10 : vector<2504x1xf32>
    %get3A_13 = arith.constant 0 : index
    %get3A_14 = arith.constant 0 : index
    %get3A_15 = arith.constant 0 : index
    %get3A_16 = vector.load %arg1[%get3A_13, %get3A_14, %get3A_15] : memref<2x2504x128xf32, #tpu.memory_space<vmem>>, vector<1x2504x128xf32>
    %get3A_17 = vector.shape_cast %get3A_16 : vector<1x2504x128xf32> to vector<2504x128xf32>
    %get3A_18 = arith.constant 1 : index
    %get3A_19 = arith.constant 0 : index
    %get3A_20 = arith.constant 0 : index
    %get3A_21 = vector.load %arg1[%get3A_18, %get3A_19, %get3A_20] : memref<2x2504x128xf32, #tpu.memory_space<vmem>>, vector<1x2504x128xf32>
    %get3A_22 = vector.shape_cast %get3A_21 : vector<1x2504x128xf32> to vector<2504x128xf32>
    %add3A_23 = arith.addf %get3A_17, %get3A_22 : vector<2504x128xf32>
    %mul3A = vector.broadcast %div3A_12 : vector<2504x1xf32> to vector<2504x128xf32>
    %mul3A_24 = arith.mulf %add3A_23, %mul3A : vector<2504x128xf32>
    %get3A_25 = arith.constant 0 : index
    %get3A_26 = arith.constant 0 : index
    %get3A_27 = vector.load %arg4[%get3A_25, %get3A_26] : memref<128x128xf32, #tpu.memory_space<vmem>>, vector<128x128xf32>
    %dot_general3A = arith.constant dense<0.000000e+00> : vector<2504x128xf32>
    %dot_general3A_28 = tpu.matmul %mul3A_24, %get3A_27, %dot_general3A {dimension_numbers = #tpu.dot_dimension_numbers<[1], [0], [0], [1], [0, 0, 1, 1], [], []>, transpose_lhs_hint = false} : vector<2504x128xf32>, vector<128x128xf32>, vector<2504x128xf32> -> vector<2504x128xf32>
    %get3A_29 = arith.constant 0 : index
    %get3A_30 = arith.constant 0 : index
    %get3A_31 = vector.load %arg3[%get3A_29, %get3A_30] : memref<2504x128xf32, #tpu.memory_space<vmem>>, vector<2504x128xf32>
    %get3A_32 = arith.constant 0 : index
    %get3A_33 = arith.constant 0 : index
    %get3A_34 = vector.load %arg5[%get3A_32, %get3A_33] : memref<128x128xf32, #tpu.memory_space<vmem>>, vector<128x128xf32>
    %dot_general3A_35 = arith.constant dense<0.000000e+00> : vector<2504x128xf32>
    %dot_general3A_36 = tpu.matmul %get3A_31, %get3A_34, %dot_general3A_35 {dimension_numbers = #tpu.dot_dimension_numbers<[1], [0], [0], [1], [0, 0, 1, 1], [], []>, transpose_lhs_hint = false} : vector<2504x128xf32>, vector<128x128xf32>, vector<2504x128xf32> -> vector<2504x128xf32>
    %add3A_37 = arith.addf %dot_general3A_28, %dot_general3A_36 : vector<2504x128xf32>
    %get3A_38 = arith.constant 0 : index
    %get3A_39 = arith.constant 0 : index
    %get3A_40 = vector.load %arg6[%get3A_38, %get3A_39] : memref<1x128xf32, #tpu.memory_space<vmem>>, vector<1x128xf32>
    %add3A_41 = vector.broadcast %get3A_40 : vector<1x128xf32> to vector<2504x128xf32>
    %add3A_42 = arith.addf %add3A_37, %add3A_41 : vector<2504x128xf32>
    %max3A_43 = arith.constant 0.000000e+00 : f32
    %max3A_44 = vector.broadcast %max3A_43 : f32 to vector<2504x128xf32>
    %max3A_45 = arith.maximumf %add3A_42, %max3A_44 : vector<2504x128xf32>
    %swap3A = arith.constant 0 : index
    %swap3A_46 = arith.constant 0 : index
    %swap3A_47 = vector.load %arg7[%swap3A, %swap3A_46] : memref<2504x128xf32, #tpu.memory_space<vmem>>, vector<2504x128xf32>
    tpu.vector_store %arg7[%swap3A, %swap3A_46], %max3A_45 {strides = array<i32>} : memref<2504x128xf32, #tpu.memory_space<vmem>>, vector<2504x128xf32>,
    %broadcast_in_dim3A = vector.shape_cast %div3A_12 : vector<2504x1xf32> to vector<2504x1xf32>
    %broadcast_in_dim3A_48 = vector.broadcast %broadcast_in_dim3A : vector<2504x1xf32> to vector<2504x128xf32>
    %swap3A_49 = arith.constant 0 : index
    %swap3A_50 = arith.constant 0 : index
    %swap3A_51 = vector.load %arg8[%swap3A_49, %swap3A_50] : memref<2504x128xf32, #tpu.memory_space<vmem>>, vector<2504x128xf32>
    tpu.vector_store %arg8[%swap3A_49, %swap3A_50], %broadcast_in_dim3A_48 {strides = array<i32>} : memref<2504x128xf32, #tpu.memory_space<vmem>>, vector<2504x128xf32>,
    return
  }
  func.func @transform_0(%arg0: i32) -> (i32, i32, i32) {
    %c0_i32 = arith.constant 0 : i32
    %c0_i32_0 = arith.constant 0 : i32
    %c0_i32_1 = arith.constant 0 : i32
    return %c0_i32, %arg0, %c0_i32_0 : i32, i32, i32
  }
  func.func @transform_1(%arg0: i32) -> (i32, i32, i32) {
    %c0_i32 = arith.constant 0 : i32
    %c0_i32_0 = arith.constant 0 : i32
    %c0_i32_1 = arith.constant 0 : i32
    return %c0_i32, %arg0, %c0_i32_0 : i32, i32, i32
  }
  func.func @transform_2(%arg0: i32) -> (i32, i32) {
    %c0_i32 = arith.constant 0 : i32
    %c0_i32_0 = arith.constant 0 : i32
    return %arg0, %c0_i32 : i32, i32
  }
  func.func @transform_3(%arg0: i32) -> (i32, i32) {
    %c0_i32 = arith.constant 0 : i32
    %c0_i32_0 = arith.constant 0 : i32
    %c0_i32_1 = arith.constant 0 : i32
    return %c0_i32, %c0_i32_0 : i32, i32
  }
  func.func @transform_4(%arg0: i32) -> (i32, i32) {
    %c0_i32 = arith.constant 0 : i32
    %c0_i32_0 = arith.constant 0 : i32
    %c0_i32_1 = arith.constant 0 : i32
    return %c0_i32, %c0_i32_0 : i32, i32
  }
  func.func @transform_5(%arg0: i32) -> (i32, i32) {
    %c0_i32 = arith.constant 0 : i32
    %c0_i32_0 = arith.constant 0 : i32
    %c0_i32_1 = arith.constant 0 : i32
    return %c0_i32, %c0_i32_0 : i32, i32
  }
  func.func @transform_6(%arg0: i32) -> (i32, i32) {
    %c0_i32 = arith.constant 0 : i32
    %c0_i32_0 = arith.constant 0 : i32
    return %arg0, %c0_i32 : i32, i32
  }
  func.func @transform_7(%arg0: i32) -> (i32, i32) {
    %c0_i32 = arith.constant 0 : i32
    %c0_i32_0 = arith.constant 0 : i32
    return %arg0, %c0_i32 : i32, i32
  }
}

module attributes {stable_mosaic.version = 14 : i64} {
  func.func @_layer2_body(%arg0: i32, %arg1: memref<2x2504x128xf32, #tpu.memory_space<vmem>>, %arg2: memref<2504x128xf32, #tpu.memory_space<vmem>>, %arg3: memref<2504x128xf32, #tpu.memory_space<vmem>>, %arg4: memref<128x64xf32, #tpu.memory_space<vmem>>, %arg5: memref<128x64xf32, #tpu.memory_space<vmem>>, %arg6: memref<1x64xf32, #tpu.memory_space<vmem>>, %arg7: memref<2504x64xf32, #tpu.memory_space<vmem>>) attributes {dimension_semantics = [#tpu.dimension_semantics<arbitrary>], iteration_bounds = array<i64: 4>, scalar_prefetch = 0 : i64, scratch_operands = 0 : i64, tpu.core_type = #tpu.core_type<tc>, window_params = [{transform_indices = @transform_0, window_bounds = array<i64: 2, 2504, 128>}, {transform_indices = @transform_1, window_bounds = array<i64: 2504, 128>}, {transform_indices = @transform_2, window_bounds = array<i64: 2504, 128>}, {pipeline_mode = #tpu.pipeline_mode<synchronous>, transform_indices = @transform_3, window_bounds = array<i64: 128, 64>}, {pipeline_mode = #tpu.pipeline_mode<synchronous>, transform_indices = @transform_4, window_bounds = array<i64: 128, 64>}, {pipeline_mode = #tpu.pipeline_mode<synchronous>, transform_indices = @transform_5, window_bounds = array<i64: 1, 64>}, {transform_indices = @transform_6, window_bounds = array<i64: 2504, 64>}]} {
    %get3A = arith.constant 0 : index
    %get3A_0 = arith.constant 0 : index
    %get3A_1 = arith.constant 0 : index
    %get3A_2 = vector.load %arg1[%get3A, %get3A_0, %get3A_1] : memref<2x2504x128xf32, #tpu.memory_space<vmem>>, vector<1x2504x128xf32>
    %get3A_3 = vector.shape_cast %get3A_2 : vector<1x2504x128xf32> to vector<2504x128xf32>
    %get3A_4 = arith.constant 1 : index
    %get3A_5 = arith.constant 0 : index
    %get3A_6 = arith.constant 0 : index
    %get3A_7 = vector.load %arg1[%get3A_4, %get3A_5, %get3A_6] : memref<2x2504x128xf32, #tpu.memory_space<vmem>>, vector<1x2504x128xf32>
    %get3A_8 = vector.shape_cast %get3A_7 : vector<1x2504x128xf32> to vector<2504x128xf32>
    %add3A = arith.addf %get3A_3, %get3A_8 : vector<2504x128xf32>
    %get3A_9 = arith.constant 0 : index
    %get3A_10 = arith.constant 0 : index
    %get3A_11 = vector.load %arg3[%get3A_9, %get3A_10] : memref<2504x128xf32, #tpu.memory_space<vmem>>, vector<2504x1xf32>
    %mul3A = vector.broadcast %get3A_11 : vector<2504x1xf32> to vector<2504x128xf32>
    %mul3A_12 = arith.mulf %add3A, %mul3A : vector<2504x128xf32>
    %get3A_13 = arith.constant 0 : index
    %get3A_14 = arith.constant 0 : index
    %get3A_15 = vector.load %arg4[%get3A_13, %get3A_14] : memref<128x64xf32, #tpu.memory_space<vmem>>, vector<128x64xf32>
    %dot_general3A = arith.constant dense<0.000000e+00> : vector<2504x64xf32>
    %dot_general3A_16 = tpu.matmul %mul3A_12, %get3A_15, %dot_general3A {dimension_numbers = #tpu.dot_dimension_numbers<[1], [0], [0], [1], [0, 0, 1, 1], [], []>, transpose_lhs_hint = false} : vector<2504x128xf32>, vector<128x64xf32>, vector<2504x64xf32> -> vector<2504x64xf32>
    %get3A_17 = arith.constant 0 : index
    %get3A_18 = arith.constant 0 : index
    %get3A_19 = vector.load %arg2[%get3A_17, %get3A_18] : memref<2504x128xf32, #tpu.memory_space<vmem>>, vector<2504x128xf32>
    %get3A_20 = arith.constant 0 : index
    %get3A_21 = arith.constant 0 : index
    %get3A_22 = vector.load %arg5[%get3A_20, %get3A_21] : memref<128x64xf32, #tpu.memory_space<vmem>>, vector<128x64xf32>
    %dot_general3A_23 = arith.constant dense<0.000000e+00> : vector<2504x64xf32>
    %dot_general3A_24 = tpu.matmul %get3A_19, %get3A_22, %dot_general3A_23 {dimension_numbers = #tpu.dot_dimension_numbers<[1], [0], [0], [1], [0, 0, 1, 1], [], []>, transpose_lhs_hint = false} : vector<2504x128xf32>, vector<128x64xf32>, vector<2504x64xf32> -> vector<2504x64xf32>
    %add3A_25 = arith.addf %dot_general3A_16, %dot_general3A_24 : vector<2504x64xf32>
    %get3A_26 = arith.constant 0 : index
    %get3A_27 = arith.constant 0 : index
    %get3A_28 = vector.load %arg6[%get3A_26, %get3A_27] : memref<1x64xf32, #tpu.memory_space<vmem>>, vector<1x64xf32>
    %add3A_29 = vector.broadcast %get3A_28 : vector<1x64xf32> to vector<2504x64xf32>
    %add3A_30 = arith.addf %add3A_25, %add3A_29 : vector<2504x64xf32>
    %swap3A = arith.constant 0 : index
    %swap3A_31 = arith.constant 0 : index
    %swap3A_32 = vector.load %arg7[%swap3A, %swap3A_31] : memref<2504x64xf32, #tpu.memory_space<vmem>>, vector<2504x64xf32>
    tpu.vector_store %arg7[%swap3A, %swap3A_31], %add3A_30 {strides = array<i32>} : memref<2504x64xf32, #tpu.memory_space<vmem>>, vector<2504x64xf32>,
    return
  }
  func.func @transform_0(%arg0: i32) -> (i32, i32, i32) {
    %c0_i32 = arith.constant 0 : i32
    %c0_i32_0 = arith.constant 0 : i32
    %c0_i32_1 = arith.constant 0 : i32
    return %c0_i32, %arg0, %c0_i32_0 : i32, i32, i32
  }
  func.func @transform_1(%arg0: i32) -> (i32, i32) {
    %c0_i32 = arith.constant 0 : i32
    %c0_i32_0 = arith.constant 0 : i32
    return %arg0, %c0_i32 : i32, i32
  }
  func.func @transform_2(%arg0: i32) -> (i32, i32) {
    %c0_i32 = arith.constant 0 : i32
    %c0_i32_0 = arith.constant 0 : i32
    return %arg0, %c0_i32 : i32, i32
  }
  func.func @transform_3(%arg0: i32) -> (i32, i32) {
    %c0_i32 = arith.constant 0 : i32
    %c0_i32_0 = arith.constant 0 : i32
    %c0_i32_1 = arith.constant 0 : i32
    return %c0_i32, %c0_i32_0 : i32, i32
  }
  func.func @transform_4(%arg0: i32) -> (i32, i32) {
    %c0_i32 = arith.constant 0 : i32
    %c0_i32_0 = arith.constant 0 : i32
    %c0_i32_1 = arith.constant 0 : i32
    return %c0_i32, %c0_i32_0 : i32, i32
  }
  func.func @transform_5(%arg0: i32) -> (i32, i32) {
    %c0_i32 = arith.constant 0 : i32
    %c0_i32_0 = arith.constant 0 : i32
    %c0_i32_1 = arith.constant 0 : i32
    return %c0_i32, %c0_i32_0 : i32, i32
  }
  func.func @transform_6(%arg0: i32) -> (i32, i32) {
    %c0_i32 = arith.constant 0 : i32
    %c0_i32_0 = arith.constant 0 : i32
    return %arg0, %c0_i32 : i32, i32
  }
}

</mosaic_0001>

<sc_bundles>
// kernel: kernel.6.cloned.1.call-start
scs
__scs_entry_jumppad:
0x0: {  	(pc) =	sbr.rel $0x88, $3  }
0x1: {  	(tag) =	ssettag $0x0;
	lr =	simm.s32 $0x1  }
0x2: {  	[smem:$0x3F99] =	sst lr;
	_ =	strace $0xD0000000  }
0x3: {  	_ = 	snop  }
0x4: {  	_ = 	snop  }
0x5: {  	_ = 	snop  }
0x6: {  	_ = 	snop  }
0x7: {  	_ = 	snop  }
__scs_overlays_trampoline_lowered:
0x8: {  	[smem:$0x3FA8] =	sst s0  }
0x9: {  	[smem:$0x3FA9] =	sst s1  }
0xa: {  	[smem:$0x3FAA] =	sst s2  }
0xb: {  	[smem:$0x3FAB] =	sst s3  }
0xc: {  	[smem:$0x3FAC] =	sst s4  }
0xd: {  	[smem:$0x3FAD] =	sst s5  }
0xe: {  	[smem:$0x3FAE] =	sst s6  }
0xf: {  	[smem:$0x3FAF] =	sst s7  }
0x10: {  	[smem:$0x3FB0] =	sst s8  }
0x11: {  	[smem:$0x3FB1] =	sst s9;
	s0 =	simm.s32 @!p0 $0x0  }
0x12: {  	s1 =	sld [smem:$0x3F97];
	s0 =	simm.s32 @p0 $0x1  }
0x13: {  	[smem:$0x3FB2] =	sst s0;
	s0 =	simm.s32 @!p1 $0x0  }
0x14: {  	s2 =	sld [smem:$0x3F96];
	s0 =	simm.s32 @p1 $0x1  }
0x15: {  	[smem:$0x3FB3] =	sst s0;
	s0 =	simm.s32 @!p2 $0x0  }
0x16: {  	s3 =	sld [smem:$0x3FDB];
	s0 =	simm.s32 @p2 $0x1  }
0x17: {  	s4 =	simm.s32 $0x1BF5;
	[smem:$0x3FB5] =	sst s0  }
0x18: {  	s0 =	sld [smem:$0x3F98];
	_ =	swait.ge [sflag:s4], $0x0  }
0x19: {  	s7 =	sld [smem:$0x3F99]  }
0x1a: {  	s8 =	sadd.s32 $0xFFFFE003, lr  }
0x1b: {  	s9 =	sadd.s32 $0xFFFFFEF7, lr;
	s5 =	simm.s32 $0xFFFFFFFF;
	p2 =	slt.u32 s8, $0xFFFFF086  }
0x1c: {  	p1 =	slt.u32 s9, $0xF7A;
	s5 =	simm.s32 @!p2 $0x0  }
0x1d: {  	s5 =	simm.s32 @p1 $0x1;
	p0 =	seq.s32 s7, s2  }
0x1e: {  	s7 =	smul.u32 @!p0 $0xF7A, s2;
	p2 =	seq.s32 @!p0 s5, $0x0  }
0x1f: {  	s9 =	smul.u32 $0xF7A, s1;
	s8 =	simm.s32 @!p0 $0x1BF5;
	p2 =	por !p2, p0  }
0x20: {  	[sflag:s8] =	ssyncset.s32 @!p0 $0xFFFFF086;
	s6 =	sadd.s32 @!p0 s3, s7;
	s7 =	simm.s32 @!p0 $0x108  }
0x21: {  	s3 =	sadd.s32 s3, s9;
	s6 =	sadd.s32 @!p0 $0x88, s6;
	s7 =	simm.s32 @p2 $0x1082  }
0x22: {  	[simem:s7], [sflag:s8] =	dma.local @!p0 [hbm:s6], $0xF7A  }
0x23: {  	s9 =	sor.u32 $0xD0000000, s2;
	s6 =	simm.s32 $0x108;
	_ =	swait.ge @!p0 [sflag:s8], $0x0  }
0x24: {  	s3 =	sadd.s32 $0x88, s3;
	s6 =	simm.s32 @!p1 $0x1082;
	[sflag:s4] =	ssyncset.s32 $0xFFFFF086  }
0x25: {  	[simem:s6], [sflag:s4] =	dma.local [hbm:s3], $0xF7A  }
0x26: {  	[smem:$0x3F99] =	sst s1;
	(tag) =	ssettag s2;
	_ =	strace s9  }
0x27: {  	s1 =	sld [smem:$0x3FA9]  }
0x28: {  	s2 =	sld [smem:$0x3FAA]  }
0x29: {  	s4 =	sld [smem:$0x3FAC]  }
0x2a: {  	p0 =	seq.s32 s5, $0x0;
	s5 =	sld [smem:$0x3FAD]  }
0x2b: {  	s6 =	sld [smem:$0x3FAE]  }
0x2c: {  	s7 =	sld [smem:$0x3FAF]  }
0x2d: {  	s3 =	simm.s32 $0x108;
	s8 =	sld [smem:$0x3FB0]  }
0x2e: {  	s3 =	simm.s32 @!p0 $0x1082;
	s9 =	sld [smem:$0x3FB1]  }
0x2f: {  	lr =	sadd.s32 s0, s3;
	s0 =	sld [smem:$0x3FA8]  }
0x30: {  	s3 =	sld [smem:$0x3FAB]  }
0x31: {  	[smem:$0x3FB4] =	sst s10  }
0x32: {  	s10 =	sld [smem:$0x3FB2];
	_ =	sdelay $0x3  }
0x33: {  	p0 =	seq.s32 s10, $0x1;
	s10 =	sld [smem:$0x3FB4];
	_ =	sdelay $0x3  }
0x34: {  	[smem:$0x3FB4] =	sst s10  }
0x35: {  	s10 =	sld [smem:$0x3FB3];
	_ =	sdelay $0x3  }
0x36: {  	p1 =	seq.s32 s10, $0x1;
	s10 =	sld [smem:$0x3FB4];
	_ =	sdelay $0x3  }
0x37: {  	[smem:$0x3FB4] =	sst s10  }
0x38: {  	s10 =	sld [smem:$0x3FB5]  }
0x39: {  	_ = 	snop;
	(pc) =	sbr.ind lr, $3  }
0x3a: {  	_ = 	snop  }
0x3b: {  	_ = 	snop  }
0x3c: {  	p2 =	seq.s32 s10, $0x1;
	s10 =	sld [smem:$0x3FB4]  }
0x3d: {  	_ =	shalt  }
0x3e: {  	_ =	shalt  }
0x3f: {  	_ =	shalt  }
0x40: {  	_ =	shalt  }
0x41: {  	_ =	shalt  }
0x42: {  	_ =	shalt  }
0x43: {  	_ =	shalt  }
0x44: {  	_ =	shalt  }
0x45: {  	_ =	shalt  }
0x46: {  	_ =	shalt  }
0x47: {  	_ =	shalt  }
0x48: {  	_ =	shalt  }
0x49: {  	_ =	shalt  }
0x4a: {  	_ =	shalt  }
0x4b: {  	_ =	shalt  }
0x4c: {  	_ =	shalt  }
0x4d: {  	_ =	shalt  }
0x4e: {  	_ =	shalt  }
0x4f: {  	_ =	shalt  }
0x50: {  	_ =	shalt  }
0x51: {  	_ =	shalt  }
0x52: {  	_ =	shalt  }
0x53: {  	_ =	shalt  }
0x54: {  	_ =	shalt  }
0x55: {  	_ =	shalt  }
0x56: {  	_ =	shalt  }
0x57: {  	_ =	shalt  }
0x58: {  	_ =	shalt  }
0x59: {  	_ =	shalt  }
0x5a: {  	_ =	shalt  }
0x5b: {  	_ =	shalt  }
0x5c: {  	_ =	shalt  }
0x5d: {  	_ =	shalt  }
0x5e: {  	_ =	shalt  }
0x5f: {  	_ =	shalt  }
0x60: {  	_ =	shalt  }
0x61: {  	_ =	shalt  }
0x62: {  	_ =	shalt  }
0x63: {  	_ =	shalt  }
0x64: {  	_ =	shalt  }
0x65: {  	_ =	shalt  }
0x66: {  	_ =	shalt  }
0x67: {  	_ =	shalt  }
0x68: {  	_ =	shalt  }
0x69: {  	_ =	shalt  }
0x6a: {  	_ =	shalt  }
0x6b: {  	_ =	shalt  }
0x6c: {  	_ =	shalt  }
0x6d: {  	_ =	shalt  }
0x6e: {  	_ =	shalt  }
0x6f: {  	_ =	shalt  }
0x70: {  	_ =	shalt  }
0x71: {  	_ =	shalt  }
0x72: {  	_ =	shalt  }
0x73: {  	_ =	shalt  }
0x74: {  	_ =	shalt  }
0x75: {  	_ =	shalt  }
0x76: {  	_ =	shalt  }
0x77: {  	_ =	shalt  }
0x78: {  	_ =	shalt  }
0x79: {  	_ =	shalt  }
0x7a: {  	_ =	shalt  }
0x7b: {  	_ =	shalt  }
0x7c: {  	_ =	shalt  }
0x7d: {  	_ =	shalt  }
0x7e: {  	_ =	shalt  }
0x7f: {  	_ =	shalt  }
0x80: {  	_ =	shalt  }
0x81: {  	_ =	shalt  }
0x82: {  	_ =	shalt  }
0x83: {  	_ =	shalt  }
0x84: {  	_ =	shalt  }
0x85: {  	_ =	shalt  }
0x86: {  	_ =	shalt  }
0x87: {  	_ =	shalt  }
.Lfunc_end0:
.L_simem_size_0:
called_computation_lowered:
.L_overlay_start_0:
0x88: {  	s2 =	sld [smem:$0x3FD9]  }
0x89: {  	s3 =	sld [smem:$0x3FFE];
	_ =	sdelay $0x1  }
0x8a: {  	s1 =	srdreg.scid  }
0x8b: {  	s0 =	sand.u32 $0x1, s1  }
0x8c: {  	s17 =	sshll.u32 s0, $0xA;
	s2 =	sadd.s32 s3, s2  }
0x8d: {  	s2 =	sadd.s32 s2, s17  }
0x8e: {  	[smem:$0x3FC0] =	sst s2  }
0x8f: {  	_ = 	snop  }
0x90: {  	s2 =	sld [smem:$0x3FD0];
	(tm) =	ssettm $0x1  }
0x91: {  	s18 =	sld [smem:$0x3FFB];
	_ =	sdelay $0x3  }
0x92: {  	_ =	strace s18  }
0x93: {  	s3 =	sld [smem:$0x3FFC];
	_ =	sdelay $0x3  }
0x94: {  	_ =	strace s3  }
0x95: {  	s3 =	sld [smem:$0x3FFD];
	_ =	sdelay $0x3  }
0x96: {  	_ =	strace s3  }
0x97: {  	_ =	strace $0x8FFFFFFF  }
0x98: {  	s19 =	sld [smem:$0x3FDB];
	_ =	sdelay $0x1  }
0x99: {  	s4 =	simm.s32 $_scs_section_size  }
0x9a: {  	s5 =	simm.s32 $_size__tile_overlayer_lowered;
	s6 =	simm.s32 $_tile_overlayer_lowered  }
0x9b: {  	s22 =	simm.s32 $0x1BFF;
	s21 =	sshll.u32 s6, $0x1;
	s3 =	sadd.s32 s4, s19  }
0x9c: {  	s7 =	simm.s32 $0x0;
	s20 =	sshll.u32 s5, $0x1;
	s5 =	sadd.s32 s21, s3  }
0x9d: {  	[timem:s7], [sflag:s22] =	dma.local [hbm:s5], s20  }
0x9e: {  	_ =	swait.ge [sflag:s22], s20  }
0x9f: {  	s4 =	ssub.s32 $0x0, s20;
	[sflag:s22] =	ssyncset.done $0x0  }
0xa0: {  	[sflag:s22] =	ssyncadd.s32 s4;
	_ =	sdelay $0x1  }
0xa1: {  	s23 =	simm.s32 $0x1B8B  }
0xa2: {  	_ =	swait.ge [sflag:s23], $0x1  }
0xa3: {  	[sflag:s23] =	ssyncset.done $0x0  }
0xa4: {  	s25 =	simm.s32 $0x1B8E;
	s24 =	sld [smem:$0x3FFE];
	[sflag:s23] =	ssyncadd.s32 $0xFFFFFFFF  }
0xa5: {  	s26 =	simm.s32 $execute0_lowered;
	[smem:$0x3FD2] =	sst s25  }
0xa6: {  	s5 =	sshll.u32 s26, $0x1;
	_ =	strace $0x80000046;
	[dreg:$0x1] =	wrdreg $0xFFFFFFFF  }
0xa7: {  	s28 =	simm.s32 $_size_execute0_lowered;
	s3 =	sadd.s32 s3, s5;
	[dreg:$0x0] =	wrdreg $0x0  }
0xa8: {  	s5 =	sshll.u32 s28, $0x1;
	[dreg:$0x2] =	wrdreg s3  }
0xa9: {  	[dreg:$0x3] =	wrdreg s5  }
0xaa: {  	[dreg:$0x4] =	wrdreg $0xC0  }
0xab: {  	_ =	task [dreg:s7], $0x5FFFF  }
0xac: {  	[dreg:$0x1] =	wrdreg $0xFFFFFFFF  }
0xad: {  	[dreg:$0x0] =	wrdreg $0x60  }
0xae: {  	[dreg:$0x2] =	wrdreg s2  }
0xaf: {  	[dreg:$0x3] =	wrdreg s24  }
0xb0: {  	[dreg:$0x4] =	wrdreg $0x90000  }
0xb1: {  	[dreg:$0x5] =	wrdreg $0x1CD000  }
0xb2: {  	[dreg:$0x6] =	wrdreg $0x9  }
0xb3: {  	_ =	task.clear_ibuf [dreg:s7], $0x7FFFF;
	_ =	strace $0x90000046  }
0xb4: {  	s29 =	simm.s32 $0x9;
	_ =	strace $0x8000004B  }
0xb5: {  	_ =	swait.ge [sflag:s29], $0x1  }
0xb6: {  	[sflag:s29] =	ssyncadd.s32 $0xFFFFFFFF  }
0xb7: {  	_ =	strace $0x9000004B  }
0xb8: {  	_ =	sfence  }
0xb9: {  	s30 =	sld [smem:$0x0];
	_ =	sdelay $0x2  }
0xba: {  	s31 =	sshll.u32 s1, $0xD;
	s1 =	sshrl.u32 s1, $0x2  }
0xbb: {  	s3 =	sand.u32 $0x4000, s31;
	s1 =	sadd.s32 s1, s30  }
0xbc: {  	s0 =	sor.u32 s3, s0;
	s1 =	sshll.u32 s1, $0x11  }
0xbd: {  	s0 =	sor.u32 s1, s0  }
0xbe: {  	s0 =	sadd.s32 $0x8F2B, s0  }
0xbf: {  	[sflag:s0] =	ssyncadd.remote.s32 $0x1  }
0xc0: {  	_ =	sfence.sel $0xFFFF  }
0xc1: {  	[dreg:$0x0] =	wrdreg $0xFFFFFFFF;
	(pc) =	sbr.abs _section_cstart, $3  }
0xc2: {  	[dreg:$0x1] =	wrdreg $0xFFFFFFFF  }
0xc3: {  	_ =	task.clear_ibuf [dreg:s7], $0x2FFFF;
	_ =	strace $0x9FFFFFFF  }
0xc4: {  	(tm) =	ssettm $0x7FFFFFFF  }
0xc5: {  	_ =	shalt  }
tec
execute0_lowered:
.L_overlay_start_1:
0x0: {  	(tag) =	ssettag $0x1  }
0x1: {  	s11 =	rddreg [dreg:$0x0]  }
0x2: {  	s0 =	rddreg [dreg:$0x1]  }
0x3: {  	s3 =	rddreg [dreg:$0x2]  }
0x4: {  	s4 =	rddreg [dreg:$0x3]  }
0x5: {  	s1 =	srdreg.scid;
	s12 =	stileid.u32;
	s5 =	simm.s32 $0x0  }
0x6: {  	s15 =	simm.s32 $0xE;
	s28 =	simm.s32 $0x5000;
	s30 =	simm.s32 $0x7000  }
0x7: {  	s31 =	simm.s32 $0x1;
	s29 =	simm.s32 $0xB;
	s16 =	simm.s32 $0x0  }
0x8: {  	s1 =	sand.u32 $0x1, s1;
	s2 =	smul.u32 $0x13900, s12;
	[smem:$0x7FF] =	sst s5  }
0x9: {  	s13 =	sadd.s32 $0x2E00, s0;
	s7 =	sadd.s32 $0xCE00, s0;
	s6 =	sadd.s32 $0x34000, s0  }
0xa: {  	s19 =	smul.u32 $0x2720, s12;
	s8 =	sadd.s32 $0x36800, s0;
	s9 =	sadd.s32 $0x36E00, s0  }
0xb: {  	s21 =	sshll.u32 s12, $0x1;
	_ =	strace $0x80000047;
	[dreg:$0xa] =	wrdreg s6  }
0xc: {  	s26 =	sshll.u32 s12, $0x6;
	s18 =	smul.u32 $0x139000, s1;
	[dreg:$0xb] =	wrdreg s8  }
0xd: {  	s12 =	simm.s32 $0xC;
	s20 =	smul.u32 $0x27200, s1;
	[dreg:$0xc] =	wrdreg s9  }
0xe: {  	s10 =	ssub.s32 $0x2, s1;
	s1 =	sor.u32 s1, s21;
	[dreg:$0x9] =	wrdreg s13  }
0xf: {  	s21 =	simm.s32 $0x1C900;
	s9 =	simm.s32 $0x4;
	s22 =	sshrl.u32 s10, $0x1  }
0x10: {  	s14 =	smul.u32 $0x500, s1;
	s6 =	sadd.s32 s19, s4;
	s5 =	sadd.s32 s2, s18  }
0x11: {  	s8 =	sadd.s32 s19, s20;
	s23 =	ssub.s32 s10, s22;
	s2 =	sadd.s32 s2, s3  }
0x12: {  	s6 =	sshrl.u32 s6, $0x3;
	s22 =	simm.s32 $0xA;
	s10 =	simm.s32 $0x7  }
0x13: {  	s5 =	sshrl.u32 s5, $0x3;
	s8 =	sshrl.u32 s8, $0x3;
	s24 =	sadd.s32 s11, s14  }
0x14: {  	[dreg:$0xd] =	wrdreg s14;
	s25 =	sadd.s32 s13, s14;
	s1 =	smax.u32 s23, $0x1  }
0x15: {  	s11 =	sshrl.u32 s2, $0x3;
	s23 =	simm.s32 $0x40;
	[dreg:$0x15] =	wrdreg s6  }
0x16: {  	s2 =	simm.s32 $0x5;
	s13 =	simm.s32 $0x8;
	[dreg:$0xe] =	wrdreg s24  }
0x17: {  	s14 =	simm.s32 $0xD;
	s5 =	sadd.s32 s5, s0;
	[dreg:$0xf] =	wrdreg s25  }
.Ltmp0:
0x18: {  	s0 =	sadd.s32 s8, s0;
	[dreg:$0x12] =	wrdreg s1;
	(pc) =	sbr.rel .LBB2_1-.Ltmp0, $4  }
0x19: {  	s24 =	simm.s32 $0x1000;
	[dreg:$0x14] =	wrdreg s11;
	s5 =	sadd.s32 $0x40E00, s5  }
0x1a: {  	s25 =	simm.s32 $0x3000;
	s0 =	sadd.s32 $0x37000, s0;
	[dreg:$0x10] =	wrdreg s5  }
0x1b: {  	s8 =	simm.s32 $0x3;
	[dreg:$0x11] =	wrdreg s0;
	s5 =	sor.u32 $0x1C0E, s26  }
0x1c: {  	s0 =	simm.s32 $0x2;
	s26 =	simm.s32 $0x6;
	[dreg:$0x13] =	wrdreg s5  }
.LBB2_5:
0x1d: {  	_ =	swait.ge [sflag:s13], $0x2000  }
0x1e: {  	[sflag:s13] =	ssyncset.done $0x0  }
0x1f: {  	[sflag:s13] =	ssyncadd.s32 $0xFFFFE000  }
0x20: {  	_ =	swait.ge [sflag:s14], $0x400  }
0x21: {  	[sflag:s14] =	ssyncset.done $0x0  }
0x22: {  	[sflag:s14] =	ssyncadd.s32 $0xFFFFFC00  }
.LBB2_7:
0x23: {  	_ =	strace $0x90000049  }
0x24: {  	[bflag:$0x0] =	sbarrier.arrive $0xFFFF  }
0x25: {  	_ =	strace $0x8000004A  }
0x26: {  	s1 =	rddreg [dreg:$0x10]  }
0x27: {  	s5 =	rddreg [dreg:$0x13]  }
0x28: {  	s15 =	simm.s32 $0xE;
	s11 =	rddreg [dreg:$0x14]  }
0x29: {  	[hbm:s1], [sflag:s5] =	dma.local [spmem:s11], $0x2720  }
0x2a: {  	_ =	swait.ge [sflag:s15], $0x2720  }
0x2b: {  	[sflag:s15] =	ssyncset.done $0x0;
	s19 =	rddreg [dreg:$0x11]  }
0x2c: {  	s6 =	rddreg [dreg:$0x15];
	[sflag:s15] =	ssyncadd.s32 $0xFFFFD8E0  }
0x2d: {  	[hbm:s19], [sflag:s5] =	dma.local [spmem:s6], $0x4E4  }
0x2e: {  	_ =	swait.ge [sflag:s15], $0x4E4  }
0x2f: {  	s16 =	rddreg [dreg:$0x16]  }
0x30: {  	s20 =	rddreg [dreg:$0x12];
	s16 =	sadd.s32 $0x1, s16  }
0x31: {  	p0 =	sne.s32 s16, s20  }
.Ltmp1:
0x32: {  	_ = 	snop;
	(pc) =	sbr.rel @!p0 .LBB2_8-.Ltmp1, $4  }
0x33: {  	_ = 	snop  }
0x34: {  	[sflag:s15] =	ssyncset.done $0x0  }
0x35: {  	[sflag:s15] =	ssyncadd.s32 $0xFFFFFB1C  }
0x36: {  	_ =	strace $0x9000004A  }
.LBB2_1:
0x37: {  	[dreg:$0x16] =	wrdreg s16  }
0x38: {  	_ =	strace $0x80000048  }
0x39: {  	s1 =	rddreg [dreg:$0xa]  }
0x3a: {  	[spmem:s11], [sflag:s5] =	dma.local [hbm:s1], $0x2720  }
0x3b: {  	_ =	swait.ge [sflag:s15], $0x2720  }
0x3c: {  	[sflag:s15] =	ssyncset.done $0x0  }
0x3d: {  	s19 =	rddreg [dreg:$0xb];
	[sflag:s15] =	ssyncadd.s32 $0xFFFFD8E0  }
0x3e: {  	[spmem:s6], [sflag:s5] =	dma.local [hbm:s19], $0x4E4  }
0x3f: {  	_ =	swait.ge [sflag:s15], $0x4E4  }
0x40: {  	[sflag:s15] =	ssyncset.done $0x0  }
0x41: {  	s20 =	simm.s32 $0x0;
	s11 =	rddreg [dreg:$0xc];
	[sflag:s15] =	ssyncadd.s32 $0xFFFFFB1C  }
0x42: {  	[tilespmem:s21], [sflag:$0xE] =	stream.linear.gather [hbm4b:s11+s20], $0x400, $0x200038;
	[tilespmem:$0x1F420] =	vst v63  }
0x43: {  	_ =	swait.ge [sflag:s15], $0x400  }
0x44: {  	[sflag:s15] =	ssyncset.done $0x0  }
0x45: {  	s16 =	rddreg [dreg:$0xe];
	[sflag:s15] =	ssyncadd.s32 $0xFFFFFC00  }
0x46: {  	[tilespmem:s20], [sflag:$0xE] =	stream.linear.gather [hbm4b:s16+s20], $0x400, $0x200038;
	[tilespmem:$0x1F420] =	vst v63  }
0x47: {  	_ =	swait.ge [sflag:s15], $0x400  }
0x48: {  	[sflag:s15] =	ssyncset.done $0x0  }
0x49: {  	s18 =	simm.s32 $0x800;
	s17 =	rddreg [dreg:$0xf];
	[sflag:s15] =	ssyncadd.s32 $0xFFFFFC00  }
0x4a: {  	[tilespmem:s18], [sflag:$0xE] =	stream.linear.gather [hbm4b:s17+s20], $0x400, $0x200038;
	[tilespmem:$0x1F420] =	vst v63  }
0x4b: {  	_ =	swait.ge [sflag:s15], $0x400  }
0x4c: {  	[sflag:s15] =	ssyncset.done $0x0  }
0x4d: {  	[sflag:s15] =	ssyncadd.s32 $0xFFFFFC00  }
0x4e: {  	_ =	strace $0x90000048  }
0x4f: {  	[bflag:$0x0] =	sbarrier.arrive $0xFFFF  }
0x50: {  	[tilespmem:s24], [sflag:$0x1] =	stream.indirect.gather [hbm4b:s7+s23], $0x80, s20, s23, $0xb8;
	[tilespmem:$0x1F420] =	vst v63  }
0x51: {  	_ = 	snop  }
0x52: {  	[tilespmem:s25], [sflag:$0x2] =	stream.indirect.gather [hbm4b:s7+s23], $0x80, s23, s23, $0xb8;
	[tilespmem:$0x1F420] =	vst v63  }
0x53: {  	s19 =	simm.s32 $0x80  }
0x54: {  	[tilespmem:s28], [sflag:$0x3] =	stream.indirect.gather [hbm4b:s7+s23], $0x80, s19, s23, $0xb8;
	[tilespmem:$0x1F420] =	vst v63  }
0x55: {  	s5 =	simm.s32 $0x0;
	s16 =	simm.s32 $0x0;
	s20 =	simm.s32 $0xC0  }
0x56: {  	[tilespmem:s30], [sflag:$0x4] =	stream.indirect.gather [hbm4b:s7+s23], $0x80, s20, s23, $0xb8;
	[tilespmem:$0x1F420] =	vst v63  }
0x57: {  	s18 =	simm.s32 $0x0;
	s20 =	simm.s32 $0x0;
	_ =	strace $0x80000049  }
.LBB2_2:
0x58: {  	s1 =	sshll.u32 s18, $0x8  }
0x59: {  	s11 =	sadd.s32 $0x1, s20;
	s1 =	sand.u32 $0x700, s1  }
0x5a: {  	[dreg:$0x17] =	wrdreg s11;
	s6 =	sor.u32 $0x800, s1  }
0x5b: {  	p0 =	seq.s32 s20, $0x9;
	s17 =	sand.u32 $0xF, s16;
	[dreg:$0x5] =	wrdreg s6  }
0x5c: {  	s15 =	sshll.u32 @!p0 s11, $0x7;
	s6 =	sshll.u32 @!p0 s11, $0xA;
	s11 =	rddreg [dreg:$0xd]  }
0x5d: {  	s1 =	sadd.s32 $0x100, s1;
	s15 =	sadd.s32 @!p0 s11, s15;
	s11 =	rddreg [dreg:$0x0]  }
0x5e: {  	s6 =	sand.u32 @!p0 $0x400, s6;
	s19 =	sadd.s32 @!p0 s11, s15;
	s11 =	simm.s32 @!p0 $0x0  }
0x5f: {  	[tilespmem:s6], [sflag:$0x9] =	stream.linear.gather @!p0 [hbm4b:s19+s11], $0x400, $0x200038;
	[tilespmem:$0x1F420] =	vst v63  }
0x60: {  	s17 =	sshll.u32 s17, $0x7;
	[dreg:$0x6] =	wrdreg s1;
	s19 =	sand.u32 $0x1F, s5  }
0x61: {  	s1 =	sor.u32 @!p0 $0x800, s6;
	s6 =	rddreg [dreg:$0x9];
	s19 =	sshll.u32 s19, $0x6  }
0x62: {  	s6 =	sadd.s32 @!p0 s6, s15;
	[dreg:$0x7] =	wrdreg s19;
	s19 =	sadd.s32 $0x180, s17  }
0x63: {  	[tilespmem:s1], [sflag:$0x9] =	stream.linear.gather @!p0 [hbm4b:s6+s11], $0x400, $0x200038;
	[tilespmem:$0x1F420] =	vst v63  }
0x64: {  	[dreg:$0x8] =	wrdreg s19  }
0x65: {  	_ =	swait.ge [sflag:s31], $0x2000  }
0x66: {  	s15 =	rddreg [dreg:$0x5];
	[sflag:s31] =	ssyncset.done $0x0  }
0x67: {  	[sflag:s31] =	ssyncadd.s32 $0xFFFFE000;
	s1 =	sadd.s32 $0x0, s15  }
0x68: {  	[spmem:s3] =	stream.indirect.scatter.add.f32 [tilespmem:s24], [sflag:$0x5], $0x80, s1, s23, $0x2000b8;
	[tilespmem:$0x1F420] =	vst v63  }
0x69: {  	_ = 	snop  }
0x6a: {  	[spmem:s4] =	stream.indirect.scatter.add.f32 [tilespmem:s21], [sflag:$0xA], $0x10, s1, s23, $0x2000b8;
	[tilespmem:$0x1F420] =	vst v63  }
0x6b: {  	_ =	swait.ge [sflag:s0], $0x2000  }
0x6c: {  	[sflag:s0] =	ssyncset.done $0x0  }
0x6d: {  	s17 =	sadd.s32 $0x40, s1;
	[sflag:s0] =	ssyncadd.s32 $0xFFFFE000  }
0x6e: {  	[spmem:s3] =	stream.indirect.scatter.add.f32 [tilespmem:s25], [sflag:$0x6], $0x80, s17, s23, $0x2000b8;
	[tilespmem:$0x1F420] =	vst v63  }
0x6f: {  	_ = 	snop  }
0x70: {  	[spmem:s4] =	stream.indirect.scatter.add.f32 [tilespmem:s21], [sflag:$0xB], $0x10, s17, s23, $0x2000b8;
	[tilespmem:$0x1F420] =	vst v63  }
0x71: {  	_ =	swait.ge [sflag:s2], $0x2000  }
0x72: {  	[sflag:s2] =	ssyncset.done $0x0  }
0x73: {  	[sflag:s2] =	ssyncadd.s32 $0xFFFFE000  }
0x74: {  	_ =	swait.ge [sflag:s22], $0x400  }
0x75: {  	s19 =	rddreg [dreg:$0x6];
	[sflag:s22] =	ssyncset.done $0x0  }
0x76: {  	[sflag:s22] =	ssyncadd.s32 $0xFFFFFC00;
	s6 =	sadd.s32 $0x0, s19  }
0x77: {  	[tilespmem:s24], [sflag:$0x1] =	stream.indirect.gather [hbm4b:s7+s23], $0x80, s6, s23, $0x2000b8;
	[tilespmem:$0x1F420] =	vst v63  }
0x78: {  	_ =	swait.ge [sflag:s26], $0x2000  }
0x79: {  	[sflag:s26] =	ssyncset.done $0x0  }
0x7a: {  	[sflag:s26] =	ssyncadd.s32 $0xFFFFE000  }
0x7b: {  	_ =	swait.ge [sflag:s29], $0x400  }
0x7c: {  	s11 =	rddreg [dreg:$0x7]  }
0x7d: {  	[sflag:s29] =	ssyncset.done $0x0;
	s6 =	sadd.s32 $0x0, s11  }
0x7e: {  	[sflag:s29] =	ssyncadd.s32 $0xFFFFFC00;
	s15 =	sadd.s32 $0x140, s6  }
0x7f: {  	[tilespmem:s25], [sflag:$0x2] =	stream.indirect.gather [hbm4b:s7+s23], $0x80, s15, s23, $0x2000b8;
	[tilespmem:$0x1F420] =	vst v63  }
0x80: {  	_ =	swait.ge [sflag:s8], $0x2000  }
0x81: {  	[sflag:s8] =	ssyncset.done $0x0  }
0x82: {  	s17 =	sadd.s32 $0x80, s1;
	[sflag:s8] =	ssyncadd.s32 $0xFFFFE000  }
0x83: {  	[spmem:s3] =	stream.indirect.scatter.add.f32 [tilespmem:s28], [sflag:$0x7], $0x80, s17, s23, $0x2000b8;
	[tilespmem:$0x1F420] =	vst v63  }
0x84: {  	_ = 	snop  }
0x85: {  	[spmem:s4] =	stream.indirect.scatter.add.f32 [tilespmem:s21], [sflag:$0xC], $0x10, s17, s23, $0x2000b8;
	[tilespmem:$0x1F420] =	vst v63  }
0x86: {  	_ =	swait.ge [sflag:s9], $0x2000  }
0x87: {  	[sflag:s9] =	ssyncset.done $0x0  }
0x88: {  	s1 =	sadd.s32 $0xC0, s1;
	[sflag:s9] =	ssyncadd.s32 $0xFFFFE000  }
0x89: {  	[spmem:s3] =	stream.indirect.scatter.add.f32 [tilespmem:s30], [sflag:$0x8], $0x80, s1, s23, $0x2000b8;
	[tilespmem:$0x1F420] =	vst v63  }
0x8a: {  	_ = 	snop  }
0x8b: {  	[spmem:s4] =	stream.indirect.scatter.add.f32 [tilespmem:s21], [sflag:$0xD], $0x10, s1, s23, $0x2000b8;
	[tilespmem:$0x1F420] =	vst v63  }
0x8c: {  	_ =	swait.ge [sflag:s10], $0x2000  }
0x8d: {  	[sflag:s10] =	ssyncset.done $0x0  }
0x8e: {  	[sflag:s10] =	ssyncadd.s32 $0xFFFFE000  }
0x8f: {  	_ =	swait.ge [sflag:s12], $0x400  }
0x90: {  	s19 =	rddreg [dreg:$0x8];
	[sflag:s12] =	ssyncset.done $0x0  }
0x91: {  	[sflag:s12] =	ssyncadd.s32 $0xFFFFFC00;
	s1 =	sadd.s32 $0x0, s19  }
0x92: {  	[tilespmem:s28], [sflag:$0x3] =	stream.indirect.gather [hbm4b:s7+s23], $0x80, s1, s23, $0x2000b8;
	[tilespmem:$0x1F420] =	vst v63  }
0x93: {  	_ =	swait.ge [sflag:s13], $0x2000  }
0x94: {  	[sflag:s13] =	ssyncset.done $0x0  }
0x95: {  	[sflag:s13] =	ssyncadd.s32 $0xFFFFE000  }
0x96: {  	_ =	swait.ge [sflag:s14], $0x400  }
0x97: {  	s6 =	sadd.s32 $0x1C0, s6;
	[sflag:s14] =	ssyncset.done $0x0  }
0x98: {  	s15 =	simm.s32 $0x400;
	s1 =	sshll.u32 s20, $0xC;
	[sflag:s14] =	ssyncadd.s32 $0xFFFFFC00  }
.LBB2_3:
0x99: {  	[tilespmem:s30], [sflag:$0x4] =	stream.indirect.gather [hbm4b:s7+s23], $0x80, s6, s23, $0x2000b8;
	[tilespmem:$0x1F420] =	vst v63  }
0x9a: {  	s19 =	smov.u32 s15;
	_ =	swait.ge [sflag:s31], $0x2000  }
0x9b: {  	s19 =	sshra.s32 s19, $0x2;
	s11 =	rddreg [dreg:$0x5];
	[sflag:s31] =	ssyncset.done $0x0  }
0x9c: {  	[sflag:s31] =	ssyncadd.s32 $0xFFFFE000;
	s6 =	sadd.s32 s19, s11  }
0x9d: {  	[spmem:s3] =	stream.indirect.scatter.add.f32 [tilespmem:s24], [sflag:$0x5], $0x80, s6, s23, $0x2000b8;
	[tilespmem:$0x1F420] =	vst v63  }
0x9e: {  	_ = 	snop  }
0x9f: {  	[spmem:s4] =	stream.indirect.scatter.add.f32 [tilespmem:s21], [sflag:$0xA], $0x10, s6, s23, $0x2000b8;
	[tilespmem:$0x1F420] =	vst v63  }
0xa0: {  	_ =	swait.ge [sflag:s0], $0x2000  }
0xa1: {  	[sflag:s0] =	ssyncset.done $0x0  }
0xa2: {  	s11 =	sadd.s32 $0x40, s6;
	[sflag:s0] =	ssyncadd.s32 $0xFFFFE000  }
0xa3: {  	[spmem:s3] =	stream.indirect.scatter.add.f32 [tilespmem:s25], [sflag:$0x6], $0x80, s11, s23, $0x2000b8;
	[tilespmem:$0x1F420] =	vst v63  }
0xa4: {  	_ = 	snop  }
0xa5: {  	[spmem:s4] =	stream.indirect.scatter.add.f32 [tilespmem:s21], [sflag:$0xB], $0x10, s11, s23, $0x2000b8;
	[tilespmem:$0x1F420] =	vst v63  }
0xa6: {  	_ =	swait.ge [sflag:s2], $0x2000  }
0xa7: {  	[sflag:s2] =	ssyncset.done $0x0  }
0xa8: {  	[sflag:s2] =	ssyncadd.s32 $0xFFFFE000  }
0xa9: {  	_ =	swait.ge [sflag:s22], $0x400  }
0xaa: {  	s17 =	rddreg [dreg:$0x6];
	[sflag:s22] =	ssyncset.done $0x0  }
0xab: {  	[sflag:s22] =	ssyncadd.s32 $0xFFFFFC00;
	s11 =	sadd.s32 s19, s17  }
0xac: {  	[tilespmem:s24], [sflag:$0x1] =	stream.indirect.gather [hbm4b:s7+s23], $0x80, s11, s23, $0x2000b8;
	[tilespmem:$0x1F420] =	vst v63  }
0xad: {  	_ =	swait.ge [sflag:s26], $0x2000  }
0xae: {  	[sflag:s26] =	ssyncset.done $0x0  }
0xaf: {  	[sflag:s26] =	ssyncadd.s32 $0xFFFFE000  }
0xb0: {  	_ =	swait.ge [sflag:s29], $0x400  }
0xb1: {  	s17 =	rddreg [dreg:$0x7]  }
0xb2: {  	[sflag:s29] =	ssyncset.done $0x0;
	s11 =	sadd.s32 s19, s17  }
0xb3: {  	[sflag:s29] =	ssyncadd.s32 $0xFFFFFC00;
	s17 =	sadd.s32 $0x140, s11  }
0xb4: {  	[tilespmem:s25], [sflag:$0x2] =	stream.indirect.gather [hbm4b:s7+s23], $0x80, s17, s23, $0x2000b8;
	[tilespmem:$0x1F420] =	vst v63  }
0xb5: {  	_ =	swait.ge [sflag:s8], $0x2000  }
0xb6: {  	[sflag:s8] =	ssyncset.done $0x0  }
0xb7: {  	s17 =	sadd.s32 $0x80, s6;
	[sflag:s8] =	ssyncadd.s32 $0xFFFFE000  }
0xb8: {  	[spmem:s3] =	stream.indirect.scatter.add.f32 [tilespmem:s28], [sflag:$0x7], $0x80, s17, s23, $0x2000b8;
	[tilespmem:$0x1F420] =	vst v63  }
0xb9: {  	_ = 	snop  }
0xba: {  	[spmem:s4] =	stream.indirect.scatter.add.f32 [tilespmem:s21], [sflag:$0xC], $0x10, s17, s23, $0x2000b8;
	[tilespmem:$0x1F420] =	vst v63  }
0xbb: {  	_ =	swait.ge [sflag:s9], $0x2000  }
0xbc: {  	[sflag:s9] =	ssyncset.done $0x0  }
0xbd: {  	s6 =	sadd.s32 $0xC0, s6;
	[sflag:s9] =	ssyncadd.s32 $0xFFFFE000  }
0xbe: {  	[spmem:s3] =	stream.indirect.scatter.add.f32 [tilespmem:s30], [sflag:$0x8], $0x80, s6, s23, $0x2000b8;
	[tilespmem:$0x1F420] =	vst v63  }
0xbf: {  	_ = 	snop  }
0xc0: {  	[spmem:s4] =	stream.indirect.scatter.add.f32 [tilespmem:s21], [sflag:$0xD], $0x10, s6, s23, $0x2000b8;
	[tilespmem:$0x1F420] =	vst v63  }
0xc1: {  	_ =	swait.ge [sflag:s10], $0x2000  }
0xc2: {  	[sflag:s10] =	ssyncset.done $0x0  }
0xc3: {  	[sflag:s10] =	ssyncadd.s32 $0xFFFFE000  }
0xc4: {  	_ =	swait.ge [sflag:s12], $0x400  }
0xc5: {  	s17 =	rddreg [dreg:$0x8];
	[sflag:s12] =	ssyncset.done $0x0  }
0xc6: {  	[sflag:s12] =	ssyncadd.s32 $0xFFFFFC00;
	s6 =	sadd.s32 s19, s17  }
0xc7: {  	[tilespmem:s28], [sflag:$0x3] =	stream.indirect.gather [hbm4b:s7+s23], $0x80, s6, s23, $0x2000b8;
	[tilespmem:$0x1F420] =	vst v63  }
0xc8: {  	p1 =	sne.s32 s15, $0x800;
	_ =	swait.ge [sflag:s13], $0x2000  }
.Ltmp2:
0xc9: {  	[sflag:s13] =	ssyncset.done $0x0;
	(pc) =	sbr.rel @p1 .LBB2_3-.Ltmp2, $4  }
0xca: {  	[sflag:s13] =	ssyncadd.s32 $0xFFFFE000  }
0xcb: {  	_ =	swait.ge [sflag:s14], $0x400  }
0xcc: {  	[sflag:s14] =	ssyncset.done $0x0  }
0xcd: {  	s15 =	sadd.s32 $0x400, s15;
	s6 =	sadd.s32 $0x1C0, s11;
	[sflag:s14] =	ssyncadd.s32 $0xFFFFFC00  }
0xce: {  	[tilespmem:s30], [sflag:$0x4] =	stream.indirect.gather [hbm4b:s7+s23], $0x80, s6, s23, $0x2000b8;
	[tilespmem:$0x1F420] =	vst v63  }
0xcf: {  	s6 =	simm.s32 @!p0 $0x9  }
0xd0: {  	_ =	swait.ge @!p0 [sflag:s6], $0x400  }
0xd1: {  	[sflag:s6] =	ssyncset.done @!p0 $0x0  }
0xd2: {  	[sflag:s6] =	ssyncadd.s32 @!p0 $0xFFFFFC00  }
0xd3: {  	_ =	swait.ge @!p0 [sflag:s6], $0x400  }
0xd4: {  	[sflag:s6] =	ssyncset.done @!p0 $0x0  }
0xd5: {  	[sflag:s6] =	ssyncadd.s32 @!p0 $0xFFFFFC00  }
0xd6: {  	s6 =	sand.u32 $0x1000, s1;
	_ =	swait.ge [sflag:s31], $0x2000  }
0xd7: {  	s11 =	sshrl.u32 s6, $0x2;
	[sflag:s31] =	ssyncset.done $0x0  }
0xd8: {  	s15 =	sor.u32 $0xB00, s11;
	[sflag:s31] =	ssyncadd.s32 $0xFFFFE000  }
0xd9: {  	[spmem:s3] =	stream.indirect.scatter.add.f32 [tilespmem:s24], [sflag:$0x5], $0x80, s15, s23, $0x2000b8;
	[tilespmem:$0x1F420] =	vst v63  }
0xda: {  	_ = 	snop  }
0xdb: {  	[spmem:s4] =	stream.indirect.scatter.add.f32 [tilespmem:s21], [sflag:$0xA], $0x10, s15, s23, $0x2000b8;
	[tilespmem:$0x1F420] =	vst v63  }
0xdc: {  	_ =	swait.ge [sflag:s0], $0x2000  }
0xdd: {  	[sflag:s0] =	ssyncset.done $0x0  }
0xde: {  	s19 =	sor.u32 $0xB40, s11;
	[sflag:s0] =	ssyncadd.s32 $0xFFFFE000  }
0xdf: {  	[spmem:s3] =	stream.indirect.scatter.add.f32 [tilespmem:s25], [sflag:$0x6], $0x80, s19, s23, $0x2000b8;
	[tilespmem:$0x1F420] =	vst v63  }
0xe0: {  	_ = 	snop  }
0xe1: {  	[spmem:s4] =	stream.indirect.scatter.add.f32 [tilespmem:s21], [sflag:$0xB], $0x10, s19, s23, $0x2000b8;
	[tilespmem:$0x1F420] =	vst v63  }
0xe2: {  	_ =	swait.ge [sflag:s2], $0x2000  }
0xe3: {  	[sflag:s2] =	ssyncset.done $0x0  }
0xe4: {  	[sflag:s2] =	ssyncadd.s32 $0xFFFFE000  }
0xe5: {  	_ =	swait.ge [sflag:s22], $0x400  }
0xe6: {  	[sflag:s22] =	ssyncset.done $0x0  }
0xe7: {  	s15 =	simm.s32 @p0 $0x6;
	[sflag:s22] =	ssyncadd.s32 $0xFFFFFC00  }
0xe8: {  	_ =	swait.ge @p0 [sflag:s15], $0x2000  }
0xe9: {  	[sflag:s15] =	ssyncset.done @p0 $0x0  }
0xea: {  	[sflag:s15] =	ssyncadd.s32 @p0 $0xFFFFE000;
	s15 =	simm.s32 @p0 $0xB  }
0xeb: {  	_ =	swait.ge @p0 [sflag:s15], $0x400  }
0xec: {  	s17 =	simm.s32 @!p0 $0x1000;
	s6 =	sxor.u32 @!p0 $0x1000, s6;
	[sflag:s15] =	ssyncset.done @p0 $0x0  }
0xed: {  	s6 =	sshrl.u32 @!p0 s6, $0x2;
	[sflag:s15] =	ssyncadd.s32 @p0 $0xFFFFFC00;
	s15 =	simm.s32 @!p0 $0x40  }
0xee: {  	[tilespmem:s17], [sflag:$0x1] =	stream.indirect.gather @!p0 [hbm4b:s7+s15], $0x80, s6, s15, $0x2000b8;
	[tilespmem:$0x1F420] =	vst v63  }
0xef: {  	s6 =	simm.s32 @!p0 $0x6  }
0xf0: {  	_ =	swait.ge @!p0 [sflag:s6], $0x2000  }
0xf1: {  	[sflag:s6] =	ssyncset.done @!p0 $0x0  }
0xf2: {  	[sflag:s6] =	ssyncadd.s32 @!p0 $0xFFFFE000;
	s6 =	simm.s32 @!p0 $0xB  }
0xf3: {  	s17 =	sadd.s32 @!p0 $0x1100, s1;
	_ =	swait.ge @!p0 [sflag:s6], $0x400  }
0xf4: {  	s17 =	sand.u32 @!p0 $0x1100, s17;
	[sflag:s6] =	ssyncset.done @!p0 $0x0  }
0xf5: {  	[sflag:s6] =	ssyncadd.s32 @!p0 $0xFFFFFC00;
	s6 =	sshrl.u32 @!p0 s17, $0x2;
	s17 =	simm.s32 @!p0 $0x3000  }
0xf6: {  	[tilespmem:s17], [sflag:$0x2] =	stream.indirect.gather @!p0 [hbm4b:s7+s15], $0x80, s6, s15, $0x2000b8;
	[tilespmem:$0x1F420] =	vst v63  }
0xf7: {  	_ =	swait.ge [sflag:s8], $0x2000  }
0xf8: {  	[sflag:s8] =	ssyncset.done $0x0  }
0xf9: {  	s17 =	sadd.s32 $0xB80, s11;
	[sflag:s8] =	ssyncadd.s32 $0xFFFFE000  }
0xfa: {  	[spmem:s3] =	stream.indirect.scatter.add.f32 [tilespmem:s28], [sflag:$0x7], $0x80, s17, s23, $0x2000b8;
	[tilespmem:$0x1F420] =	vst v63  }
0xfb: {  	_ = 	snop  }
0xfc: {  	[spmem:s4] =	stream.indirect.scatter.add.f32 [tilespmem:s21], [sflag:$0xC], $0x10, s17, s23, $0x2000b8;
	[tilespmem:$0x1F420] =	vst v63  }
0xfd: {  	_ =	swait.ge [sflag:s9], $0x2000  }
0xfe: {  	[sflag:s9] =	ssyncset.done $0x0  }
0xff: {  	s19 =	sadd.s32 $0xBC0, s11;
	[sflag:s9] =	ssyncadd.s32 $0xFFFFE000  }
0x100: {  	[spmem:s3] =	stream.indirect.scatter.add.f32 [tilespmem:s30], [sflag:$0x8], $0x80, s19, s23, $0x2000b8;
	[tilespmem:$0x1F420] =	vst v63  }
0x101: {  	_ = 	snop  }
0x102: {  	[spmem:s4] =	stream.indirect.scatter.add.f32 [tilespmem:s21], [sflag:$0xD], $0x10, s19, s23, $0x2000b8;
	[tilespmem:$0x1F420] =	vst v63  }
0x103: {  	p0 =	sne.s32 s20, $0x9;
	_ =	swait.ge [sflag:s10], $0x2000  }
.Ltmp3:
0x104: {  	[sflag:s10] =	ssyncset.done $0x0;
	(pc) =	sbr.rel @!p0 .LBB2_5-.Ltmp3, $4  }
0x105: {  	[sflag:s10] =	ssyncadd.s32 $0xFFFFE000  }
0x106: {  	_ =	swait.ge [sflag:s12], $0x400  }
0x107: {  	[sflag:s12] =	ssyncset.done $0x0  }
0x108: {  	[sflag:s12] =	ssyncadd.s32 $0xFFFFFC00  }
0x109: {  	s6 =	sadd.s32 $0x1200, s1  }
0x10a: {  	s6 =	sand.u32 $0x1200, s6  }
0x10b: {  	s6 =	sshrl.u32 s6, $0x2  }
0x10c: {  	[tilespmem:s28], [sflag:$0x3] =	stream.indirect.gather [hbm4b:s7+s23], $0x80, s6, s23, $0x2000b8;
	[tilespmem:$0x1F420] =	vst v63  }
0x10d: {  	_ =	swait.ge [sflag:s13], $0x2000  }
0x10e: {  	[sflag:s13] =	ssyncset.done $0x0  }
0x10f: {  	[sflag:s13] =	ssyncadd.s32 $0xFFFFE000  }
0x110: {  	s20 =	sadd.s32 $0x1300, s1;
	_ =	swait.ge [sflag:s14], $0x400  }
0x111: {  	s1 =	sand.u32 $0x1300, s20;
	s20 =	rddreg [dreg:$0x17]  }
0x112: {  	p0 =	sne.s32 s20, $0xA  }
.Ltmp4:
0x113: {  	_ = 	snop;
	(pc) =	sbr.rel @p0 .LBB2_2-.Ltmp4, $4  }
.Ltmp5:
0x114: {  	_ = 	snop;
	(pc) =	sbr.rel @!p0 .LBB2_7-.Ltmp5, $4  }
0x115: {  	s18 =	sadd.s32 $0x4, s18;
	s5 =	sadd.s32 $0x10, s5;
	[sflag:s14] =	ssyncset.done $0x0  }
0x116: {  	s16 =	sadd.s32 $0x8, s16;
	s1 =	sshrl.u32 s1, $0x2;
	[sflag:s14] =	ssyncadd.s32 $0xFFFFFC00  }
0x117: {  	[tilespmem:s30], [sflag:$0x4] =	stream.indirect.gather [hbm4b:s7+s23], $0x80, s1, s23, $0x2000b8;
	[tilespmem:$0x1F420] =	vst v63  }
0x118: {  	_ = 	snop  }
.LBB2_8:
0x119: {  	_ =	sfence.sel $0x180000  }
0x11a: {  	[bflag:$0x0] =	sbarrier.arrive $0xFFFF  }
0x11b: {  	_ =	strace $0x90000047  }
0x11c: {  	s0 =	stileid.u32;
	[bflag:$0x2] =	sbarrier.arrive $0xFFFF  }
0x11d: {  	p0 =	sne.s32 s0, $0x0;
	s0 =	rddreg [dreg:$0x4]  }
0x11e: {  	s0 =	sadd.s32 @!p0 $0x100000, s0  }
0x11f: {  	[sflag:s0] =	ssyncadd.tile.s32 @!p0 $0x1;
	_ =	shalt  }
.Lfunc_end2:
_tile_overlayer_lowered:
.L_overlay_start_2:
0x120: {  	(tag) =	ssettag $0x2  }
0x121: {  	s0 =	rddreg [dreg:$0x0];
	s2 =	stileid.u32  }
0x122: {  	s1 =	rddreg [dreg:$0x1];
	p0 =	sne.s32 s2, $0x0  }
0x123: {  	s3 =	rddreg [dreg:$0x2];
	[bflag:$0x3] =	sbarrier.arrive $0xFFFF;
	s2 =	simm.s32 @!p0 $0x1C0E  }
0x124: {  	[timem:s3], [sflag:s2] =	dma.local @!p0 [hbm:s0], s1  }
0x125: {  	s0 =	simm.s32 @!p0 $0xE  }
0x126: {  	_ =	swait.ge @!p0 [sflag:s0], s1  }
0x127: {  	s1 =	ssub.s32 @!p0 $0x0, s1;
	[sflag:s0] =	ssyncset.done @!p0 $0x0  }
0x128: {  	[sflag:s0] =	ssyncadd.s32 @!p0 s1  }
0x129: {  	[bflag:$0x3] =	sbarrier.arrive $0xFFFF  }
0x12a: {  	_ =	shalt  }

// kernel: kernel.9.cloned.1.call-start
scs
__scs_entry_jumppad:
0x0: {  	(pc) =	sbr.rel $0x88, $3  }
0x1: {  	(tag) =	ssettag $0x0;
	lr =	simm.s32 $0x1  }
0x2: {  	[smem:$0x3F99] =	sst lr;
	_ =	strace $0xD0000000  }
0x3: {  	_ = 	snop  }
0x4: {  	_ = 	snop  }
0x5: {  	_ = 	snop  }
0x6: {  	_ = 	snop  }
0x7: {  	_ = 	snop  }
__scs_overlays_trampoline_lowered:
0x8: {  	[smem:$0x3FA8] =	sst s0  }
0x9: {  	[smem:$0x3FA9] =	sst s1  }
0xa: {  	[smem:$0x3FAA] =	sst s2  }
0xb: {  	[smem:$0x3FAB] =	sst s3  }
0xc: {  	[smem:$0x3FAC] =	sst s4  }
0xd: {  	[smem:$0x3FAD] =	sst s5  }
0xe: {  	[smem:$0x3FAE] =	sst s6  }
0xf: {  	[smem:$0x3FAF] =	sst s7  }
0x10: {  	[smem:$0x3FB0] =	sst s8  }
0x11: {  	[smem:$0x3FB1] =	sst s9;
	s0 =	simm.s32 @!p0 $0x0  }
0x12: {  	s1 =	sld [smem:$0x3F97];
	s0 =	simm.s32 @p0 $0x1  }
0x13: {  	[smem:$0x3FB2] =	sst s0;
	s0 =	simm.s32 @!p1 $0x0  }
0x14: {  	s2 =	sld [smem:$0x3F96];
	s0 =	simm.s32 @p1 $0x1  }
0x15: {  	[smem:$0x3FB3] =	sst s0;
	s0 =	simm.s32 @!p2 $0x0  }
0x16: {  	s3 =	sld [smem:$0x3FDB];
	s0 =	simm.s32 @p2 $0x1  }
0x17: {  	s4 =	simm.s32 $0x1BF5;
	[smem:$0x3FB5] =	sst s0  }
0x18: {  	s0 =	sld [smem:$0x3F98];
	_ =	swait.ge [sflag:s4], $0x0  }
0x19: {  	s7 =	sld [smem:$0x3F99]  }
0x1a: {  	s8 =	sadd.s32 $0xFFFFE003, lr  }
0x1b: {  	s9 =	sadd.s32 $0xFFFFFEF7, lr;
	s5 =	simm.s32 $0xFFFFFFFF;
	p2 =	slt.u32 s8, $0xFFFFF086  }
0x1c: {  	p1 =	slt.u32 s9, $0xF7A;
	s5 =	simm.s32 @!p2 $0x0  }
0x1d: {  	s5 =	simm.s32 @p1 $0x1;
	p0 =	seq.s32 s7, s2  }
0x1e: {  	s7 =	smul.u32 @!p0 $0xF7A, s2;
	p2 =	seq.s32 @!p0 s5, $0x0  }
0x1f: {  	s9 =	smul.u32 $0xF7A, s1;
	s8 =	simm.s32 @!p0 $0x1BF5;
	p2 =	por !p2, p0  }
0x20: {  	[sflag:s8] =	ssyncset.s32 @!p0 $0xFFFFF086;
	s6 =	sadd.s32 @!p0 s3, s7;
	s7 =	simm.s32 @!p0 $0x108  }
0x21: {  	s3 =	sadd.s32 s3, s9;
	s6 =	sadd.s32 @!p0 $0x88, s6;
	s7 =	simm.s32 @p2 $0x1082  }
0x22: {  	[simem:s7], [sflag:s8] =	dma.local @!p0 [hbm:s6], $0xF7A  }
0x23: {  	s9 =	sor.u32 $0xD0000000, s2;
	s6 =	simm.s32 $0x108;
	_ =	swait.ge @!p0 [sflag:s8], $0x0  }
0x24: {  	s3 =	sadd.s32 $0x88, s3;
	s6 =	simm.s32 @!p1 $0x1082;
	[sflag:s4] =	ssyncset.s32 $0xFFFFF086  }
0x25: {  	[simem:s6], [sflag:s4] =	dma.local [hbm:s3], $0xF7A  }
0x26: {  	[smem:$0x3F99] =	sst s1;
	(tag) =	ssettag s2;
	_ =	strace s9  }
0x27: {  	s1 =	sld [smem:$0x3FA9]  }
0x28: {  	s2 =	sld [smem:$0x3FAA]  }
0x29: {  	s4 =	sld [smem:$0x3FAC]  }
0x2a: {  	p0 =	seq.s32 s5, $0x0;
	s5 =	sld [smem:$0x3FAD]  }
0x2b: {  	s6 =	sld [smem:$0x3FAE]  }
0x2c: {  	s7 =	sld [smem:$0x3FAF]  }
0x2d: {  	s3 =	simm.s32 $0x108;
	s8 =	sld [smem:$0x3FB0]  }
0x2e: {  	s3 =	simm.s32 @!p0 $0x1082;
	s9 =	sld [smem:$0x3FB1]  }
0x2f: {  	lr =	sadd.s32 s0, s3;
	s0 =	sld [smem:$0x3FA8]  }
0x30: {  	s3 =	sld [smem:$0x3FAB]  }
0x31: {  	[smem:$0x3FB4] =	sst s10  }
0x32: {  	s10 =	sld [smem:$0x3FB2];
	_ =	sdelay $0x3  }
0x33: {  	p0 =	seq.s32 s10, $0x1;
	s10 =	sld [smem:$0x3FB4];
	_ =	sdelay $0x3  }
0x34: {  	[smem:$0x3FB4] =	sst s10  }
0x35: {  	s10 =	sld [smem:$0x3FB3];
	_ =	sdelay $0x3  }
0x36: {  	p1 =	seq.s32 s10, $0x1;
	s10 =	sld [smem:$0x3FB4];
	_ =	sdelay $0x3  }
0x37: {  	[smem:$0x3FB4] =	sst s10  }
0x38: {  	s10 =	sld [smem:$0x3FB5]  }
0x39: {  	_ = 	snop;
	(pc) =	sbr.ind lr, $3  }
0x3a: {  	_ = 	snop  }
0x3b: {  	_ = 	snop  }
0x3c: {  	p2 =	seq.s32 s10, $0x1;
	s10 =	sld [smem:$0x3FB4]  }
0x3d: {  	_ =	shalt  }
0x3e: {  	_ =	shalt  }
0x3f: {  	_ =	shalt  }
0x40: {  	_ =	shalt  }
0x41: {  	_ =	shalt  }
0x42: {  	_ =	shalt  }
0x43: {  	_ =	shalt  }
0x44: {  	_ =	shalt  }
0x45: {  	_ =	shalt  }
0x46: {  	_ =	shalt  }
0x47: {  	_ =	shalt  }
0x48: {  	_ =	shalt  }
0x49: {  	_ =	shalt  }
0x4a: {  	_ =	shalt  }
0x4b: {  	_ =	shalt  }
0x4c: {  	_ =	shalt  }
0x4d: {  	_ =	shalt  }
0x4e: {  	_ =	shalt  }
0x4f: {  	_ =	shalt  }
0x50: {  	_ =	shalt  }
0x51: {  	_ =	shalt  }
0x52: {  	_ =	shalt  }
0x53: {  	_ =	shalt  }
0x54: {  	_ =	shalt  }
0x55: {  	_ =	shalt  }
0x56: {  	_ =	shalt  }
0x57: {  	_ =	shalt  }
0x58: {  	_ =	shalt  }
0x59: {  	_ =	shalt  }
0x5a: {  	_ =	shalt  }
0x5b: {  	_ =	shalt  }
0x5c: {  	_ =	shalt  }
0x5d: {  	_ =	shalt  }
0x5e: {  	_ =	shalt  }
0x5f: {  	_ =	shalt  }
0x60: {  	_ =	shalt  }
0x61: {  	_ =	shalt  }
0x62: {  	_ =	shalt  }
0x63: {  	_ =	shalt  }
0x64: {  	_ =	shalt  }
0x65: {  	_ =	shalt  }
0x66: {  	_ =	shalt  }
0x67: {  	_ =	shalt  }
0x68: {  	_ =	shalt  }
0x69: {  	_ =	shalt  }
0x6a: {  	_ =	shalt  }
0x6b: {  	_ =	shalt  }
0x6c: {  	_ =	shalt  }
0x6d: {  	_ =	shalt  }
0x6e: {  	_ =	shalt  }
0x6f: {  	_ =	shalt  }
0x70: {  	_ =	shalt  }
0x71: {  	_ =	shalt  }
0x72: {  	_ =	shalt  }
0x73: {  	_ =	shalt  }
0x74: {  	_ =	shalt  }
0x75: {  	_ =	shalt  }
0x76: {  	_ =	shalt  }
0x77: {  	_ =	shalt  }
0x78: {  	_ =	shalt  }
0x79: {  	_ =	shalt  }
0x7a: {  	_ =	shalt  }
0x7b: {  	_ =	shalt  }
0x7c: {  	_ =	shalt  }
0x7d: {  	_ =	shalt  }
0x7e: {  	_ =	shalt  }
0x7f: {  	_ =	shalt  }
0x80: {  	_ =	shalt  }
0x81: {  	_ =	shalt  }
0x82: {  	_ =	shalt  }
0x83: {  	_ =	shalt  }
0x84: {  	_ =	shalt  }
0x85: {  	_ =	shalt  }
0x86: {  	_ =	shalt  }
0x87: {  	_ =	shalt  }
.Lfunc_end0:
.L_simem_size_0:
called_computation.1_lowered:
.L_overlay_start_0:
0x88: {  	s2 =	sld [smem:$0x3FD9]  }
0x89: {  	s3 =	sld [smem:$0x3FFE];
	_ =	sdelay $0x1  }
0x8a: {  	s1 =	srdreg.scid  }
0x8b: {  	s0 =	sand.u32 $0x1, s1  }
0x8c: {  	s17 =	sshll.u32 s0, $0xA;
	s2 =	sadd.s32 s3, s2  }
0x8d: {  	s2 =	sadd.s32 s2, s17  }
0x8e: {  	[smem:$0x3FC0] =	sst s2  }
0x8f: {  	_ = 	snop  }
0x90: {  	s2 =	sld [smem:$0x3FD0];
	(tm) =	ssettm $0x1  }
0x91: {  	s18 =	sld [smem:$0x3FFB];
	_ =	sdelay $0x3  }
0x92: {  	_ =	strace s18  }
0x93: {  	s3 =	sld [smem:$0x3FFC];
	_ =	sdelay $0x3  }
0x94: {  	_ =	strace s3  }
0x95: {  	s3 =	sld [smem:$0x3FFD];
	_ =	sdelay $0x3  }
0x96: {  	_ =	strace s3  }
0x97: {  	_ =	strace $0x8FFFFFFF  }
0x98: {  	s19 =	sld [smem:$0x3FDB];
	_ =	sdelay $0x1  }
0x99: {  	s4 =	simm.s32 $_scs_section_size  }
0x9a: {  	s5 =	simm.s32 $_size__tile_overlayer_lowered;
	s6 =	simm.s32 $_tile_overlayer_lowered  }
0x9b: {  	s22 =	simm.s32 $0x1BFF;
	s21 =	sshll.u32 s6, $0x1;
	s3 =	sadd.s32 s4, s19  }
0x9c: {  	s7 =	simm.s32 $0x0;
	s20 =	sshll.u32 s5, $0x1;
	s5 =	sadd.s32 s21, s3  }
0x9d: {  	[timem:s7], [sflag:s22] =	dma.local [hbm:s5], s20  }
0x9e: {  	_ =	swait.ge [sflag:s22], s20  }
0x9f: {  	s4 =	ssub.s32 $0x0, s20;
	[sflag:s22] =	ssyncset.done $0x0  }
0xa0: {  	[sflag:s22] =	ssyncadd.s32 s4;
	_ =	sdelay $0x1  }
0xa1: {  	s23 =	simm.s32 $0x1B8B  }
0xa2: {  	_ =	swait.ge [sflag:s23], $0x1  }
0xa3: {  	[sflag:s23] =	ssyncset.done $0x0  }
0xa4: {  	s25 =	simm.s32 $0x1B8E;
	s24 =	sld [smem:$0x3FFE];
	[sflag:s23] =	ssyncadd.s32 $0xFFFFFFFF  }
0xa5: {  	s26 =	simm.s32 $execute0_lowered;
	[smem:$0x3FD2] =	sst s25  }
0xa6: {  	s5 =	sshll.u32 s26, $0x1;
	_ =	strace $0x8000004C;
	[dreg:$0x1] =	wrdreg $0xFFFFFFFF  }
0xa7: {  	s28 =	simm.s32 $_size_execute0_lowered;
	s3 =	sadd.s32 s3, s5;
	[dreg:$0x0] =	wrdreg $0x0  }
0xa8: {  	s5 =	sshll.u32 s28, $0x1;
	[dreg:$0x2] =	wrdreg s3  }
0xa9: {  	[dreg:$0x3] =	wrdreg s5  }
0xaa: {  	[dreg:$0x4] =	wrdreg $0xC0  }
0xab: {  	_ =	task [dreg:s7], $0x5FFFF  }
0xac: {  	[dreg:$0x1] =	wrdreg $0xFFFFFFFF  }
0xad: {  	[dreg:$0x0] =	wrdreg $0x60  }
0xae: {  	[dreg:$0x2] =	wrdreg s2  }
0xaf: {  	[dreg:$0x3] =	wrdreg s24  }
0xb0: {  	[dreg:$0x4] =	wrdreg $0x90000  }
0xb1: {  	[dreg:$0x5] =	wrdreg $0x9  }
0xb2: {  	_ =	task.clear_ibuf [dreg:s7], $0x6FFFF;
	_ =	strace $0x9000004C  }
0xb3: {  	s29 =	simm.s32 $0x9;
	_ =	strace $0x80000051  }
0xb4: {  	_ =	swait.ge [sflag:s29], $0x1  }
0xb5: {  	[sflag:s29] =	ssyncadd.s32 $0xFFFFFFFF  }
0xb6: {  	_ =	strace $0x90000051  }
0xb7: {  	_ =	sfence  }
0xb8: {  	s30 =	sld [smem:$0x0];
	_ =	sdelay $0x2  }
0xb9: {  	s31 =	sshll.u32 s1, $0xD;
	s1 =	sshrl.u32 s1, $0x2  }
0xba: {  	s3 =	sand.u32 $0x4000, s31;
	s1 =	sadd.s32 s1, s30  }
0xbb: {  	s0 =	sor.u32 s3, s0;
	s1 =	sshll.u32 s1, $0x11  }
0xbc: {  	s0 =	sor.u32 s1, s0  }
0xbd: {  	s0 =	sadd.s32 $0x8F2B, s0  }
0xbe: {  	[sflag:s0] =	ssyncadd.remote.s32 $0x1  }
0xbf: {  	_ =	sfence.sel $0xFFFF  }
0xc0: {  	[dreg:$0x0] =	wrdreg $0xFFFFFFFF;
	(pc) =	sbr.abs _section_cstart, $3  }
0xc1: {  	[dreg:$0x1] =	wrdreg $0xFFFFFFFF  }
0xc2: {  	_ =	task.clear_ibuf [dreg:s7], $0x2FFFF;
	_ =	strace $0x9FFFFFFF  }
0xc3: {  	(tm) =	ssettm $0x7FFFFFFF  }
tec
execute0_lowered:
.L_overlay_start_1:
0x0: {  	(tag) =	ssettag $0x1  }
0x1: {  	s0 =	rddreg [dreg:$0x0]  }
0x2: {  	s1 =	rddreg [dreg:$0x1]  }
0x3: {  	s2 =	rddreg [dreg:$0x2];
	s3 =	simm.s32 $0x0;
	s4 =	srdreg.scid  }
0x4: {  	s12 =	stileid.u32;
	s14 =	simm.s32 $0xA;
	s16 =	simm.s32 $0x40  }
0x5: {  	s17 =	simm.s32 $0x1000;
	s18 =	simm.s32 $0x3000;
	s20 =	simm.s32 $0x5000  }
0x6: {  	s28 =	simm.s32 $0x3;
	s29 =	simm.s32 $0x4;
	s30 =	simm.s32 $0x7  }
0x7: {  	s31 =	simm.s32 $0x8;
	[smem:$0x7FF] =	sst s3;
	s5 =	sand.u32 $0x1, s4  }
0x8: {  	s6 =	smul.u32 $0x13900, s12;
	s9 =	sadd.s32 $0x2E00, s1;
	s4 =	sadd.s32 $0xCE00, s1  }
0x9: {  	s8 =	sadd.s32 $0x34000, s1;
	s21 =	sshll.u32 s12, $0x1;
	s22 =	smul.u32 $0xA00, s12  }
0xa: {  	s26 =	sshll.u32 s12, $0x6;
	_ =	strace $0x8000004D;
	s7 =	smul.u32 $0x139000, s5  }
0xb: {  	[dreg:$0x4] =	wrdreg s8;
	s10 =	ssub.s32 $0x2, s5;
	s8 =	sor.u32 s5, s21  }
0xc: {  	s5 =	smul.u32 $0x500, s5;
	s12 =	sor.u32 $0x1C0A, s26;
	s26 =	simm.s32 $0x6  }
0xd: {  	s11 =	sshrl.u32 s10, $0x1;
	s8 =	smul.u32 $0x500, s8;
	s25 =	sadd.s32 s22, s9  }
0xe: {  	s7 =	sadd.s32 s6, s7;
	s10 =	ssub.s32 s10, s11;
	s6 =	sadd.s32 s6, s2  }
0xf: {  	s7 =	sshrl.u32 s7, $0x3;
	s23 =	sadd.s32 s0, s8;
	s24 =	sadd.s32 s9, s8  }
0x10: {  	s9 =	smax.u32 s10, $0x1;
	s0 =	sadd.s32 s22, s0;
	s13 =	sshrl.u32 s6, $0x3  }
.Ltmp0:
0x11: {  	s22 =	simm.s32 $0x7000;
	[dreg:$0x5] =	wrdreg s23;
	(pc) =	sbr.rel .LBB2_1-.Ltmp0, $4  }
0x12: {  	s1 =	sadd.s32 s7, s1;
	[dreg:$0x6] =	wrdreg s24;
	s0 =	sadd.s32 s5, s0  }
0x13: {  	s23 =	simm.s32 $0x1;
	s24 =	simm.s32 $0x2;
	s1 =	sadd.s32 $0x36800, s1  }
0x14: {  	s19 =	sadd.s32 $0x80, s0;
	[dreg:$0x7] =	wrdreg s1;
	s1 =	sadd.s32 s5, s25  }
0x15: {  	s0 =	simm.s32 $0x0;
	s25 =	simm.s32 $0x5;
	s21 =	sadd.s32 $0x80, s1  }
.LBB2_3:
0x16: {  	_ =	swait.ge [sflag:s31], $0x2000  }
0x17: {  	[sflag:s31] =	ssyncset.done $0x0  }
0x18: {  	[sflag:s31] =	ssyncadd.s32 $0xFFFFE000  }
.LBB2_5:
0x19: {  	_ =	strace $0x9000004F  }
0x1a: {  	[bflag:$0x0] =	sbarrier.arrive $0xFFFF  }
0x1b: {  	s0 =	sadd.s32 $0x1, s0;
	_ =	strace $0x80000050  }
0x1c: {  	p0 =	sne.s32 s0, s9;
	s1 =	rddreg [dreg:$0x7]  }
0x1d: {  	[hbm:s1], [sflag:s12] =	dma.local [spmem:s13], $0x2720  }
.Ltmp1:
0x1e: {  	_ = 	snop;
	(pc) =	sbr.rel @!p0 .LBB2_6-.Ltmp1, $4  }
0x1f: {  	_ =	swait.ge [sflag:s14], $0x2720  }
0x20: {  	[sflag:s14] =	ssyncset.done $0x0  }
0x21: {  	[sflag:s14] =	ssyncadd.s32 $0xFFFFD8E0  }
0x22: {  	_ =	strace $0x90000050  }
.LBB2_1:
0x23: {  	_ =	strace $0x8000004E  }
0x24: {  	s1 =	rddreg [dreg:$0x4]  }
0x25: {  	[spmem:s13], [sflag:s12] =	dma.local [hbm:s1], $0x2720  }
0x26: {  	_ =	swait.ge [sflag:s14], $0x2720  }
0x27: {  	[sflag:s14] =	ssyncset.done $0x0  }
0x28: {  	s8 =	rddreg [dreg:$0x5];
	[sflag:s14] =	ssyncadd.s32 $0xFFFFD8E0  }
0x29: {  	[tilespmem:s3], [sflag:$0xA] =	stream.linear.gather [hbm4b:s8+s3], $0x400, $0x200038;
	[tilespmem:$0x1C900] =	vst v63  }
0x2a: {  	_ =	swait.ge [sflag:s14], $0x400  }
0x2b: {  	[sflag:s14] =	ssyncset.done $0x0  }
0x2c: {  	s5 =	simm.s32 $0x800;
	s10 =	rddreg [dreg:$0x6];
	[sflag:s14] =	ssyncadd.s32 $0xFFFFFC00  }
0x2d: {  	[tilespmem:s5], [sflag:$0xA] =	stream.linear.gather [hbm4b:s10+s3], $0x400, $0x200038;
	[tilespmem:$0x1C900] =	vst v63  }
0x2e: {  	_ =	swait.ge [sflag:s14], $0x400  }
0x2f: {  	[sflag:s14] =	ssyncset.done $0x0  }
0x30: {  	[sflag:s14] =	ssyncadd.s32 $0xFFFFFC00  }
0x31: {  	_ =	strace $0x9000004E  }
0x32: {  	[bflag:$0x0] =	sbarrier.arrive $0xFFFF  }
0x33: {  	[tilespmem:s17], [sflag:$0x1] =	stream.indirect.gather [hbm4b:s4+s16], $0x80, s3, s16, $0xb8;
	[tilespmem:$0x1C900] =	vst v63  }
0x34: {  	_ = 	snop  }
0x35: {  	[tilespmem:s18], [sflag:$0x2] =	stream.indirect.gather [hbm4b:s4+s16], $0x80, s16, s16, $0xb8;
	[tilespmem:$0x1C900] =	vst v63  }
0x36: {  	s11 =	simm.s32 $0x80  }
0x37: {  	[tilespmem:s20], [sflag:$0x3] =	stream.indirect.gather [hbm4b:s4+s16], $0x80, s11, s16, $0xb8;
	[tilespmem:$0x1C900] =	vst v63  }
0x38: {  	s15 =	simm.s32 $0xC0;
	s1 =	simm.s32 $0x1300;
	s10 =	smov.u32 s21  }
0x39: {  	[tilespmem:s22], [sflag:$0x4] =	stream.indirect.gather [hbm4b:s4+s16], $0x80, s15, s16, $0xb8;
	[tilespmem:$0x1C900] =	vst v63  }
0x3a: {  	s11 =	smov.u32 s19;
	s15 =	simm.s32 $0x400;
	_ =	strace $0x8000004F  }
.LBB2_2:
0x3b: {  	p0 =	seq.s32 s1, $0xA300  }
0x3c: {  	s5 =	sand.u32 @!p0 $0x400, s15;
	s6 =	simm.s32 @!p0 $0x0  }
0x3d: {  	[tilespmem:s5], [sflag:$0x9] =	stream.linear.gather @!p0 [hbm4b:s11+s6], $0x400, $0x200038;
	[tilespmem:$0x1C900] =	vst v63  }
0x3e: {  	s7 =	sadd.s32 $0xFFFFED00, s1;
	s5 =	sor.u32 @!p0 $0x800, s5  }
0x3f: {  	[tilespmem:s5], [sflag:$0x9] =	stream.linear.gather @!p0 [hbm4b:s10+s6], $0x400, $0x200038;
	[tilespmem:$0x1C900] =	vst v63  }
0x40: {  	s6 =	sand.u32 $0x1000, s7;
	_ =	swait.ge [sflag:s23], $0x2000  }
0x41: {  	s5 =	sshrl.u32 s6, $0x2;
	[sflag:s23] =	ssyncset.done $0x0  }
0x42: {  	s7 =	sor.u32 $0x800, s5;
	[sflag:s23] =	ssyncadd.s32 $0xFFFFE000  }
0x43: {  	[spmem:s2] =	stream.indirect.scatter.add.f32 [tilespmem:s17], [sflag:$0x5], $0x80, s7, s16, $0x2000b8;
	[tilespmem:$0x1C900] =	vst v63  }
0x44: {  	_ =	swait.ge [sflag:s24], $0x2000  }
0x45: {  	[sflag:s24] =	ssyncset.done $0x0  }
0x46: {  	s8 =	sor.u32 $0x840, s5;
	[sflag:s24] =	ssyncadd.s32 $0xFFFFE000  }
0x47: {  	[spmem:s2] =	stream.indirect.scatter.add.f32 [tilespmem:s18], [sflag:$0x6], $0x80, s8, s16, $0x2000b8;
	[tilespmem:$0x1C900] =	vst v63  }
0x48: {  	_ =	swait.ge [sflag:s25], $0x2000  }
0x49: {  	s8 =	sor.u32 $0x400, s6;
	[sflag:s25] =	ssyncset.done $0x0  }
0x4a: {  	s7 =	sshrl.u32 s8, $0x2;
	[sflag:s25] =	ssyncadd.s32 $0xFFFFE000  }
0x4b: {  	[tilespmem:s17], [sflag:$0x1] =	stream.indirect.gather [hbm4b:s4+s16], $0x80, s7, s16, $0x2000b8;
	[tilespmem:$0x1C900] =	vst v63  }
0x4c: {  	_ =	swait.ge [sflag:s26], $0x2000  }
0x4d: {  	[sflag:s26] =	ssyncset.done $0x0  }
0x4e: {  	s8 =	sor.u32 $0x140, s5;
	[sflag:s26] =	ssyncadd.s32 $0xFFFFE000  }
0x4f: {  	[tilespmem:s18], [sflag:$0x2] =	stream.indirect.gather [hbm4b:s4+s16], $0x80, s8, s16, $0x2000b8;
	[tilespmem:$0x1C900] =	vst v63  }
0x50: {  	_ =	swait.ge [sflag:s28], $0x2000  }
0x51: {  	[sflag:s28] =	ssyncset.done $0x0  }
0x52: {  	s8 =	sor.u32 $0x880, s5;
	[sflag:s28] =	ssyncadd.s32 $0xFFFFE000  }
0x53: {  	[spmem:s2] =	stream.indirect.scatter.add.f32 [tilespmem:s20], [sflag:$0x7], $0x80, s8, s16, $0x2000b8;
	[tilespmem:$0x1C900] =	vst v63  }
0x54: {  	_ =	swait.ge [sflag:s29], $0x2000  }
0x55: {  	[sflag:s29] =	ssyncset.done $0x0  }
0x56: {  	s8 =	sor.u32 $0x8C0, s5;
	[sflag:s29] =	ssyncadd.s32 $0xFFFFE000  }
0x57: {  	[spmem:s2] =	stream.indirect.scatter.add.f32 [tilespmem:s22], [sflag:$0x8], $0x80, s8, s16, $0x2000b8;
	[tilespmem:$0x1C900] =	vst v63  }
0x58: {  	_ =	swait.ge [sflag:s30], $0x2000  }
0x59: {  	[sflag:s30] =	ssyncset.done $0x0  }
0x5a: {  	s8 =	sor.u32 $0x180, s5;
	[sflag:s30] =	ssyncadd.s32 $0xFFFFE000  }
0x5b: {  	[tilespmem:s20], [sflag:$0x3] =	stream.indirect.gather [hbm4b:s4+s16], $0x80, s8, s16, $0x2000b8;
	[tilespmem:$0x1C900] =	vst v63  }
0x5c: {  	_ =	swait.ge [sflag:s31], $0x2000  }
0x5d: {  	[sflag:s31] =	ssyncset.done $0x0  }
0x5e: {  	s8 =	sor.u32 $0x1C0, s5;
	[sflag:s31] =	ssyncadd.s32 $0xFFFFE000  }
0x5f: {  	[tilespmem:s22], [sflag:$0x4] =	stream.indirect.gather [hbm4b:s4+s16], $0x80, s8, s16, $0x2000b8;
	[tilespmem:$0x1C900] =	vst v63  }
0x60: {  	_ =	swait.ge [sflag:s23], $0x2000  }
0x61: {  	[sflag:s23] =	ssyncset.done $0x0  }
0x62: {  	s8 =	sor.u32 $0x800, s7;
	[sflag:s23] =	ssyncadd.s32 $0xFFFFE000  }
0x63: {  	[spmem:s2] =	stream.indirect.scatter.add.f32 [tilespmem:s17], [sflag:$0x5], $0x80, s8, s16, $0x2000b8;
	[tilespmem:$0x1C900] =	vst v63  }
0x64: {  	_ =	swait.ge [sflag:s24], $0x2000  }
0x65: {  	[sflag:s24] =	ssyncset.done $0x0  }
0x66: {  	s8 =	sor.u32 $0x840, s7;
	[sflag:s24] =	ssyncadd.s32 $0xFFFFE000  }
0x67: {  	[spmem:s2] =	stream.indirect.scatter.add.f32 [tilespmem:s18], [sflag:$0x6], $0x80, s8, s16, $0x2000b8;
	[tilespmem:$0x1C900] =	vst v63  }
0x68: {  	_ =	swait.ge [sflag:s25], $0x2000  }
0x69: {  	[sflag:s25] =	ssyncset.done $0x0  }
0x6a: {  	s8 =	sor.u32 $0x200, s5;
	[sflag:s25] =	ssyncadd.s32 $0xFFFFE000  }
0x6b: {  	[tilespmem:s17], [sflag:$0x1] =	stream.indirect.gather [hbm4b:s4+s16], $0x80, s8, s16, $0x2000b8;
	[tilespmem:$0x1C900] =	vst v63  }
0x6c: {  	_ =	swait.ge [sflag:s26], $0x2000  }
0x6d: {  	[sflag:s26] =	ssyncset.done $0x0  }
0x6e: {  	s8 =	sor.u32 $0x240, s5;
	[sflag:s26] =	ssyncadd.s32 $0xFFFFE000  }
0x6f: {  	[tilespmem:s18], [sflag:$0x2] =	stream.indirect.gather [hbm4b:s4+s16], $0x80, s8, s16, $0x2000b8;
	[tilespmem:$0x1C900] =	vst v63  }
0x70: {  	_ =	swait.ge [sflag:s28], $0x2000  }
0x71: {  	[sflag:s28] =	ssyncset.done $0x0  }
0x72: {  	s8 =	sor.u32 $0x880, s7;
	[sflag:s28] =	ssyncadd.s32 $0xFFFFE000  }
0x73: {  	[spmem:s2] =	stream.indirect.scatter.add.f32 [tilespmem:s20], [sflag:$0x7], $0x80, s8, s16, $0x2000b8;
	[tilespmem:$0x1C900] =	vst v63  }
0x74: {  	_ =	swait.ge [sflag:s29], $0x2000  }
0x75: {  	[sflag:s29] =	ssyncset.done $0x0  }
0x76: {  	s7 =	sor.u32 $0x8C0, s7;
	[sflag:s29] =	ssyncadd.s32 $0xFFFFE000  }
0x77: {  	[spmem:s2] =	stream.indirect.scatter.add.f32 [tilespmem:s22], [sflag:$0x8], $0x80, s7, s16, $0x2000b8;
	[tilespmem:$0x1C900] =	vst v63  }
0x78: {  	_ =	swait.ge [sflag:s30], $0x2000  }
0x79: {  	[sflag:s30] =	ssyncset.done $0x0  }
0x7a: {  	s8 =	sor.u32 $0x280, s5;
	[sflag:s30] =	ssyncadd.s32 $0xFFFFE000  }
0x7b: {  	[tilespmem:s20], [sflag:$0x3] =	stream.indirect.gather [hbm4b:s4+s16], $0x80, s8, s16, $0x2000b8;
	[tilespmem:$0x1C900] =	vst v63  }
0x7c: {  	_ =	swait.ge [sflag:s31], $0x2000  }
0x7d: {  	[sflag:s31] =	ssyncset.done $0x0  }
0x7e: {  	s8 =	sor.u32 $0x2C0, s5;
	[sflag:s31] =	ssyncadd.s32 $0xFFFFE000  }
0x7f: {  	[tilespmem:s22], [sflag:$0x4] =	stream.indirect.gather [hbm4b:s4+s16], $0x80, s8, s16, $0x2000b8;
	[tilespmem:$0x1C900] =	vst v63  }
0x80: {  	_ =	swait.ge [sflag:s23], $0x2000  }
0x81: {  	[sflag:s23] =	ssyncset.done $0x0  }
0x82: {  	s8 =	sor.u32 $0xA00, s5;
	[sflag:s23] =	ssyncadd.s32 $0xFFFFE000  }
0x83: {  	[spmem:s2] =	stream.indirect.scatter.add.f32 [tilespmem:s17], [sflag:$0x5], $0x80, s8, s16, $0x2000b8;
	[tilespmem:$0x1C900] =	vst v63  }
0x84: {  	_ =	swait.ge [sflag:s24], $0x2000  }
0x85: {  	[sflag:s24] =	ssyncset.done $0x0  }
0x86: {  	s8 =	sor.u32 $0xA40, s5;
	[sflag:s24] =	ssyncadd.s32 $0xFFFFE000  }
0x87: {  	[spmem:s2] =	stream.indirect.scatter.add.f32 [tilespmem:s18], [sflag:$0x6], $0x80, s8, s16, $0x2000b8;
	[tilespmem:$0x1C900] =	vst v63  }
0x88: {  	_ =	swait.ge [sflag:s25], $0x2000  }
0x89: {  	[sflag:s25] =	ssyncset.done $0x0  }
0x8a: {  	s8 =	sor.u32 $0x300, s5;
	[sflag:s25] =	ssyncadd.s32 $0xFFFFE000  }
0x8b: {  	[tilespmem:s17], [sflag:$0x1] =	stream.indirect.gather [hbm4b:s4+s16], $0x80, s8, s16, $0x2000b8;
	[tilespmem:$0x1C900] =	vst v63  }
0x8c: {  	_ =	swait.ge [sflag:s26], $0x2000  }
0x8d: {  	[sflag:s26] =	ssyncset.done $0x0  }
0x8e: {  	s8 =	sor.u32 $0x340, s5;
	[sflag:s26] =	ssyncadd.s32 $0xFFFFE000  }
0x8f: {  	[tilespmem:s18], [sflag:$0x2] =	stream.indirect.gather [hbm4b:s4+s16], $0x80, s8, s16, $0x2000b8;
	[tilespmem:$0x1C900] =	vst v63  }
0x90: {  	_ =	swait.ge [sflag:s28], $0x2000  }
0x91: {  	[sflag:s28] =	ssyncset.done $0x0  }
0x92: {  	s8 =	sor.u32 $0xA80, s5;
	[sflag:s28] =	ssyncadd.s32 $0xFFFFE000  }
0x93: {  	[spmem:s2] =	stream.indirect.scatter.add.f32 [tilespmem:s20], [sflag:$0x7], $0x80, s8, s16, $0x2000b8;
	[tilespmem:$0x1C900] =	vst v63  }
0x94: {  	_ =	swait.ge [sflag:s29], $0x2000  }
0x95: {  	[sflag:s29] =	ssyncset.done $0x0  }
0x96: {  	s8 =	sor.u32 $0xAC0, s5;
	[sflag:s29] =	ssyncadd.s32 $0xFFFFE000  }
0x97: {  	[spmem:s2] =	stream.indirect.scatter.add.f32 [tilespmem:s22], [sflag:$0x8], $0x80, s8, s16, $0x2000b8;
	[tilespmem:$0x1C900] =	vst v63  }
0x98: {  	_ =	swait.ge [sflag:s30], $0x2000  }
0x99: {  	[sflag:s30] =	ssyncset.done $0x0  }
0x9a: {  	s8 =	sor.u32 $0x380, s5;
	[sflag:s30] =	ssyncadd.s32 $0xFFFFE000  }
0x9b: {  	[tilespmem:s20], [sflag:$0x3] =	stream.indirect.gather [hbm4b:s4+s16], $0x80, s8, s16, $0x2000b8;
	[tilespmem:$0x1C900] =	vst v63  }
0x9c: {  	_ =	swait.ge [sflag:s31], $0x2000  }
0x9d: {  	[sflag:s31] =	ssyncset.done $0x0  }
0x9e: {  	s7 =	simm.s32 @!p0 $0x9;
	s8 =	sor.u32 $0x3C0, s5;
	[sflag:s31] =	ssyncadd.s32 $0xFFFFE000  }
0x9f: {  	[tilespmem:s22], [sflag:$0x4] =	stream.indirect.gather [hbm4b:s4+s16], $0x80, s8, s16, $0x2000b8;
	[tilespmem:$0x1C900] =	vst v63  }
0xa0: {  	_ =	swait.ge @!p0 [sflag:s7], $0x400  }
0xa1: {  	[sflag:s7] =	ssyncset.done @!p0 $0x0  }
0xa2: {  	[sflag:s7] =	ssyncadd.s32 @!p0 $0xFFFFFC00  }
0xa3: {  	_ =	swait.ge @!p0 [sflag:s7], $0x400  }
0xa4: {  	[sflag:s7] =	ssyncset.done @!p0 $0x0  }
0xa5: {  	[sflag:s7] =	ssyncadd.s32 @!p0 $0xFFFFFC00  }
0xa6: {  	_ =	swait.ge [sflag:s23], $0x2000  }
0xa7: {  	[sflag:s23] =	ssyncset.done $0x0  }
0xa8: {  	s8 =	sadd.s32 $0xB00, s5;
	[sflag:s23] =	ssyncadd.s32 $0xFFFFE000  }
0xa9: {  	[spmem:s2] =	stream.indirect.scatter.add.f32 [tilespmem:s17], [sflag:$0x5], $0x80, s8, s16, $0x2000b8;
	[tilespmem:$0x1C900] =	vst v63  }
0xaa: {  	_ =	swait.ge [sflag:s24], $0x2000  }
0xab: {  	[sflag:s24] =	ssyncset.done $0x0  }
0xac: {  	s8 =	sadd.s32 $0xB40, s5;
	[sflag:s24] =	ssyncadd.s32 $0xFFFFE000  }
0xad: {  	[spmem:s2] =	stream.indirect.scatter.add.f32 [tilespmem:s18], [sflag:$0x6], $0x80, s8, s16, $0x2000b8;
	[tilespmem:$0x1C900] =	vst v63  }
0xae: {  	p0 =	sne.s32 s1, $0xA300;
	_ =	swait.ge [sflag:s25], $0x2000  }
0xaf: {  	s6 =	sxor.u32 @p0 $0x1000, s6;
	s7 =	simm.s32 @p0 $0x40;
	[sflag:s25] =	ssyncset.done $0x0  }
0xb0: {  	s6 =	sshrl.u32 @p0 s6, $0x2;
	s8 =	simm.s32 @p0 $0x1000;
	[sflag:s25] =	ssyncadd.s32 $0xFFFFE000  }
0xb1: {  	[tilespmem:s8], [sflag:$0x1] =	stream.indirect.gather @p0 [hbm4b:s4+s7], $0x80, s6, s7, $0x2000b8;
	[tilespmem:$0x1C900] =	vst v63  }
0xb2: {  	s6 =	simm.s32 @p0 $0x6  }
0xb3: {  	s8 =	sadd.s32 @p0 $0xFFFFFE00, s1;
	_ =	swait.ge @p0 [sflag:s6], $0x2000  }
0xb4: {  	s8 =	sand.u32 @p0 $0x1100, s8;
	[sflag:s6] =	ssyncset.done @p0 $0x0  }
0xb5: {  	[sflag:s6] =	ssyncadd.s32 @p0 $0xFFFFE000;
	s6 =	sshrl.u32 @p0 s8, $0x2;
	s8 =	simm.s32 @p0 $0x3000  }
0xb6: {  	[tilespmem:s8], [sflag:$0x2] =	stream.indirect.gather @p0 [hbm4b:s4+s7], $0x80, s6, s7, $0x2000b8;
	[tilespmem:$0x1C900] =	vst v63  }
0xb7: {  	s6 =	simm.s32 @!p0 $0x6  }
0xb8: {  	_ =	swait.ge @!p0 [sflag:s6], $0x2000  }
0xb9: {  	[sflag:s6] =	ssyncset.done @!p0 $0x0  }
0xba: {  	[sflag:s6] =	ssyncadd.s32 @!p0 $0xFFFFE000  }
0xbb: {  	_ =	swait.ge [sflag:s28], $0x2000  }
0xbc: {  	[sflag:s28] =	ssyncset.done $0x0  }
0xbd: {  	s8 =	sadd.s32 $0xB80, s5;
	[sflag:s28] =	ssyncadd.s32 $0xFFFFE000  }
0xbe: {  	[spmem:s2] =	stream.indirect.scatter.add.f32 [tilespmem:s20], [sflag:$0x7], $0x80, s8, s16, $0x2000b8;
	[tilespmem:$0x1C900] =	vst v63  }
0xbf: {  	_ =	swait.ge [sflag:s29], $0x2000  }
0xc0: {  	[sflag:s29] =	ssyncset.done $0x0  }
.Ltmp2:
0xc1: {  	s5 =	sadd.s32 $0xBC0, s5;
	[sflag:s29] =	ssyncadd.s32 $0xFFFFE000;
	(pc) =	sbr.rel @!p0 .LBB2_3-.Ltmp2, $4  }
0xc2: {  	[spmem:s2] =	stream.indirect.scatter.add.f32 [tilespmem:s22], [sflag:$0x8], $0x80, s5, s16, $0x2000b8;
	[tilespmem:$0x1C900] =	vst v63  }
0xc3: {  	_ =	swait.ge [sflag:s30], $0x2000  }
0xc4: {  	[sflag:s30] =	ssyncset.done $0x0  }
0xc5: {  	[sflag:s30] =	ssyncadd.s32 $0xFFFFE000  }
0xc6: {  	s5 =	sadd.s32 $0xFFFFFF00, s1  }
0xc7: {  	s8 =	sand.u32 $0x1300, s1;
	s1 =	sadd.s32 $0x1000, s1;
	s5 =	sand.u32 $0x1200, s5  }
0xc8: {  	p0 =	sne.s32 s1, $0xB300;
	s5 =	sshrl.u32 s5, $0x2  }
0xc9: {  	[tilespmem:s20], [sflag:$0x3] =	stream.indirect.gather [hbm4b:s4+s16], $0x80, s5, s16, $0x2000b8;
	[tilespmem:$0x1C900] =	vst v63  }
.Ltmp3:
0xca: {  	_ = 	snop;
	(pc) =	sbr.rel @p0 .LBB2_2-.Ltmp3, $4  }
.Ltmp4:
0xcb: {  	_ =	swait.ge [sflag:s31], $0x2000;
	(pc) =	sbr.rel @!p0 .LBB2_5-.Ltmp4, $4  }
0xcc: {  	s10 =	sadd.s32 $0x80, s10;
	s11 =	sadd.s32 $0x80, s11;
	[sflag:s31] =	ssyncset.done $0x0  }
0xcd: {  	s15 =	sadd.s32 $0x400, s15;
	s5 =	sshrl.u32 s8, $0x2;
	[sflag:s31] =	ssyncadd.s32 $0xFFFFE000  }
0xce: {  	[tilespmem:s22], [sflag:$0x4] =	stream.indirect.gather [hbm4b:s4+s16], $0x80, s5, s16, $0x2000b8;
	[tilespmem:$0x1C900] =	vst v63  }
0xcf: {  	_ = 	snop  }
.LBB2_6:
0xd0: {  	_ =	sfence.sel $0x180000  }
0xd1: {  	[bflag:$0x0] =	sbarrier.arrive $0xFFFF  }
0xd2: {  	_ =	strace $0x9000004D  }
0xd3: {  	s0 =	stileid.u32;
	[bflag:$0x2] =	sbarrier.arrive $0xFFFF  }
0xd4: {  	p0 =	sne.s32 s0, $0x0;
	s0 =	rddreg [dreg:$0x3]  }
0xd5: {  	s0 =	sadd.s32 @!p0 $0x100000, s0  }
0xd6: {  	[sflag:s0] =	ssyncadd.tile.s32 @!p0 $0x1;
	_ =	shalt  }
.Lfunc_end2:
_tile_overlayer_lowered:
.L_overlay_start_2:
0xd7: {  	(tag) =	ssettag $0x2  }
0xd8: {  	s0 =	rddreg [dreg:$0x0];
	s2 =	stileid.u32  }
0xd9: {  	s1 =	rddreg [dreg:$0x1];
	p0 =	sne.s32 s2, $0x0  }
0xda: {  	s3 =	rddreg [dreg:$0x2];
	[bflag:$0x3] =	sbarrier.arrive $0xFFFF;
	s2 =	simm.s32 @!p0 $0x1C0A  }
0xdb: {  	[timem:s3], [sflag:s2] =	dma.local @!p0 [hbm:s0], s1  }
0xdc: {  	s0 =	simm.s32 @!p0 $0xA  }
0xdd: {  	_ =	swait.ge @!p0 [sflag:s0], s1  }
0xde: {  	s1 =	ssub.s32 @!p0 $0x0, s1;
	[sflag:s0] =	ssyncset.done @!p0 $0x0  }
0xdf: {  	[sflag:s0] =	ssyncadd.s32 @!p0 s1  }
0xe0: {  	[bflag:$0x3] =	sbarrier.arrive $0xFFFF  }
0xe1: {  	_ =	shalt  }

</sc_bundles>
